<compile_context>
chip_gen: v7x
topology: tpu7x:2x2x1
jax: 0.10.2.dev20260603
libtpu: 0.0.44.dev20260713+nightly
codegen_flags: <defaults>
</compile_context>

<pallas_src>
import jax
import jax.numpy as jnp
from jax.experimental import pallas as pl
from jax.experimental.pallas import tpu as pltpu
from jax.experimental.pallas import tpu_sc as plsc

_NUM_SEG = 8
_EXTENT = 64
_FEAT = _NUM_SEG * _EXTENT
_BB = 4096
_SC_ROWS = 16
_SC_LANES = 16


def _sc_conv(x0, x1, rows=None):
    mesh = plsc.VectorSubcoreMesh(core_axis_name="c", subcore_axis_name="s")
    if rows is None:
        rows = x0.shape[0]

    @pl.kernel(out_type=jax.ShapeDtypeStruct(x0.shape, x0.dtype), mesh=mesh)
    def sc_kernel(x0_hbm, x1_hbm, o_hbm):
        def body(a_ref, b_ref, o_ref):
            @pl.loop(0, _SC_ROWS)
            def _(r):
                row = pl.ds(r, 1)
                for c in range(_EXTENT // _SC_LANES):
                    off = c * _SC_LANES
                    a = [a_ref.at[row, pl.ds(i * _EXTENT + off, _SC_LANES)][...]
                         for i in range(_NUM_SEG)]
                    b = [b_ref.at[row, pl.ds(j * _EXTENT + off, _SC_LANES)][...]
                         for j in range(_NUM_SEG)]
                    for k in range(_NUM_SEG):
                        acc = a[0] * b[k]
                        for i in range(1, _NUM_SEG):
                            acc = acc + a[i] * b[(k - i) % _NUM_SEG]
                        o_ref.at[row, pl.ds(k * _EXTENT + off, _SC_LANES)][...] = acc

        pltpu.emit_pipeline(
            body,
            grid=(rows // _SC_ROWS,),
            in_specs=[
                pl.BlockSpec((_SC_ROWS, _FEAT), lambda i: (i, 0)),
                pl.BlockSpec((_SC_ROWS, _FEAT), lambda i: (i, 0)),
            ],
            out_specs=[pl.BlockSpec((_SC_ROWS, _FEAT), lambda i: (i, 0))],
            core_axis_name=("c", "s"),
            dimension_semantics=(pltpu.PARALLEL,),
        )(x0_hbm, x1_hbm, o_hbm)

    return sc_kernel(x0, x1)


def _conv_kernel(x0_ref, x1_ref, o_ref):
    x0 = x0_ref[...].astype(jnp.bfloat16)
    x1 = x1_ref[...].astype(jnp.bfloat16)
    x1r = jnp.roll(x1, _EXTENT, axis=1)
    acc = None
    for i in range(_NUM_SEG):
        seg = x0[:, i * _EXTENT:(i + 1) * _EXTENT]
        tiled = jnp.concatenate([seg] * _NUM_SEG, axis=1)
        base = x1 if i % 2 == 0 else x1r
        shift = (i // 2) * 2 * _EXTENT
        rolled = jnp.roll(base, shift, axis=1) if shift else base
        term = tiled * rolled
        acc = term if acc is None else acc + term
    o_ref[...] = acc.astype(jnp.float32)


def _tc_conv_into(in0, in1, partial_out, row_start):
    B = in0.shape[0] - row_start
    blk0 = row_start // _TC_BB

    def body(x0_ref, x1_ref, _, o_ref):
        _conv_kernel(x0_ref, x1_ref, o_ref)

    return pl.pallas_call(
        body,
        grid=(B // _TC_BB,),
        in_specs=[
            pl.BlockSpec((_TC_BB, _FEAT), lambda i: (i + blk0, 0)),
            pl.BlockSpec((_TC_BB, _FEAT), lambda i: (i + blk0, 0)),
            pl.BlockSpec(memory_space=pl.ANY),
        ],
        out_specs=pl.BlockSpec((_TC_BB, _FEAT), lambda i: (i + blk0, 0)),
        out_shape=jax.ShapeDtypeStruct(partial_out.shape, jnp.float32),
        input_output_aliases={2: 0},
        compiler_params=pltpu.CompilerParams(vmem_limit_bytes=64 * 1024 * 1024),
    )(in0, in1, partial_out)


_SC_SHARE = 1024
_TC_BB = 1024


def kernel(in0, in1):
    sc_out = _sc_conv(in0, in1, rows=_SC_SHARE)
    return _tc_conv_into(in0, in1, sc_out, _SC_SHARE)

# --- scband reference (transcript-rebuilt; emitter-appended) ---
"""Pipeline reference for scband-tensor-product-uniform1d-jit-67568425501376 (READ-ONLY COPY).

The authoritative reference and input builder live on the scoring server;
editing this copy changes nothing except your own understanding.
"""

import jax, jax.numpy as jnp
import numpy as np

EXTENT = 64
NUM_SEG = 8
BATCH = 16384
PATHS = np.array([[i, j, (i + j) % NUM_SEG] for i in range(NUM_SEG) for j in range(NUM_SEG)], dtype=np.int32)
COEFFS = np.ones((PATHS.shape[0],), dtype=np.float32)


def setup_inputs(seed: int = 0) -> dict:
    key = jax.random.key(seed)
    k0, k1 = jax.random.split(key)
    in0 = jax.random.normal(k0, (BATCH, NUM_SEG * EXTENT), dtype=jnp.float32)
    in1 = jax.random.normal(k1, (BATCH, NUM_SEG * EXTENT), dtype=jnp.float32)
    return {"in0": in0, "in1": in1}


def reference(in0, in1):
    # Faithful translation of TensorProductUniform1dJit forward for a
    # 3-operand (in0, in1 -> out) uniform-1d segmented tensor product.
    # For each path (i0, i1, i2) with coefficient c:
    #   out_segment[i2] += c * in0_segment[i0] * in1_segment[i1]
    B = in0.shape[0]
    x0 = in0.astype(jnp.float32).reshape(B, NUM_SEG, EXTENT)
    x1 = in1.astype(jnp.float32).reshape(B, NUM_SEG, EXTENT)
    idx0 = jnp.asarray(PATHS[:, 0])
    idx1 = jnp.asarray(PATHS[:, 1])
    idx2 = jnp.asarray(PATHS[:, 2])
    coeffs = jnp.asarray(COEFFS)
    # gather per-path input segments: [B, P, EXTENT]
    prod = x0[:, idx0, :] * x1[:, idx1, :] * coeffs[None, :, None]
    # segment-reduce over paths into output segments
    prod = jnp.transpose(prod, (1, 0, 2))  # [P, B, EXTENT]
    out = jax.ops.segment_sum(prod, idx2, num_segments=NUM_SEG)  # [NUM_SEG, B, EXTENT]
    out = jnp.transpose(out, (1, 0, 2)).reshape(B, NUM_SEG * EXTENT)
    return out

if __name__ == "__main__":
    import jax
    _d = setup_inputs()
    print(jax.jit(kernel)(*tuple(_d.values())))

</pallas_src>

<mosaic_0001>
#map = affine_map<(d0, d1) -> (0, 0)>
module attributes {stable_mosaic.version = 14 : i64} {
  func.func @sc_kernel(%arg0: i32, %arg1: i32, %arg2: memref<16384x512xf32, #tpu.memory_space<hbm>>, %arg3: memref<16384x512xf32, #tpu.memory_space<hbm>>, %arg4: memref<16384x512xf32, #tpu.memory_space<hbm>>) attributes {dimension_semantics = [#tpu.dimension_semantics<core_parallel>, #tpu.dimension_semantics<subcore_parallel>], iteration_bounds = array<i64: 2, 16>, scalar_prefetch = 0 : i64, scratch_operands = 0 : i64, tpu.core_type = #tpu.core_type<sc_vector_subcore>, window_params = [{transform_indices = #map}, {transform_indices = #map}, {transform_indices = #map}]} {
    %mul3A = arith.constant 1 : i32
    %mul3A_0 = arith.muli %arg1, %mul3A : i32
    %add3A = arith.constant 0 : i32
    %add3A_1 = arith.addi %add3A, %mul3A_0 : i32
    %mul3A_2 = arith.constant 16 : i32
    %mul3A_3 = arith.muli %arg0, %mul3A_2 : i32
    %add3A_4 = arith.addi %add3A_1, %mul3A_3 : i32
    %mul3A_5 = arith.constant 2 : i32
    %mul3A_6 = arith.muli %add3A_4, %mul3A_5 : i32
    "tpu.region"() ({
      %run_scoped3A = memref.alloca() : memref<2x16x512xf32, #tpu.memory_space<vmem>>
      %run_scoped3A_7 = tpu.sem_alloc : memref<2x!tpu.dma_semaphore, #tpu.memory_space<semaphore_mem>>
      %run_scoped3A_8 = memref.alloca() : memref<2x16x512xf32, #tpu.memory_space<vmem>>
      %run_scoped3A_9 = tpu.sem_alloc : memref<2x!tpu.dma_semaphore, #tpu.memory_space<semaphore_mem>>
      %run_scoped3A_10 = memref.alloca() : memref<2x16x512xf32, #tpu.memory_space<vmem>>
      %run_scoped3A_11 = tpu.sem_alloc : memref<2x!tpu.dma_semaphore, #tpu.memory_space<semaphore_mem>>
      %add3A_12 = arith.constant 0 : i32
      %add3A_13 = arith.addi %add3A_12, %mul3A_6 : i32
      %select_n3A = arith.constant true
      %select_n3A_14 = arith.constant 0 : i32
      %select_n3A_15 = arith.constant -1 : i32
      %select_n3A_16 = arith.select %select_n3A, %select_n3A_15, %select_n3A_14 : i32
      %eq3A = arith.constant -1 : i32
      %eq3A_17 = arith.cmpi eq, %select_n3A_16, %eq3A : i32
      %select_n3A_18 = arith.constant 1 : i32
      %select_n3A_19 = arith.select %eq3A_17, %select_n3A_18, %select_n3A_16 : i32
      %add3A_20 = arith.addi %select_n3A_19, %mul3A_6 : i32
      %select_n3A_21 = arith.constant true
      %select_n3A_22 = arith.constant 0 : i32
      %select_n3A_23 = arith.constant 1 : i32
      %select_n3A_24 = arith.select %select_n3A_21, %select_n3A_23, %select_n3A_22 : i32
      %eq3A_25 = arith.constant 2 : i32
      %eq3A_26 = arith.cmpi eq, %select_n3A_24, %eq3A_25 : i32
      %select_n3A_27 = arith.constant 0 : i32
      %select_n3A_28 = arith.select %eq3A_26, %select_n3A_27, %select_n3A_24 : i32
      %add3A_29 = arith.addi %select_n3A_28, %mul3A_6 : i32
      %add3A_30 = arith.constant 1 : i32
      %add3A_31 = arith.addi %select_n3A_28, %add3A_30 : i32
      %select_n3A_32 = arith.constant true
      %select_n3A_33 = arith.select %select_n3A_32, %add3A_31, %select_n3A_28 : i32
      %eq3A_34 = arith.constant 2 : i32
      %eq3A_35 = arith.cmpi eq, %select_n3A_33, %eq3A_34 : i32
      %select_n3A_36 = arith.constant 0 : i32
      %select_n3A_37 = arith.select %eq3A_35, %select_n3A_36, %select_n3A_33 : i32
      %add3A_38 = arith.addi %select_n3A_37, %mul3A_6 : i32
      "tpu.trace_start"() <{level = 10 : i32, message = "ep_initialize_0"}> : () -> ()
      %rem3A = arith.constant 0 : i32
      %rem3A_39 = arith.constant 2 : i32
      %rem3A_40 = arith.remui %rem3A, %rem3A_39 : i32
      %mul3A_41 = arith.constant 16 : i32
      %mul3A_42 = arith.muli %mul3A_41, %add3A_13 : i32
      %dma_start3A = arith.constant 0 : i32
      %dma_start3A_43 = arith.constant 0 : i32
      %dma_start3A_44 = tpu.memref_slice %run_scoped3A[%rem3A_40, %dma_start3A, %dma_start3A_43] : memref<2x16x512xf32, #tpu.memory_space<vmem>> -> memref<1x16x512xf32, #tpu.memory_space<vmem>>
      %dma_start3A_45 = tpu.memref_squeeze %dma_start3A_44 : memref<1x16x512xf32, #tpu.memory_space<vmem>> -> memref<16x512xf32, #tpu.memory_space<vmem>>
      %dma_start3A_46 = arith.constant 0 : i32
      %dma_start3A_47 = tpu.memref_slice %arg2[%mul3A_42, %dma_start3A_46] : memref<16384x512xf32, #tpu.memory_space<hbm>> -> memref<16x512xf32, #tpu.memory_space<hbm>>
      %dma_start3A_48 = tpu.memref_slice %run_scoped3A_7[%rem3A_40] : memref<2x!tpu.dma_semaphore, #tpu.memory_space<semaphore_mem>> -> memref<1x!tpu.dma_semaphore, #tpu.memory_space<semaphore_mem>>
      %dma_start3A_49 = tpu.memref_squeeze %dma_start3A_48 : memref<1x!tpu.dma_semaphore, #tpu.memory_space<semaphore_mem>> -> memref<!tpu.dma_semaphore, #tpu.memory_space<semaphore_mem>>
      %dma_start3A_50 = arith.constant 0 : i32
      %dma_start3A_51 = arith.constant 0 : i32
      %dma_start3A_52 = tpu.memref_slice %run_scoped3A[%rem3A_40, %dma_start3A_50, %dma_start3A_51] : memref<2x16x512xf32, #tpu.memory_space<vmem>> -> memref<1x16x512xf32, #tpu.memory_space<vmem>>
      %dma_start3A_53 = tpu.memref_squeeze %dma_start3A_52 : memref<1x16x512xf32, #tpu.memory_space<vmem>> -> memref<16x512xf32, #tpu.memory_space<vmem>>
      %dma_start3A_54 = arith.constant 0 : i32
      %dma_start3A_55 = tpu.memref_slice %arg2[%mul3A_42, %dma_start3A_54] : memref<16384x512xf32, #tpu.memory_space<hbm>> -> memref<16x512xf32, #tpu.memory_space<hbm>>
      tpu.enqueue_dma source(%dma_start3A_55 : memref<16x512xf32, #tpu.memory_space<hbm>>) target(%dma_start3A_53 : memref<16x512xf32, #tpu.memory_space<vmem>>) target_semaphore(%dma_start3A_49 : memref<!tpu.dma_semaphore, #tpu.memory_space<semaphore_mem>>)
      %add3A_56 = arith.constant 0 : i32
      %add3A_57 = arith.constant 1 : i32
      %add3A_58 = arith.addi %add3A_56, %add3A_57 : i32
      %select_n3A_59 = arith.constant true
      %select_n3A_60 = arith.constant 0 : i32
      %select_n3A_61 = arith.select %select_n3A_59, %add3A_58, %select_n3A_60 : i32
      %rem3A_62 = arith.constant 0 : i32
      %rem3A_63 = arith.constant 2 : i32
      %rem3A_64 = arith.remui %rem3A_62, %rem3A_63 : i32
      %mul3A_65 = arith.constant 16 : i32
      %mul3A_66 = arith.muli %mul3A_65, %add3A_13 : i32
      %dma_start3A_67 = arith.constant 0 : i32
      %dma_start3A_68 = arith.constant 0 : i32
      %dma_start3A_69 = tpu.memref_slice %run_scoped3A_8[%rem3A_64, %dma_start3A_67, %dma_start3A_68] : memref<2x16x512xf32, #tpu.memory_space<vmem>> -> memref<1x16x512xf32, #tpu.memory_space<vmem>>
      %dma_start3A_70 = tpu.memref_squeeze %dma_start3A_69 : memref<1x16x512xf32, #tpu.memory_space<vmem>> -> memref<16x512xf32, #tpu.memory_space<vmem>>
      %dma_start3A_71 = arith.constant 0 : i32
      %dma_start3A_72 = tpu.memref_slice %arg3[%mul3A_66, %dma_start3A_71] : memref<16384x512xf32, #tpu.memory_space<hbm>> -> memref<16x512xf32, #tpu.memory_space<hbm>>
      %dma_start3A_73 = tpu.memref_slice %run_scoped3A_9[%rem3A_64] : memref<2x!tpu.dma_semaphore, #tpu.memory_space<semaphore_mem>> -> memref<1x!tpu.dma_semaphore, #tpu.memory_space<semaphore_mem>>
      %dma_start3A_74 = tpu.memref_squeeze %dma_start3A_73 : memref<1x!tpu.dma_semaphore, #tpu.memory_space<semaphore_mem>> -> memref<!tpu.dma_semaphore, #tpu.memory_space<semaphore_mem>>
      %dma_start3A_75 = arith.constant 0 : i32
      %dma_start3A_76 = arith.constant 0 : i32
      %dma_start3A_77 = tpu.memref_slice %run_scoped3A_8[%rem3A_64, %dma_start3A_75, %dma_start3A_76] : memref<2x16x512xf32, #tpu.memory_space<vmem>> -> memref<1x16x512xf32, #tpu.memory_space<vmem>>
      %dma_start3A_78 = tpu.memref_squeeze %dma_start3A_77 : memref<1x16x512xf32, #tpu.memory_space<vmem>> -> memref<16x512xf32, #tpu.memory_space<vmem>>
      %dma_start3A_79 = arith.constant 0 : i32
      %dma_start3A_80 = tpu.memref_slice %arg3[%mul3A_66, %dma_start3A_79] : memref<16384x512xf32, #tpu.memory_space<hbm>> -> memref<16x512xf32, #tpu.memory_space<hbm>>
      tpu.enqueue_dma source(%dma_start3A_80 : memref<16x512xf32, #tpu.memory_space<hbm>>) target(%dma_start3A_78 : memref<16x512xf32, #tpu.memory_space<vmem>>) target_semaphore(%dma_start3A_74 : memref<!tpu.dma_semaphore, #tpu.memory_space<semaphore_mem>>)
      %add3A_81 = arith.constant 0 : i32
      %add3A_82 = arith.constant 1 : i32
      %add3A_83 = arith.addi %add3A_81, %add3A_82 : i32
      %select_n3A_84 = arith.constant true
      %select_n3A_85 = arith.constant 0 : i32
      %select_n3A_86 = arith.select %select_n3A_84, %add3A_83, %select_n3A_85 : i32
      "tpu.trace_stop"() : () -> ()
      %scan3A = arith.constant 0 : i32
      %scan3A_87 = arith.constant 0 : i32
      %scan3A_88 = arith.constant 0 : i32
      %scan3A_89 = arith.constant 0 : i32
      %scan3A_90 = arith.constant 0 : i32
      %scan3A_91 = arith.constant 0 : i32
      %scan3A_92 = arith.constant 2 : i32
      %scan3A_93 = arith.addi %scan3A_91, %scan3A_92 : i32
      %scan3A_94 = arith.constant 1 : i32
      %scan3A_95:7 = scf.for %scan3A_149 = %scan3A_91 to %scan3A_93 step %scan3A_94 iter_args(%scan3A_150 = %select_n3A_61, %scan3A_151 = %scan3A, %scan3A_152 = %select_n3A_86, %scan3A_153 = %scan3A_87, %scan3A_154 = %scan3A_88, %scan3A_155 = %scan3A_89, %scan3A_156 = %scan3A_90) -> (i32, i32, i32, i32, i32, i32, i32)  : i32 {
        %eq3A_157 = arith.constant 0 : i32
        %eq3A_158 = arith.cmpi eq, %scan3A_149, %eq3A_157 : i32
        %eq3A_159 = arith.constant 1 : i32
        %eq3A_160 = arith.cmpi eq, %scan3A_149, %eq3A_159 : i32
        %add3A_161 = arith.addi %scan3A_156, %mul3A_6 : i32
        %sub3A_162 = arith.constant 1 : i32
        %sub3A_163 = arith.subi %scan3A_156, %sub3A_162 : i32
        %select_n3A_164 = arith.constant true
        %select_n3A_165 = arith.select %select_n3A_164, %sub3A_163, %scan3A_156 : i32
        %eq3A_166 = arith.constant -1 : i32
        %eq3A_167 = arith.cmpi eq, %select_n3A_165, %eq3A_166 : i32
        %select_n3A_168 = arith.constant 1 : i32
        %select_n3A_169 = arith.select %eq3A_167, %select_n3A_168, %select_n3A_165 : i32
        %add3A_170 = arith.addi %select_n3A_169, %mul3A_6 : i32
        %add3A_171 = arith.constant 1 : i32
        %add3A_172 = arith.addi %scan3A_156, %add3A_171 : i32
        %select_n3A_173 = arith.constant true
        %select_n3A_174 = arith.select %select_n3A_173, %add3A_172, %scan3A_156 : i32
        %eq3A_175 = arith.constant 2 : i32
        %eq3A_176 = arith.cmpi eq, %select_n3A_174, %eq3A_175 : i32
        %select_n3A_177 = arith.constant 0 : i32
        %select_n3A_178 = arith.select %eq3A_176, %select_n3A_177, %select_n3A_174 : i32
        %add3A_179 = arith.addi %select_n3A_178, %mul3A_6 : i32
        %add3A_180 = arith.constant 1 : i32
        %add3A_181 = arith.addi %select_n3A_178, %add3A_180 : i32
        %select_n3A_182 = arith.constant true
        %select_n3A_183 = arith.select %select_n3A_182, %add3A_181, %select_n3A_178 : i32
        %eq3A_184 = arith.constant 2 : i32
        %eq3A_185 = arith.cmpi eq, %select_n3A_183, %eq3A_184 : i32
        %select_n3A_186 = arith.constant 0 : i32
        %select_n3A_187 = arith.select %eq3A_185, %select_n3A_186, %select_n3A_183 : i32
        %add3A_188 = arith.addi %select_n3A_187, %mul3A_6 : i32
        %ne3A = arith.cmpi ne, %add3A_161, %add3A_179 : i32
        %or3A = arith.constant false
        %or3A_189 = arith.ori %or3A, %ne3A : i1
        %or3A_190 = arith.constant false
        %or3A_191 = arith.ori %or3A_189, %or3A_190 : i1
        %ge3A = arith.constant 1 : i32
        %ge3A_192 = arith.cmpi sge, %scan3A_149, %ge3A : i32
        %not3A = arith.constant true
        %not3A_193 = arith.xori %ge3A_192, %not3A : i1
        %and3A = arith.andi %or3A_191, %not3A_193 : i1
        %convert_element_type3A = arith.extui %and3A : i1 to i32
        %cond3A = arith.constant 0 : i32
        %cond3A_194 = arith.cmpi ne, %convert_element_type3A, %cond3A : i32
        scf.if %cond3A_194 {
          "tpu.trace_start"() <{level = 10 : i32, message = "ep_copy_in"}> : () -> ()
          %rem3A_370 = arith.constant 2 : i32
          %rem3A_371 = arith.remui %scan3A_150, %rem3A_370 : i32
          %mul3A_372 = arith.constant 16 : i32
          %mul3A_373 = arith.muli %mul3A_372, %add3A_179 : i32
          %dma_start3A_374 = arith.constant 0 : i32
          %dma_start3A_375 = arith.constant 0 : i32
          %dma_start3A_376 = tpu.memref_slice %run_scoped3A[%rem3A_371, %dma_start3A_374, %dma_start3A_375] : memref<2x16x512xf32, #tpu.memory_space<vmem>> -> memref<1x16x512xf32, #tpu.memory_space<vmem>>
          %dma_start3A_377 = tpu.memref_squeeze %dma_start3A_376 : memref<1x16x512xf32, #tpu.memory_space<vmem>> -> memref<16x512xf32, #tpu.memory_space<vmem>>
          %dma_start3A_378 = arith.constant 0 : i32
          %dma_start3A_379 = tpu.memref_slice %arg2[%mul3A_373, %dma_start3A_378] : memref<16384x512xf32, #tpu.memory_space<hbm>> -> memref<16x512xf32, #tpu.memory_space<hbm>>
          %dma_start3A_380 = tpu.memref_slice %run_scoped3A_7[%rem3A_371] : memref<2x!tpu.dma_semaphore, #tpu.memory_space<semaphore_mem>> -> memref<1x!tpu.dma_semaphore, #tpu.memory_space<semaphore_mem>>
          %dma_start3A_381 = tpu.memref_squeeze %dma_start3A_380 : memref<1x!tpu.dma_semaphore, #tpu.memory_space<semaphore_mem>> -> memref<!tpu.dma_semaphore, #tpu.memory_space<semaphore_mem>>
          %dma_start3A_382 = arith.constant 0 : i32
          %dma_start3A_383 = arith.constant 0 : i32
          %dma_start3A_384 = tpu.memref_slice %run_scoped3A[%rem3A_371, %dma_start3A_382, %dma_start3A_383] : memref<2x16x512xf32, #tpu.memory_space<vmem>> -> memref<1x16x512xf32, #tpu.memory_space<vmem>>
          %dma_start3A_385 = tpu.memref_squeeze %dma_start3A_384 : memref<1x16x512xf32, #tpu.memory_space<vmem>> -> memref<16x512xf32, #tpu.memory_space<vmem>>
          %dma_start3A_386 = arith.constant 0 : i32
          %dma_start3A_387 = tpu.memref_slice %arg2[%mul3A_373, %dma_start3A_386] : memref<16384x512xf32, #tpu.memory_space<hbm>> -> memref<16x512xf32, #tpu.memory_space<hbm>>
          tpu.enqueue_dma source(%dma_start3A_387 : memref<16x512xf32, #tpu.memory_space<hbm>>) target(%dma_start3A_385 : memref<16x512xf32, #tpu.memory_space<vmem>>) target_semaphore(%dma_start3A_381 : memref<!tpu.dma_semaphore, #tpu.memory_space<semaphore_mem>>)
          "tpu.trace_stop"() : () -> ()
        } else {
        }
        %and3A_195 = arith.constant true
        %and3A_196 = arith.andi %and3A, %and3A_195 : i1
        %add3A_197 = arith.constant 1 : i32
        %add3A_198 = arith.addi %scan3A_150, %add3A_197 : i32
        %select_n3A_199 = arith.select %and3A_196, %add3A_198, %scan3A_150 : i32
        %ne3A_200 = arith.cmpi ne, %add3A_161, %add3A_179 : i32
        %or3A_201 = arith.constant false
        %or3A_202 = arith.ori %or3A_201, %ne3A_200 : i1
        %or3A_203 = arith.constant false
        %or3A_204 = arith.ori %or3A_202, %or3A_203 : i1
        %ge3A_205 = arith.constant 1 : i32
        %ge3A_206 = arith.cmpi sge, %scan3A_149, %ge3A_205 : i32
        %not3A_207 = arith.constant true
        %not3A_208 = arith.xori %ge3A_206, %not3A_207 : i1
        %and3A_209 = arith.andi %or3A_204, %not3A_208 : i1
        %convert_element_type3A_210 = arith.extui %and3A_209 : i1 to i32
        %cond3A_211 = arith.constant 0 : i32
        %cond3A_212 = arith.cmpi ne, %convert_element_type3A_210, %cond3A_211 : i32
        scf.if %cond3A_212 {
          "tpu.trace_start"() <{level = 10 : i32, message = "ep_copy_in"}> : () -> ()
          %rem3A_370 = arith.constant 2 : i32
          %rem3A_371 = arith.remui %scan3A_152, %rem3A_370 : i32
          %mul3A_372 = arith.constant 16 : i32
          %mul3A_373 = arith.muli %mul3A_372, %add3A_179 : i32
          %dma_start3A_374 = arith.constant 0 : i32
          %dma_start3A_375 = arith.constant 0 : i32
          %dma_start3A_376 = tpu.memref_slice %run_scoped3A_8[%rem3A_371, %dma_start3A_374, %dma_start3A_375] : memref<2x16x512xf32, #tpu.memory_space<vmem>> -> memref<1x16x512xf32, #tpu.memory_space<vmem>>
          %dma_start3A_377 = tpu.memref_squeeze %dma_start3A_376 : memref<1x16x512xf32, #tpu.memory_space<vmem>> -> memref<16x512xf32, #tpu.memory_space<vmem>>
          %dma_start3A_378 = arith.constant 0 : i32
          %dma_start3A_379 = tpu.memref_slice %arg3[%mul3A_373, %dma_start3A_378] : memref<16384x512xf32, #tpu.memory_space<hbm>> -> memref<16x512xf32, #tpu.memory_space<hbm>>
          %dma_start3A_380 = tpu.memref_slice %run_scoped3A_9[%rem3A_371] : memref<2x!tpu.dma_semaphore, #tpu.memory_space<semaphore_mem>> -> memref<1x!tpu.dma_semaphore, #tpu.memory_space<semaphore_mem>>
          %dma_start3A_381 = tpu.memref_squeeze %dma_start3A_380 : memref<1x!tpu.dma_semaphore, #tpu.memory_space<semaphore_mem>> -> memref<!tpu.dma_semaphore, #tpu.memory_space<semaphore_mem>>
          %dma_start3A_382 = arith.constant 0 : i32
          %dma_start3A_383 = arith.constant 0 : i32
          %dma_start3A_384 = tpu.memref_slice %run_scoped3A_8[%rem3A_371, %dma_start3A_382, %dma_start3A_383] : memref<2x16x512xf32, #tpu.memory_space<vmem>> -> memref<1x16x512xf32, #tpu.memory_space<vmem>>
          %dma_start3A_385 = tpu.memref_squeeze %dma_start3A_384 : memref<1x16x512xf32, #tpu.memory_space<vmem>> -> memref<16x512xf32, #tpu.memory_space<vmem>>
          %dma_start3A_386 = arith.constant 0 : i32
          %dma_start3A_387 = tpu.memref_slice %arg3[%mul3A_373, %dma_start3A_386] : memref<16384x512xf32, #tpu.memory_space<hbm>> -> memref<16x512xf32, #tpu.memory_space<hbm>>
          tpu.enqueue_dma source(%dma_start3A_387 : memref<16x512xf32, #tpu.memory_space<hbm>>) target(%dma_start3A_385 : memref<16x512xf32, #tpu.memory_space<vmem>>) target_semaphore(%dma_start3A_381 : memref<!tpu.dma_semaphore, #tpu.memory_space<semaphore_mem>>)
          "tpu.trace_stop"() : () -> ()
        } else {
        }
        %and3A_213 = arith.constant true
        %and3A_214 = arith.andi %and3A_209, %and3A_213 : i1
        %add3A_215 = arith.constant 1 : i32
        %add3A_216 = arith.addi %scan3A_152, %add3A_215 : i32
        %select_n3A_217 = arith.select %and3A_214, %add3A_216, %scan3A_152 : i32
        %ne3A_218 = arith.cmpi ne, %add3A_161, %add3A_179 : i32
        %or3A_219 = arith.constant false
        %or3A_220 = arith.ori %or3A_219, %ne3A_218 : i1
        %or3A_221 = arith.constant false
        %or3A_222 = arith.ori %or3A_220, %or3A_221 : i1
        %ge3A_223 = arith.constant 1 : i32
        %ge3A_224 = arith.cmpi sge, %scan3A_149, %ge3A_223 : i32
        %not3A_225 = arith.constant true
        %not3A_226 = arith.xori %ge3A_224, %not3A_225 : i1
        %and3A_227 = arith.andi %or3A_222, %not3A_226 : i1
        %ne3A_228 = arith.cmpi ne, %add3A_161, %add3A_170 : i32
        %or3A_229 = arith.constant false
        %or3A_230 = arith.ori %or3A_229, %ne3A_228 : i1
        %or3A_231 = arith.constant false
        %or3A_232 = arith.ori %or3A_230, %or3A_231 : i1
        %or3A_233 = arith.ori %or3A_232, %eq3A_158 : i1
        %convert_element_type3A_234 = arith.extui %or3A_233 : i1 to i32
        %cond3A_235 = arith.constant 0 : i32
        %cond3A_236 = arith.cmpi ne, %convert_element_type3A_234, %cond3A_235 : i32
        scf.if %cond3A_236 {
          "tpu.trace_start"() <{level = 10 : i32, message = "ep_wait_in"}> : () -> ()
          %mul3A_370 = arith.constant 16 : i32
          %mul3A_371 = arith.muli %mul3A_370, %add3A_161 : i32
          %rem3A_372 = arith.constant 2 : i32
          %rem3A_373 = arith.remui %scan3A_151, %rem3A_372 : i32
          %dma_wait3A_374 = arith.constant 0 : i32
          %dma_wait3A_375 = arith.constant 0 : i32
          %dma_wait3A_376 = tpu.memref_slice %run_scoped3A[%rem3A_373, %dma_wait3A_374, %dma_wait3A_375] : memref<2x16x512xf32, #tpu.memory_space<vmem>> -> memref<1x16x512xf32, #tpu.memory_space<vmem>>
          %dma_wait3A_377 = tpu.memref_squeeze %dma_wait3A_376 : memref<1x16x512xf32, #tpu.memory_space<vmem>> -> memref<16x512xf32, #tpu.memory_space<vmem>>
          %dma_wait3A_378 = arith.constant 0 : i32
          %dma_wait3A_379 = tpu.memref_slice %arg2[%mul3A_371, %dma_wait3A_378] : memref<16384x512xf32, #tpu.memory_space<hbm>> -> memref<16x512xf32, #tpu.memory_space<hbm>>
          %dma_wait3A_380 = tpu.memref_slice %run_scoped3A_7[%rem3A_373] : memref<2x!tpu.dma_semaphore, #tpu.memory_space<semaphore_mem>> -> memref<1x!tpu.dma_semaphore, #tpu.memory_space<semaphore_mem>>
          %dma_wait3A_381 = tpu.memref_squeeze %dma_wait3A_380 : memref<1x!tpu.dma_semaphore, #tpu.memory_space<semaphore_mem>> -> memref<!tpu.dma_semaphore, #tpu.memory_space<semaphore_mem>>
          %dma_wait3A_382 = arith.constant 0 : i32
          %dma_wait3A_383 = arith.constant 0 : i32
          %dma_wait3A_384 = tpu.memref_slice %run_scoped3A[%rem3A_373, %dma_wait3A_382, %dma_wait3A_383] : memref<2x16x512xf32, #tpu.memory_space<vmem>> -> memref<1x16x512xf32, #tpu.memory_space<vmem>>
          %dma_wait3A_385 = tpu.memref_squeeze %dma_wait3A_384 : memref<1x16x512xf32, #tpu.memory_space<vmem>> -> memref<16x512xf32, #tpu.memory_space<vmem>>
          %dma_wait3A_386 = arith.constant 0 : i32
          %dma_wait3A_387 = tpu.memref_slice %arg2[%mul3A_371, %dma_wait3A_386] : memref<16384x512xf32, #tpu.memory_space<hbm>> -> memref<16x512xf32, #tpu.memory_space<hbm>>
          tpu.wait_dma2 semaphore(%dma_wait3A_381 : memref<!tpu.dma_semaphore, #tpu.memory_space<semaphore_mem>>) src(%dma_wait3A_387 : memref<16x512xf32, #tpu.memory_space<hbm>>) dst(%dma_wait3A_385 : memref<16x512xf32, #tpu.memory_space<vmem>>)
          "tpu.trace_stop"() : () -> ()
        } else {
        }
        %ne3A_237 = arith.cmpi ne, %add3A_161, %add3A_170 : i32
        %or3A_238 = arith.constant false
        %or3A_239 = arith.ori %or3A_238, %ne3A_237 : i1
        %or3A_240 = arith.constant false
        %or3A_241 = arith.ori %or3A_239, %or3A_240 : i1
        %or3A_242 = arith.ori %or3A_241, %eq3A_158 : i1
        %convert_element_type3A_243 = arith.extui %or3A_242 : i1 to i32
        %cond3A_244 = arith.constant 0 : i32
        %cond3A_245 = arith.cmpi ne, %convert_element_type3A_243, %cond3A_244 : i32
        scf.if %cond3A_245 {
          "tpu.trace_start"() <{level = 10 : i32, message = "ep_wait_in"}> : () -> ()
          %mul3A_370 = arith.constant 16 : i32
          %mul3A_371 = arith.muli %mul3A_370, %add3A_161 : i32
          %rem3A_372 = arith.constant 2 : i32
          %rem3A_373 = arith.remui %scan3A_153, %rem3A_372 : i32
          %dma_wait3A_374 = arith.constant 0 : i32
          %dma_wait3A_375 = arith.constant 0 : i32
          %dma_wait3A_376 = tpu.memref_slice %run_scoped3A_8[%rem3A_373, %dma_wait3A_374, %dma_wait3A_375] : memref<2x16x512xf32, #tpu.memory_space<vmem>> -> memref<1x16x512xf32, #tpu.memory_space<vmem>>
          %dma_wait3A_377 = tpu.memref_squeeze %dma_wait3A_376 : memref<1x16x512xf32, #tpu.memory_space<vmem>> -> memref<16x512xf32, #tpu.memory_space<vmem>>
          %dma_wait3A_378 = arith.constant 0 : i32
          %dma_wait3A_379 = tpu.memref_slice %arg3[%mul3A_371, %dma_wait3A_378] : memref<16384x512xf32, #tpu.memory_space<hbm>> -> memref<16x512xf32, #tpu.memory_space<hbm>>
          %dma_wait3A_380 = tpu.memref_slice %run_scoped3A_9[%rem3A_373] : memref<2x!tpu.dma_semaphore, #tpu.memory_space<semaphore_mem>> -> memref<1x!tpu.dma_semaphore, #tpu.memory_space<semaphore_mem>>
          %dma_wait3A_381 = tpu.memref_squeeze %dma_wait3A_380 : memref<1x!tpu.dma_semaphore, #tpu.memory_space<semaphore_mem>> -> memref<!tpu.dma_semaphore, #tpu.memory_space<semaphore_mem>>
          %dma_wait3A_382 = arith.constant 0 : i32
          %dma_wait3A_383 = arith.constant 0 : i32
          %dma_wait3A_384 = tpu.memref_slice %run_scoped3A_8[%rem3A_373, %dma_wait3A_382, %dma_wait3A_383] : memref<2x16x512xf32, #tpu.memory_space<vmem>> -> memref<1x16x512xf32, #tpu.memory_space<vmem>>
          %dma_wait3A_385 = tpu.memref_squeeze %dma_wait3A_384 : memref<1x16x512xf32, #tpu.memory_space<vmem>> -> memref<16x512xf32, #tpu.memory_space<vmem>>
          %dma_wait3A_386 = arith.constant 0 : i32
          %dma_wait3A_387 = tpu.memref_slice %arg3[%mul3A_371, %dma_wait3A_386] : memref<16384x512xf32, #tpu.memory_space<hbm>> -> memref<16x512xf32, #tpu.memory_space<hbm>>
          tpu.wait_dma2 semaphore(%dma_wait3A_381 : memref<!tpu.dma_semaphore, #tpu.memory_space<semaphore_mem>>) src(%dma_wait3A_387 : memref<16x512xf32, #tpu.memory_space<hbm>>) dst(%dma_wait3A_385 : memref<16x512xf32, #tpu.memory_space<vmem>>)
          "tpu.trace_stop"() : () -> ()
        } else {
        }
        %ne3A_246 = arith.cmpi ne, %add3A_161, %add3A_170 : i32
        %or3A_247 = arith.constant false
        %or3A_248 = arith.ori %or3A_247, %ne3A_246 : i1
        %or3A_249 = arith.constant false
        %or3A_250 = arith.ori %or3A_248, %or3A_249 : i1
        %or3A_251 = arith.ori %or3A_250, %eq3A_158 : i1
        %convert_element_type3A_252 = arith.extui %or3A_251 : i1 to i32
        %cond3A_253 = arith.constant 0 : i32
        %cond3A_254 = arith.cmpi ne, %convert_element_type3A_252, %cond3A_253 : i32
        scf.if %cond3A_254 {
        } else {
        }
        %rem3A_255 = arith.constant 2 : i32
        %rem3A_256 = arith.remui %scan3A_151, %rem3A_255 : i32
        %rem3A_257 = arith.constant 2 : i32
        %rem3A_258 = arith.remui %scan3A_153, %rem3A_257 : i32
        %rem3A_259 = arith.constant 2 : i32
        %rem3A_260 = arith.remui %scan3A_154, %rem3A_259 : i32
        "tpu.trace_start"() <{level = 10 : i32, message = "ep_run_kernel"}> : () -> ()
        %scan3A_261 = arith.constant 0 : i32
        %scan3A_262 = arith.constant 16 : i32
        %scan3A_263 = arith.addi %scan3A_261, %scan3A_262 : i32
        %scan3A_264 = arith.constant 1 : i32
        scf.for %scan3A_370 = %scan3A_261 to %scan3A_263 step %scan3A_264  : i32 {
          %mul3A_371 = arith.constant 1 : i32
          %mul3A_372 = arith.muli %scan3A_370, %mul3A_371 : i32
          %add3A_373 = arith.constant 0 : i32
          %add3A_374 = arith.addi %add3A_373, %mul3A_372 : i32
          %get3A = arith.constant 0 : i32
          %get3A_375 = arith.constant 0 : i32
          %get3A_376 = tpu.memref_slice %run_scoped3A[%rem3A_256, %get3A, %get3A_375] : memref<2x16x512xf32, #tpu.memory_space<vmem>> -> memref<1x16x512xf32, #tpu.memory_space<vmem>>
          %get3A_377 = tpu.memref_squeeze %get3A_376 : memref<1x16x512xf32, #tpu.memory_space<vmem>> -> memref<16x512xf32, #tpu.memory_space<vmem>>
          %get3A_378 = arith.index_cast %add3A_374 : i32 to index
          %get3A_379 = arith.constant 0 : index
          %get3A_380 = tpu.vector_load %get3A_377[%get3A_378, %get3A_379] {strides = array<i32>} : memref<16x512xf32, #tpu.memory_space<vmem>>, vector<1x16xf32>,
          %get3A_381 = vector.shape_cast %get3A_380 : vector<1x16xf32> to vector<1x16xf32>
          %get3A_382 = arith.constant 0 : i32
          %get3A_383 = arith.constant 0 : i32
          %get3A_384 = tpu.memref_slice %run_scoped3A[%rem3A_256, %get3A_382, %get3A_383] : memref<2x16x512xf32, #tpu.memory_space<vmem>> -> memref<1x16x512xf32, #tpu.memory_space<vmem>>
          %get3A_385 = tpu.memref_squeeze %get3A_384 : memref<1x16x512xf32, #tpu.memory_space<vmem>> -> memref<16x512xf32, #tpu.memory_space<vmem>>
          %get3A_386 = arith.index_cast %add3A_374 : i32 to index
          %get3A_387 = arith.constant 64 : index
          %get3A_388 = tpu.vector_load %get3A_385[%get3A_386, %get3A_387] {strides = array<i32>} : memref<16x512xf32, #tpu.memory_space<vmem>>, vector<1x16xf32>,
          %get3A_389 = vector.shape_cast %get3A_388 : vector<1x16xf32> to vector<1x16xf32>
          %get3A_390 = arith.constant 0 : i32
          %get3A_391 = arith.constant 0 : i32
          %get3A_392 = tpu.memref_slice %run_scoped3A[%rem3A_256, %get3A_390, %get3A_391] : memref<2x16x512xf32, #tpu.memory_space<vmem>> -> memref<1x16x512xf32, #tpu.memory_space<vmem>>
          %get3A_393 = tpu.memref_squeeze %get3A_392 : memref<1x16x512xf32, #tpu.memory_space<vmem>> -> memref<16x512xf32, #tpu.memory_space<vmem>>
          %get3A_394 = arith.index_cast %add3A_374 : i32 to index
          %get3A_395 = arith.constant 128 : index
          %get3A_396 = tpu.vector_load %get3A_393[%get3A_394, %get3A_395] {strides = array<i32>} : memref<16x512xf32, #tpu.memory_space<vmem>>, vector<1x16xf32>,
          %get3A_397 = vector.shape_cast %get3A_396 : vector<1x16xf32> to vector<1x16xf32>
          %get3A_398 = arith.constant 0 : i32
          %get3A_399 = arith.constant 0 : i32
          %get3A_400 = tpu.memref_slice %run_scoped3A[%rem3A_256, %get3A_398, %get3A_399] : memref<2x16x512xf32, #tpu.memory_space<vmem>> -> memref<1x16x512xf32, #tpu.memory_space<vmem>>
          %get3A_401 = tpu.memref_squeeze %get3A_400 : memref<1x16x512xf32, #tpu.memory_space<vmem>> -> memref<16x512xf32, #tpu.memory_space<vmem>>
          %get3A_402 = arith.index_cast %add3A_374 : i32 to index
          %get3A_403 = arith.constant 192 : index
          %get3A_404 = tpu.vector_load %get3A_401[%get3A_402, %get3A_403] {strides = array<i32>} : memref<16x512xf32, #tpu.memory_space<vmem>>, vector<1x16xf32>,
          %get3A_405 = vector.shape_cast %get3A_404 : vector<1x16xf32> to vector<1x16xf32>
          %get3A_406 = arith.constant 0 : i32
          %get3A_407 = arith.constant 0 : i32
          %get3A_408 = tpu.memref_slice %run_scoped3A[%rem3A_256, %get3A_406, %get3A_407] : memref<2x16x512xf32, #tpu.memory_space<vmem>> -> memref<1x16x512xf32, #tpu.memory_space<vmem>>
          %get3A_409 = tpu.memref_squeeze %get3A_408 : memref<1x16x512xf32, #tpu.memory_space<vmem>> -> memref<16x512xf32, #tpu.memory_space<vmem>>
          %get3A_410 = arith.index_cast %add3A_374 : i32 to index
          %get3A_411 = arith.constant 256 : index
          %get3A_412 = tpu.vector_load %get3A_409[%get3A_410, %get3A_411] {strides = array<i32>} : memref<16x512xf32, #tpu.memory_space<vmem>>, vector<1x16xf32>,
          %get3A_413 = vector.shape_cast %get3A_412 : vector<1x16xf32> to vector<1x16xf32>
          %get3A_414 = arith.constant 0 : i32
          %get3A_415 = arith.constant 0 : i32
          %get3A_416 = tpu.memref_slice %run_scoped3A[%rem3A_256, %get3A_414, %get3A_415] : memref<2x16x512xf32, #tpu.memory_space<vmem>> -> memref<1x16x512xf32, #tpu.memory_space<vmem>>
          %get3A_417 = tpu.memref_squeeze %get3A_416 : memref<1x16x512xf32, #tpu.memory_space<vmem>> -> memref<16x512xf32, #tpu.memory_space<vmem>>
          %get3A_418 = arith.index_cast %add3A_374 : i32 to index
          %get3A_419 = arith.constant 320 : index
          %get3A_420 = tpu.vector_load %get3A_417[%get3A_418, %get3A_419] {strides = array<i32>} : memref<16x512xf32, #tpu.memory_space<vmem>>, vector<1x16xf32>,
          %get3A_421 = vector.shape_cast %get3A_420 : vector<1x16xf32> to vector<1x16xf32>
          %get3A_422 = arith.constant 0 : i32
          %get3A_423 = arith.constant 0 : i32
          %get3A_424 = tpu.memref_slice %run_scoped3A[%rem3A_256, %get3A_422, %get3A_423] : memref<2x16x512xf32, #tpu.memory_space<vmem>> -> memref<1x16x512xf32, #tpu.memory_space<vmem>>
          %get3A_425 = tpu.memref_squeeze %get3A_424 : memref<1x16x512xf32, #tpu.memory_space<vmem>> -> memref<16x512xf32, #tpu.memory_space<vmem>>
          %get3A_426 = arith.index_cast %add3A_374 : i32 to index
          %get3A_427 = arith.constant 384 : index
          %get3A_428 = tpu.vector_load %get3A_425[%get3A_426, %get3A_427] {strides = array<i32>} : memref<16x512xf32, #tpu.memory_space<vmem>>, vector<1x16xf32>,
          %get3A_429 = vector.shape_cast %get3A_428 : vector<1x16xf32> to vector<1x16xf32>
          %get3A_430 = arith.constant 0 : i32
          %get3A_431 = arith.constant 0 : i32
          %get3A_432 = tpu.memref_slice %run_scoped3A[%rem3A_256, %get3A_430, %get3A_431] : memref<2x16x512xf32, #tpu.memory_space<vmem>> -> memref<1x16x512xf32, #tpu.memory_space<vmem>>
          %get3A_433 = tpu.memref_squeeze %get3A_432 : memref<1x16x512xf32, #tpu.memory_space<vmem>> -> memref<16x512xf32, #tpu.memory_space<vmem>>
          %get3A_434 = arith.index_cast %add3A_374 : i32 to index
          %get3A_435 = arith.constant 448 : index
          %get3A_436 = tpu.vector_load %get3A_433[%get3A_434, %get3A_435] {strides = array<i32>} : memref<16x512xf32, #tpu.memory_space<vmem>>, vector<1x16xf32>,
          %get3A_437 = vector.shape_cast %get3A_436 : vector<1x16xf32> to vector<1x16xf32>
          %get3A_438 = arith.constant 0 : i32
          %get3A_439 = arith.constant 0 : i32
          %get3A_440 = tpu.memref_slice %run_scoped3A_8[%rem3A_258, %get3A_438, %get3A_439] : memref<2x16x512xf32, #tpu.memory_space<vmem>> -> memref<1x16x512xf32, #tpu.memory_space<vmem>>
          %get3A_441 = tpu.memref_squeeze %get3A_440 : memref<1x16x512xf32, #tpu.memory_space<vmem>> -> memref<16x512xf32, #tpu.memory_space<vmem>>
          %get3A_442 = arith.index_cast %add3A_374 : i32 to index
          %get3A_443 = arith.constant 0 : index
          %get3A_444 = tpu.vector_load %get3A_441[%get3A_442, %get3A_443] {strides = array<i32>} : memref<16x512xf32, #tpu.memory_space<vmem>>, vector<1x16xf32>,
          %get3A_445 = vector.shape_cast %get3A_444 : vector<1x16xf32> to vector<1x16xf32>
          %get3A_446 = arith.constant 0 : i32
          %get3A_447 = arith.constant 0 : i32
          %get3A_448 = tpu.memref_slice %run_scoped3A_8[%rem3A_258, %get3A_446, %get3A_447] : memref<2x16x512xf32, #tpu.memory_space<vmem>> -> memref<1x16x512xf32, #tpu.memory_space<vmem>>
          %get3A_449 = tpu.memref_squeeze %get3A_448 : memref<1x16x512xf32, #tpu.memory_space<vmem>> -> memref<16x512xf32, #tpu.memory_space<vmem>>
          %get3A_450 = arith.index_cast %add3A_374 : i32 to index
          %get3A_451 = arith.constant 64 : index
          %get3A_452 = tpu.vector_load %get3A_449[%get3A_450, %get3A_451] {strides = array<i32>} : memref<16x512xf32, #tpu.memory_space<vmem>>, vector<1x16xf32>,
          %get3A_453 = vector.shape_cast %get3A_452 : vector<1x16xf32> to vector<1x16xf32>
          %get3A_454 = arith.constant 0 : i32
          %get3A_455 = arith.constant 0 : i32
          %get3A_456 = tpu.memref_slice %run_scoped3A_8[%rem3A_258, %get3A_454, %get3A_455] : memref<2x16x512xf32, #tpu.memory_space<vmem>> -> memref<1x16x512xf32, #tpu.memory_space<vmem>>
          %get3A_457 = tpu.memref_squeeze %get3A_456 : memref<1x16x512xf32, #tpu.memory_space<vmem>> -> memref<16x512xf32, #tpu.memory_space<vmem>>
          %get3A_458 = arith.index_cast %add3A_374 : i32 to index
          %get3A_459 = arith.constant 128 : index
          %get3A_460 = tpu.vector_load %get3A_457[%get3A_458, %get3A_459] {strides = array<i32>} : memref<16x512xf32, #tpu.memory_space<vmem>>, vector<1x16xf32>,
          %get3A_461 = vector.shape_cast %get3A_460 : vector<1x16xf32> to vector<1x16xf32>
          %get3A_462 = arith.constant 0 : i32
          %get3A_463 = arith.constant 0 : i32
          %get3A_464 = tpu.memref_slice %run_scoped3A_8[%rem3A_258, %get3A_462, %get3A_463] : memref<2x16x512xf32, #tpu.memory_space<vmem>> -> memref<1x16x512xf32, #tpu.memory_space<vmem>>
          %get3A_465 = tpu.memref_squeeze %get3A_464 : memref<1x16x512xf32, #tpu.memory_space<vmem>> -> memref<16x512xf32, #tpu.memory_space<vmem>>
          %get3A_466 = arith.index_cast %add3A_374 : i32 to index
          %get3A_467 = arith.constant 192 : index
          %get3A_468 = tpu.vector_load %get3A_465[%get3A_466, %get3A_467] {strides = array<i32>} : memref<16x512xf32, #tpu.memory_space<vmem>>, vector<1x16xf32>,
          %get3A_469 = vector.shape_cast %get3A_468 : vector<1x16xf32> to vector<1x16xf32>
          %get3A_470 = arith.constant 0 : i32
          %get3A_471 = arith.constant 0 : i32
          %get3A_472 = tpu.memref_slice %run_scoped3A_8[%rem3A_258, %get3A_470, %get3A_471] : memref<2x16x512xf32, #tpu.memory_space<vmem>> -> memref<1x16x512xf32, #tpu.memory_space<vmem>>
          %get3A_473 = tpu.memref_squeeze %get3A_472 : memref<1x16x512xf32, #tpu.memory_space<vmem>> -> memref<16x512xf32, #tpu.memory_space<vmem>>
          %get3A_474 = arith.index_cast %add3A_374 : i32 to index
          %get3A_475 = arith.constant 256 : index
          %get3A_476 = tpu.vector_load %get3A_473[%get3A_474, %get3A_475] {strides = array<i32>} : memref<16x512xf32, #tpu.memory_space<vmem>>, vector<1x16xf32>,
          %get3A_477 = vector.shape_cast %get3A_476 : vector<1x16xf32> to vector<1x16xf32>
          %get3A_478 = arith.constant 0 : i32
          %get3A_479 = arith.constant 0 : i32
          %get3A_480 = tpu.memref_slice %run_scoped3A_8[%rem3A_258, %get3A_478, %get3A_479] : memref<2x16x512xf32, #tpu.memory_space<vmem>> -> memref<1x16x512xf32, #tpu.memory_space<vmem>>
          %get3A_481 = tpu.memref_squeeze %get3A_480 : memref<1x16x512xf32, #tpu.memory_space<vmem>> -> memref<16x512xf32, #tpu.memory_space<vmem>>
          %get3A_482 = arith.index_cast %add3A_374 : i32 to index
          %get3A_483 = arith.constant 320 : index
          %get3A_484 = tpu.vector_load %get3A_481[%get3A_482, %get3A_483] {strides = array<i32>} : memref<16x512xf32, #tpu.memory_space<vmem>>, vector<1x16xf32>,
          %get3A_485 = vector.shape_cast %get3A_484 : vector<1x16xf32> to vector<1x16xf32>
          %get3A_486 = arith.constant 0 : i32
          %get3A_487 = arith.constant 0 : i32
          %get3A_488 = tpu.memref_slice %run_scoped3A_8[%rem3A_258, %get3A_486, %get3A_487] : memref<2x16x512xf32, #tpu.memory_space<vmem>> -> memref<1x16x512xf32, #tpu.memory_space<vmem>>
          %get3A_489 = tpu.memref_squeeze %get3A_488 : memref<1x16x512xf32, #tpu.memory_space<vmem>> -> memref<16x512xf32, #tpu.memory_space<vmem>>
          %get3A_490 = arith.index_cast %add3A_374 : i32 to index
          %get3A_491 = arith.constant 384 : index
          %get3A_492 = tpu.vector_load %get3A_489[%get3A_490, %get3A_491] {strides = array<i32>} : memref<16x512xf32, #tpu.memory_space<vmem>>, vector<1x16xf32>,
          %get3A_493 = vector.shape_cast %get3A_492 : vector<1x16xf32> to vector<1x16xf32>
          %get3A_494 = arith.constant 0 : i32
          %get3A_495 = arith.constant 0 : i32
          %get3A_496 = tpu.memref_slice %run_scoped3A_8[%rem3A_258, %get3A_494, %get3A_495] : memref<2x16x512xf32, #tpu.memory_space<vmem>> -> memref<1x16x512xf32, #tpu.memory_space<vmem>>
          %get3A_497 = tpu.memref_squeeze %get3A_496 : memref<1x16x512xf32, #tpu.memory_space<vmem>> -> memref<16x512xf32, #tpu.memory_space<vmem>>
          %get3A_498 = arith.index_cast %add3A_374 : i32 to index
          %get3A_499 = arith.constant 448 : index
          %get3A_500 = tpu.vector_load %get3A_497[%get3A_498, %get3A_499] {strides = array<i32>} : memref<16x512xf32, #tpu.memory_space<vmem>>, vector<1x16xf32>,
          %get3A_501 = vector.shape_cast %get3A_500 : vector<1x16xf32> to vector<1x16xf32>
          %mul3A_502 = arith.mulf %get3A_381, %get3A_445 : vector<1x16xf32>
          %mul3A_503 = arith.mulf %get3A_389, %get3A_501 : vector<1x16xf32>
          %add3A_504 = arith.addf %mul3A_502, %mul3A_503 : vector<1x16xf32>
          %mul3A_505 = arith.mulf %get3A_397, %get3A_493 : vector<1x16xf32>
          %add3A_506 = arith.addf %add3A_504, %mul3A_505 : vector<1x16xf32>
          %mul3A_507 = arith.mulf %get3A_405, %get3A_485 : vector<1x16xf32>
          %add3A_508 = arith.addf %add3A_506, %mul3A_507 : vector<1x16xf32>
          %mul3A_509 = arith.mulf %get3A_413, %get3A_477 : vector<1x16xf32>
          %add3A_510 = arith.addf %add3A_508, %mul3A_509 : vector<1x16xf32>
          %mul3A_511 = arith.mulf %get3A_421, %get3A_469 : vector<1x16xf32>
          %add3A_512 = arith.addf %add3A_510, %mul3A_511 : vector<1x16xf32>
          %mul3A_513 = arith.mulf %get3A_429, %get3A_461 : vector<1x16xf32>
          %add3A_514 = arith.addf %add3A_512, %mul3A_513 : vector<1x16xf32>
          %mul3A_515 = arith.mulf %get3A_437, %get3A_453 : vector<1x16xf32>
          %add3A_516 = arith.addf %add3A_514, %mul3A_515 : vector<1x16xf32>
          %swap3A = arith.constant 0 : i32
          %swap3A_517 = arith.constant 0 : i32
          %swap3A_518 = tpu.memref_slice %run_scoped3A_10[%rem3A_260, %swap3A, %swap3A_517] : memref<2x16x512xf32, #tpu.memory_space<vmem>> -> memref<1x16x512xf32, #tpu.memory_space<vmem>>
          %swap3A_519 = tpu.memref_squeeze %swap3A_518 : memref<1x16x512xf32, #tpu.memory_space<vmem>> -> memref<16x512xf32, #tpu.memory_space<vmem>>
          %swap3A_520 = arith.index_cast %add3A_374 : i32 to index
          %swap3A_521 = arith.constant 0 : index
          %swap3A_522 = tpu.vector_load %swap3A_519[%swap3A_520, %swap3A_521] {strides = array<i32>} : memref<16x512xf32, #tpu.memory_space<vmem>>, vector<1x16xf32>,
          %swap3A_523 = vector.shape_cast %swap3A_522 : vector<1x16xf32> to vector<1x16xf32>
          %swap3A_524 = vector.shape_cast %add3A_516 : vector<1x16xf32> to vector<1x16xf32>
          tpu.vector_store %swap3A_519[%swap3A_520, %swap3A_521], %swap3A_524 {strides = array<i32>} : memref<16x512xf32, #tpu.memory_space<vmem>>, vector<1x16xf32>,
          %mul3A_525 = arith.mulf %get3A_381, %get3A_453 : vector<1x16xf32>
          %mul3A_526 = arith.mulf %get3A_389, %get3A_445 : vector<1x16xf32>
          %add3A_527 = arith.addf %mul3A_525, %mul3A_526 : vector<1x16xf32>
          %mul3A_528 = arith.mulf %get3A_397, %get3A_501 : vector<1x16xf32>
          %add3A_529 = arith.addf %add3A_527, %mul3A_528 : vector<1x16xf32>
          %mul3A_530 = arith.mulf %get3A_405, %get3A_493 : vector<1x16xf32>
          %add3A_531 = arith.addf %add3A_529, %mul3A_530 : vector<1x16xf32>
          %mul3A_532 = arith.mulf %get3A_413, %get3A_485 : vector<1x16xf32>
          %add3A_533 = arith.addf %add3A_531, %mul3A_532 : vector<1x16xf32>
          %mul3A_534 = arith.mulf %get3A_421, %get3A_477 : vector<1x16xf32>
          %add3A_535 = arith.addf %add3A_533, %mul3A_534 : vector<1x16xf32>
          %mul3A_536 = arith.mulf %get3A_429, %get3A_469 : vector<1x16xf32>
          %add3A_537 = arith.addf %add3A_535, %mul3A_536 : vector<1x16xf32>
          %mul3A_538 = arith.mulf %get3A_437, %get3A_461 : vector<1x16xf32>
          %add3A_539 = arith.addf %add3A_537, %mul3A_538 : vector<1x16xf32>
          %swap3A_540 = arith.constant 0 : i32
          %swap3A_541 = arith.constant 0 : i32
          %swap3A_542 = tpu.memref_slice %run_scoped3A_10[%rem3A_260, %swap3A_540, %swap3A_541] : memref<2x16x512xf32, #tpu.memory_space<vmem>> -> memref<1x16x512xf32, #tpu.memory_space<vmem>>
          %swap3A_543 = tpu.memref_squeeze %swap3A_542 : memref<1x16x512xf32, #tpu.memory_space<vmem>> -> memref<16x512xf32, #tpu.memory_space<vmem>>
          %swap3A_544 = arith.index_cast %add3A_374 : i32 to index
          %swap3A_545 = arith.constant 64 : index
          %swap3A_546 = tpu.vector_load %swap3A_543[%swap3A_544, %swap3A_545] {strides = array<i32>} : memref<16x512xf32, #tpu.memory_space<vmem>>, vector<1x16xf32>,
          %swap3A_547 = vector.shape_cast %swap3A_546 : vector<1x16xf32> to vector<1x16xf32>
          %swap3A_548 = vector.shape_cast %add3A_539 : vector<1x16xf32> to vector<1x16xf32>
          tpu.vector_store %swap3A_543[%swap3A_544, %swap3A_545], %swap3A_548 {strides = array<i32>} : memref<16x512xf32, #tpu.memory_space<vmem>>, vector<1x16xf32>,
          %mul3A_549 = arith.mulf %get3A_381, %get3A_461 : vector<1x16xf32>
          %mul3A_550 = arith.mulf %get3A_389, %get3A_453 : vector<1x16xf32>
          %add3A_551 = arith.addf %mul3A_549, %mul3A_550 : vector<1x16xf32>
          %mul3A_552 = arith.mulf %get3A_397, %get3A_445 : vector<1x16xf32>
          %add3A_553 = arith.addf %add3A_551, %mul3A_552 : vector<1x16xf32>
          %mul3A_554 = arith.mulf %get3A_405, %get3A_501 : vector<1x16xf32>
          %add3A_555 = arith.addf %add3A_553, %mul3A_554 : vector<1x16xf32>
          %mul3A_556 = arith.mulf %get3A_413, %get3A_493 : vector<1x16xf32>
          %add3A_557 = arith.addf %add3A_555, %mul3A_556 : vector<1x16xf32>
          %mul3A_558 = arith.mulf %get3A_421, %get3A_485 : vector<1x16xf32>
          %add3A_559 = arith.addf %add3A_557, %mul3A_558 : vector<1x16xf32>
          %mul3A_560 = arith.mulf %get3A_429, %get3A_477 : vector<1x16xf32>
          %add3A_561 = arith.addf %add3A_559, %mul3A_560 : vector<1x16xf32>
          %mul3A_562 = arith.mulf %get3A_437, %get3A_469 : vector<1x16xf32>
          %add3A_563 = arith.addf %add3A_561, %mul3A_562 : vector<1x16xf32>
          %swap3A_564 = arith.constant 0 : i32
          %swap3A_565 = arith.constant 0 : i32
          %swap3A_566 = tpu.memref_slice %run_scoped3A_10[%rem3A_260, %swap3A_564, %swap3A_565] : memref<2x16x512xf32, #tpu.memory_space<vmem>> -> memref<1x16x512xf32, #tpu.memory_space<vmem>>
          %swap3A_567 = tpu.memref_squeeze %swap3A_566 : memref<1x16x512xf32, #tpu.memory_space<vmem>> -> memref<16x512xf32, #tpu.memory_space<vmem>>
          %swap3A_568 = arith.index_cast %add3A_374 : i32 to index
          %swap3A_569 = arith.constant 128 : index
          %swap3A_570 = tpu.vector_load %swap3A_567[%swap3A_568, %swap3A_569] {strides = array<i32>} : memref<16x512xf32, #tpu.memory_space<vmem>>, vector<1x16xf32>,
          %swap3A_571 = vector.shape_cast %swap3A_570 : vector<1x16xf32> to vector<1x16xf32>
          %swap3A_572 = vector.shape_cast %add3A_563 : vector<1x16xf32> to vector<1x16xf32>
          tpu.vector_store %swap3A_567[%swap3A_568, %swap3A_569], %swap3A_572 {strides = array<i32>} : memref<16x512xf32, #tpu.memory_space<vmem>>, vector<1x16xf32>,
          %mul3A_573 = arith.mulf %get3A_381, %get3A_469 : vector<1x16xf32>
          %mul3A_574 = arith.mulf %get3A_389, %get3A_461 : vector<1x16xf32>
          %add3A_575 = arith.addf %mul3A_573, %mul3A_574 : vector<1x16xf32>
          %mul3A_576 = arith.mulf %get3A_397, %get3A_453 : vector<1x16xf32>
          %add3A_577 = arith.addf %add3A_575, %mul3A_576 : vector<1x16xf32>
          %mul3A_578 = arith.mulf %get3A_405, %get3A_445 : vector<1x16xf32>
          %add3A_579 = arith.addf %add3A_577, %mul3A_578 : vector<1x16xf32>
          %mul3A_580 = arith.mulf %get3A_413, %get3A_501 : vector<1x16xf32>
          %add3A_581 = arith.addf %add3A_579, %mul3A_580 : vector<1x16xf32>
          %mul3A_582 = arith.mulf %get3A_421, %get3A_493 : vector<1x16xf32>
          %add3A_583 = arith.addf %add3A_581, %mul3A_582 : vector<1x16xf32>
          %mul3A_584 = arith.mulf %get3A_429, %get3A_485 : vector<1x16xf32>
          %add3A_585 = arith.addf %add3A_583, %mul3A_584 : vector<1x16xf32>
          %mul3A_586 = arith.mulf %get3A_437, %get3A_477 : vector<1x16xf32>
          %add3A_587 = arith.addf %add3A_585, %mul3A_586 : vector<1x16xf32>
          %swap3A_588 = arith.constant 0 : i32
          %swap3A_589 = arith.constant 0 : i32
          %swap3A_590 = tpu.memref_slice %run_scoped3A_10[%rem3A_260, %swap3A_588, %swap3A_589] : memref<2x16x512xf32, #tpu.memory_space<vmem>> -> memref<1x16x512xf32, #tpu.memory_space<vmem>>
          %swap3A_591 = tpu.memref_squeeze %swap3A_590 : memref<1x16x512xf32, #tpu.memory_space<vmem>> -> memref<16x512xf32, #tpu.memory_space<vmem>>
          %swap3A_592 = arith.index_cast %add3A_374 : i32 to index
          %swap3A_593 = arith.constant 192 : index
          %swap3A_594 = tpu.vector_load %swap3A_591[%swap3A_592, %swap3A_593] {strides = array<i32>} : memref<16x512xf32, #tpu.memory_space<vmem>>, vector<1x16xf32>,
          %swap3A_595 = vector.shape_cast %swap3A_594 : vector<1x16xf32> to vector<1x16xf32>
          %swap3A_596 = vector.shape_cast %add3A_587 : vector<1x16xf32> to vector<1x16xf32>
          tpu.vector_store %swap3A_591[%swap3A_592, %swap3A_593], %swap3A_596 {strides = array<i32>} : memref<16x512xf32, #tpu.memory_space<vmem>>, vector<1x16xf32>,
          %mul3A_597 = arith.mulf %get3A_381, %get3A_477 : vector<1x16xf32>
          %mul3A_598 = arith.mulf %get3A_389, %get3A_469 : vector<1x16xf32>
          %add3A_599 = arith.addf %mul3A_597, %mul3A_598 : vector<1x16xf32>
          %mul3A_600 = arith.mulf %get3A_397, %get3A_461 : vector<1x16xf32>
          %add3A_601 = arith.addf %add3A_599, %mul3A_600 : vector<1x16xf32>
          %mul3A_602 = arith.mulf %get3A_405, %get3A_453 : vector<1x16xf32>
          %add3A_603 = arith.addf %add3A_601, %mul3A_602 : vector<1x16xf32>
          %mul3A_604 = arith.mulf %get3A_413, %get3A_445 : vector<1x16xf32>
          %add3A_605 = arith.addf %add3A_603, %mul3A_604 : vector<1x16xf32>
          %mul3A_606 = arith.mulf %get3A_421, %get3A_501 : vector<1x16xf32>
          %add3A_607 = arith.addf %add3A_605, %mul3A_606 : vector<1x16xf32>
          %mul3A_608 = arith.mulf %get3A_429, %get3A_493 : vector<1x16xf32>
          %add3A_609 = arith.addf %add3A_607, %mul3A_608 : vector<1x16xf32>
          %mul3A_610 = arith.mulf %get3A_437, %get3A_485 : vector<1x16xf32>
          %add3A_611 = arith.addf %add3A_609, %mul3A_610 : vector<1x16xf32>
          %swap3A_612 = arith.constant 0 : i32
          %swap3A_613 = arith.constant 0 : i32
          %swap3A_614 = tpu.memref_slice %run_scoped3A_10[%rem3A_260, %swap3A_612, %swap3A_613] : memref<2x16x512xf32, #tpu.memory_space<vmem>> -> memref<1x16x512xf32, #tpu.memory_space<vmem>>
          %swap3A_615 = tpu.memref_squeeze %swap3A_614 : memref<1x16x512xf32, #tpu.memory_space<vmem>> -> memref<16x512xf32, #tpu.memory_space<vmem>>
          %swap3A_616 = arith.index_cast %add3A_374 : i32 to index
          %swap3A_617 = arith.constant 256 : index
          %swap3A_618 = tpu.vector_load %swap3A_615[%swap3A_616, %swap3A_617] {strides = array<i32>} : memref<16x512xf32, #tpu.memory_space<vmem>>, vector<1x16xf32>,
          %swap3A_619 = vector.shape_cast %swap3A_618 : vector<1x16xf32> to vector<1x16xf32>
          %swap3A_620 = vector.shape_cast %add3A_611 : vector<1x16xf32> to vector<1x16xf32>
          tpu.vector_store %swap3A_615[%swap3A_616, %swap3A_617], %swap3A_620 {strides = array<i32>} : memref<16x512xf32, #tpu.memory_space<vmem>>, vector<1x16xf32>,
          %mul3A_621 = arith.mulf %get3A_381, %get3A_485 : vector<1x16xf32>
          %mul3A_622 = arith.mulf %get3A_389, %get3A_477 : vector<1x16xf32>
          %add3A_623 = arith.addf %mul3A_621, %mul3A_622 : vector<1x16xf32>
          %mul3A_624 = arith.mulf %get3A_397, %get3A_469 : vector<1x16xf32>
          %add3A_625 = arith.addf %add3A_623, %mul3A_624 : vector<1x16xf32>
          %mul3A_626 = arith.mulf %get3A_405, %get3A_461 : vector<1x16xf32>
          %add3A_627 = arith.addf %add3A_625, %mul3A_626 : vector<1x16xf32>
          %mul3A_628 = arith.mulf %get3A_413, %get3A_453 : vector<1x16xf32>
          %add3A_629 = arith.addf %add3A_627, %mul3A_628 : vector<1x16xf32>
          %mul3A_630 = arith.mulf %get3A_421, %get3A_445 : vector<1x16xf32>
          %add3A_631 = arith.addf %add3A_629, %mul3A_630 : vector<1x16xf32>
          %mul3A_632 = arith.mulf %get3A_429, %get3A_501 : vector<1x16xf32>
          %add3A_633 = arith.addf %add3A_631, %mul3A_632 : vector<1x16xf32>
          %mul3A_634 = arith.mulf %get3A_437, %get3A_493 : vector<1x16xf32>
          %add3A_635 = arith.addf %add3A_633, %mul3A_634 : vector<1x16xf32>
          %swap3A_636 = arith.constant 0 : i32
          %swap3A_637 = arith.constant 0 : i32
          %swap3A_638 = tpu.memref_slice %run_scoped3A_10[%rem3A_260, %swap3A_636, %swap3A_637] : memref<2x16x512xf32, #tpu.memory_space<vmem>> -> memref<1x16x512xf32, #tpu.memory_space<vmem>>
          %swap3A_639 = tpu.memref_squeeze %swap3A_638 : memref<1x16x512xf32, #tpu.memory_space<vmem>> -> memref<16x512xf32, #tpu.memory_space<vmem>>
          %swap3A_640 = arith.index_cast %add3A_374 : i32 to index
          %swap3A_641 = arith.constant 320 : index
          %swap3A_642 = tpu.vector_load %swap3A_639[%swap3A_640, %swap3A_641] {strides = array<i32>} : memref<16x512xf32, #tpu.memory_space<vmem>>, vector<1x16xf32>,
          %swap3A_643 = vector.shape_cast %swap3A_642 : vector<1x16xf32> to vector<1x16xf32>
          %swap3A_644 = vector.shape_cast %add3A_635 : vector<1x16xf32> to vector<1x16xf32>
          tpu.vector_store %swap3A_639[%swap3A_640, %swap3A_641], %swap3A_644 {strides = array<i32>} : memref<16x512xf32, #tpu.memory_space<vmem>>, vector<1x16xf32>,
          %mul3A_645 = arith.mulf %get3A_381, %get3A_493 : vector<1x16xf32>
          %mul3A_646 = arith.mulf %get3A_389, %get3A_485 : vector<1x16xf32>
          %add3A_647 = arith.addf %mul3A_645, %mul3A_646 : vector<1x16xf32>
          %mul3A_648 = arith.mulf %get3A_397, %get3A_477 : vector<1x16xf32>
          %add3A_649 = arith.addf %add3A_647, %mul3A_648 : vector<1x16xf32>
          %mul3A_650 = arith.mulf %get3A_405, %get3A_469 : vector<1x16xf32>
          %add3A_651 = arith.addf %add3A_649, %mul3A_650 : vector<1x16xf32>
          %mul3A_652 = arith.mulf %get3A_413, %get3A_461 : vector<1x16xf32>
          %add3A_653 = arith.addf %add3A_651, %mul3A_652 : vector<1x16xf32>
          %mul3A_654 = arith.mulf %get3A_421, %get3A_453 : vector<1x16xf32>
          %add3A_655 = arith.addf %add3A_653, %mul3A_654 : vector<1x16xf32>
          %mul3A_656 = arith.mulf %get3A_429, %get3A_445 : vector<1x16xf32>
          %add3A_657 = arith.addf %add3A_655, %mul3A_656 : vector<1x16xf32>
          %mul3A_658 = arith.mulf %get3A_437, %get3A_501 : vector<1x16xf32>
          %add3A_659 = arith.addf %add3A_657, %mul3A_658 : vector<1x16xf32>
          %swap3A_660 = arith.constant 0 : i32
          %swap3A_661 = arith.constant 0 : i32
          %swap3A_662 = tpu.memref_slice %run_scoped3A_10[%rem3A_260, %swap3A_660, %swap3A_661] : memref<2x16x512xf32, #tpu.memory_space<vmem>> -> memref<1x16x512xf32, #tpu.memory_space<vmem>>
          %swap3A_663 = tpu.memref_squeeze %swap3A_662 : memref<1x16x512xf32, #tpu.memory_space<vmem>> -> memref<16x512xf32, #tpu.memory_space<vmem>>
          %swap3A_664 = arith.index_cast %add3A_374 : i32 to index
          %swap3A_665 = arith.constant 384 : index
          %swap3A_666 = tpu.vector_load %swap3A_663[%swap3A_664, %swap3A_665] {strides = array<i32>} : memref<16x512xf32, #tpu.memory_space<vmem>>, vector<1x16xf32>,
          %swap3A_667 = vector.shape_cast %swap3A_666 : vector<1x16xf32> to vector<1x16xf32>
          %swap3A_668 = vector.shape_cast %add3A_659 : vector<1x16xf32> to vector<1x16xf32>
          tpu.vector_store %swap3A_663[%swap3A_664, %swap3A_665], %swap3A_668 {strides = array<i32>} : memref<16x512xf32, #tpu.memory_space<vmem>>, vector<1x16xf32>,
          %mul3A_669 = arith.mulf %get3A_381, %get3A_501 : vector<1x16xf32>
          %mul3A_670 = arith.mulf %get3A_389, %get3A_493 : vector<1x16xf32>
          %add3A_671 = arith.addf %mul3A_669, %mul3A_670 : vector<1x16xf32>
          %mul3A_672 = arith.mulf %get3A_397, %get3A_485 : vector<1x16xf32>
          %add3A_673 = arith.addf %add3A_671, %mul3A_672 : vector<1x16xf32>
          %mul3A_674 = arith.mulf %get3A_405, %get3A_477 : vector<1x16xf32>
          %add3A_675 = arith.addf %add3A_673, %mul3A_674 : vector<1x16xf32>
          %mul3A_676 = arith.mulf %get3A_413, %get3A_469 : vector<1x16xf32>
          %add3A_677 = arith.addf %add3A_675, %mul3A_676 : vector<1x16xf32>
          %mul3A_678 = arith.mulf %get3A_421, %get3A_461 : vector<1x16xf32>
          %add3A_679 = arith.addf %add3A_677, %mul3A_678 : vector<1x16xf32>
          %mul3A_680 = arith.mulf %get3A_429, %get3A_453 : vector<1x16xf32>
          %add3A_681 = arith.addf %add3A_679, %mul3A_680 : vector<1x16xf32>
          %mul3A_682 = arith.mulf %get3A_437, %get3A_445 : vector<1x16xf32>
          %add3A_683 = arith.addf %add3A_681, %mul3A_682 : vector<1x16xf32>
          %swap3A_684 = arith.constant 0 : i32
          %swap3A_685 = arith.constant 0 : i32
          %swap3A_686 = tpu.memref_slice %run_scoped3A_10[%rem3A_260, %swap3A_684, %swap3A_685] : memref<2x16x512xf32, #tpu.memory_space<vmem>> -> memref<1x16x512xf32, #tpu.memory_space<vmem>>
          %swap3A_687 = tpu.memref_squeeze %swap3A_686 : memref<1x16x512xf32, #tpu.memory_space<vmem>> -> memref<16x512xf32, #tpu.memory_space<vmem>>
          %swap3A_688 = arith.index_cast %add3A_374 : i32 to index
          %swap3A_689 = arith.constant 448 : index
          %swap3A_690 = tpu.vector_load %swap3A_687[%swap3A_688, %swap3A_689] {strides = array<i32>} : memref<16x512xf32, #tpu.memory_space<vmem>>, vector<1x16xf32>,
          %swap3A_691 = vector.shape_cast %swap3A_690 : vector<1x16xf32> to vector<1x16xf32>
          %swap3A_692 = vector.shape_cast %add3A_683 : vector<1x16xf32> to vector<1x16xf32>
          tpu.vector_store %swap3A_687[%swap3A_688, %swap3A_689], %swap3A_692 {strides = array<i32>} : memref<16x512xf32, #tpu.memory_space<vmem>>, vector<1x16xf32>,
          %get3A_693 = arith.constant 0 : i32
          %get3A_694 = arith.constant 0 : i32
          %get3A_695 = tpu.memref_slice %run_scoped3A[%rem3A_256, %get3A_693, %get3A_694] : memref<2x16x512xf32, #tpu.memory_space<vmem>> -> memref<1x16x512xf32, #tpu.memory_space<vmem>>
          %get3A_696 = tpu.memref_squeeze %get3A_695 : memref<1x16x512xf32, #tpu.memory_space<vmem>> -> memref<16x512xf32, #tpu.memory_space<vmem>>
          %get3A_697 = arith.index_cast %add3A_374 : i32 to index
          %get3A_698 = arith.constant 16 : index
          %get3A_699 = tpu.vector_load %get3A_696[%get3A_697, %get3A_698] {strides = array<i32>} : memref<16x512xf32, #tpu.memory_space<vmem>>, vector<1x16xf32>,
          %get3A_700 = vector.shape_cast %get3A_699 : vector<1x16xf32> to vector<1x16xf32>
          %get3A_701 = arith.constant 0 : i32
          %get3A_702 = arith.constant 0 : i32
          %get3A_703 = tpu.memref_slice %run_scoped3A[%rem3A_256, %get3A_701, %get3A_702] : memref<2x16x512xf32, #tpu.memory_space<vmem>> -> memref<1x16x512xf32, #tpu.memory_space<vmem>>
          %get3A_704 = tpu.memref_squeeze %get3A_703 : memref<1x16x512xf32, #tpu.memory_space<vmem>> -> memref<16x512xf32, #tpu.memory_space<vmem>>
          %get3A_705 = arith.index_cast %add3A_374 : i32 to index
          %get3A_706 = arith.constant 80 : index
          %get3A_707 = tpu.vector_load %get3A_704[%get3A_705, %get3A_706] {strides = array<i32>} : memref<16x512xf32, #tpu.memory_space<vmem>>, vector<1x16xf32>,
          %get3A_708 = vector.shape_cast %get3A_707 : vector<1x16xf32> to vector<1x16xf32>
          %get3A_709 = arith.constant 0 : i32
          %get3A_710 = arith.constant 0 : i32
          %get3A_711 = tpu.memref_slice %run_scoped3A[%rem3A_256, %get3A_709, %get3A_710] : memref<2x16x512xf32, #tpu.memory_space<vmem>> -> memref<1x16x512xf32, #tpu.memory_space<vmem>>
          %get3A_712 = tpu.memref_squeeze %get3A_711 : memref<1x16x512xf32, #tpu.memory_space<vmem>> -> memref<16x512xf32, #tpu.memory_space<vmem>>
          %get3A_713 = arith.index_cast %add3A_374 : i32 to index
          %get3A_714 = arith.constant 144 : index
          %get3A_715 = tpu.vector_load %get3A_712[%get3A_713, %get3A_714] {strides = array<i32>} : memref<16x512xf32, #tpu.memory_space<vmem>>, vector<1x16xf32>,
          %get3A_716 = vector.shape_cast %get3A_715 : vector<1x16xf32> to vector<1x16xf32>
          %get3A_717 = arith.constant 0 : i32
          %get3A_718 = arith.constant 0 : i32
          %get3A_719 = tpu.memref_slice %run_scoped3A[%rem3A_256, %get3A_717, %get3A_718] : memref<2x16x512xf32, #tpu.memory_space<vmem>> -> memref<1x16x512xf32, #tpu.memory_space<vmem>>
          %get3A_720 = tpu.memref_squeeze %get3A_719 : memref<1x16x512xf32, #tpu.memory_space<vmem>> -> memref<16x512xf32, #tpu.memory_space<vmem>>
          %get3A_721 = arith.index_cast %add3A_374 : i32 to index
          %get3A_722 = arith.constant 208 : index
          %get3A_723 = tpu.vector_load %get3A_720[%get3A_721, %get3A_722] {strides = array<i32>} : memref<16x512xf32, #tpu.memory_space<vmem>>, vector<1x16xf32>,
          %get3A_724 = vector.shape_cast %get3A_723 : vector<1x16xf32> to vector<1x16xf32>
          %get3A_725 = arith.constant 0 : i32
          %get3A_726 = arith.constant 0 : i32
          %get3A_727 = tpu.memref_slice %run_scoped3A[%rem3A_256, %get3A_725, %get3A_726] : memref<2x16x512xf32, #tpu.memory_space<vmem>> -> memref<1x16x512xf32, #tpu.memory_space<vmem>>
          %get3A_728 = tpu.memref_squeeze %get3A_727 : memref<1x16x512xf32, #tpu.memory_space<vmem>> -> memref<16x512xf32, #tpu.memory_space<vmem>>
          %get3A_729 = arith.index_cast %add3A_374 : i32 to index
          %get3A_730 = arith.constant 272 : index
          %get3A_731 = tpu.vector_load %get3A_728[%get3A_729, %get3A_730] {strides = array<i32>} : memref<16x512xf32, #tpu.memory_space<vmem>>, vector<1x16xf32>,
          %get3A_732 = vector.shape_cast %get3A_731 : vector<1x16xf32> to vector<1x16xf32>
          %get3A_733 = arith.constant 0 : i32
          %get3A_734 = arith.constant 0 : i32
          %get3A_735 = tpu.memref_slice %run_scoped3A[%rem3A_256, %get3A_733, %get3A_734] : memref<2x16x512xf32, #tpu.memory_space<vmem>> -> memref<1x16x512xf32, #tpu.memory_space<vmem>>
          %get3A_736 = tpu.memref_squeeze %get3A_735 : memref<1x16x512xf32, #tpu.memory_space<vmem>> -> memref<16x512xf32, #tpu.memory_space<vmem>>
          %get3A_737 = arith.index_cast %add3A_374 : i32 to index
          %get3A_738 = arith.constant 336 : index
          %get3A_739 = tpu.vector_load %get3A_736[%get3A_737, %get3A_738] {strides = array<i32>} : memref<16x512xf32, #tpu.memory_space<vmem>>, vector<1x16xf32>,
          %get3A_740 = vector.shape_cast %get3A_739 : vector<1x16xf32> to vector<1x16xf32>
          %get3A_741 = arith.constant 0 : i32
          %get3A_742 = arith.constant 0 : i32
          %get3A_743 = tpu.memref_slice %run_scoped3A[%rem3A_256, %get3A_741, %get3A_742] : memref<2x16x512xf32, #tpu.memory_space<vmem>> -> memref<1x16x512xf32, #tpu.memory_space<vmem>>
          %get3A_744 = tpu.memref_squeeze %get3A_743 : memref<1x16x512xf32, #tpu.memory_space<vmem>> -> memref<16x512xf32, #tpu.memory_space<vmem>>
          %get3A_745 = arith.index_cast %add3A_374 : i32 to index
          %get3A_746 = arith.constant 400 : index
          %get3A_747 = tpu.vector_load %get3A_744[%get3A_745, %get3A_746] {strides = array<i32>} : memref<16x512xf32, #tpu.memory_space<vmem>>, vector<1x16xf32>,
          %get3A_748 = vector.shape_cast %get3A_747 : vector<1x16xf32> to vector<1x16xf32>
          %get3A_749 = arith.constant 0 : i32
          %get3A_750 = arith.constant 0 : i32
          %get3A_751 = tpu.memref_slice %run_scoped3A[%rem3A_256, %get3A_749, %get3A_750] : memref<2x16x512xf32, #tpu.memory_space<vmem>> -> memref<1x16x512xf32, #tpu.memory_space<vmem>>
          %get3A_752 = tpu.memref_squeeze %get3A_751 : memref<1x16x512xf32, #tpu.memory_space<vmem>> -> memref<16x512xf32, #tpu.memory_space<vmem>>
          %get3A_753 = arith.index_cast %add3A_374 : i32 to index
          %get3A_754 = arith.constant 464 : index
          %get3A_755 = tpu.vector_load %get3A_752[%get3A_753, %get3A_754] {strides = array<i32>} : memref<16x512xf32, #tpu.memory_space<vmem>>, vector<1x16xf32>,
          %get3A_756 = vector.shape_cast %get3A_755 : vector<1x16xf32> to vector<1x16xf32>
          %get3A_757 = arith.constant 0 : i32
          %get3A_758 = arith.constant 0 : i32
          %get3A_759 = tpu.memref_slice %run_scoped3A_8[%rem3A_258, %get3A_757, %get3A_758] : memref<2x16x512xf32, #tpu.memory_space<vmem>> -> memref<1x16x512xf32, #tpu.memory_space<vmem>>
          %get3A_760 = tpu.memref_squeeze %get3A_759 : memref<1x16x512xf32, #tpu.memory_space<vmem>> -> memref<16x512xf32, #tpu.memory_space<vmem>>
          %get3A_761 = arith.index_cast %add3A_374 : i32 to index
          %get3A_762 = arith.constant 16 : index
          %get3A_763 = tpu.vector_load %get3A_760[%get3A_761, %get3A_762] {strides = array<i32>} : memref<16x512xf32, #tpu.memory_space<vmem>>, vector<1x16xf32>,
          %get3A_764 = vector.shape_cast %get3A_763 : vector<1x16xf32> to vector<1x16xf32>
          %get3A_765 = arith.constant 0 : i32
          %get3A_766 = arith.constant 0 : i32
          %get3A_767 = tpu.memref_slice %run_scoped3A_8[%rem3A_258, %get3A_765, %get3A_766] : memref<2x16x512xf32, #tpu.memory_space<vmem>> -> memref<1x16x512xf32, #tpu.memory_space<vmem>>
          %get3A_768 = tpu.memref_squeeze %get3A_767 : memref<1x16x512xf32, #tpu.memory_space<vmem>> -> memref<16x512xf32, #tpu.memory_space<vmem>>
          %get3A_769 = arith.index_cast %add3A_374 : i32 to index
          %get3A_770 = arith.constant 80 : index
          %get3A_771 = tpu.vector_load %get3A_768[%get3A_769, %get3A_770] {strides = array<i32>} : memref<16x512xf32, #tpu.memory_space<vmem>>, vector<1x16xf32>,
          %get3A_772 = vector.shape_cast %get3A_771 : vector<1x16xf32> to vector<1x16xf32>
          %get3A_773 = arith.constant 0 : i32
          %get3A_774 = arith.constant 0 : i32
          %get3A_775 = tpu.memref_slice %run_scoped3A_8[%rem3A_258, %get3A_773, %get3A_774] : memref<2x16x512xf32, #tpu.memory_space<vmem>> -> memref<1x16x512xf32, #tpu.memory_space<vmem>>
          %get3A_776 = tpu.memref_squeeze %get3A_775 : memref<1x16x512xf32, #tpu.memory_space<vmem>> -> memref<16x512xf32, #tpu.memory_space<vmem>>
          %get3A_777 = arith.index_cast %add3A_374 : i32 to index
          %get3A_778 = arith.constant 144 : index
          %get3A_779 = tpu.vector_load %get3A_776[%get3A_777, %get3A_778] {strides = array<i32>} : memref<16x512xf32, #tpu.memory_space<vmem>>, vector<1x16xf32>,
          %get3A_780 = vector.shape_cast %get3A_779 : vector<1x16xf32> to vector<1x16xf32>
          %get3A_781 = arith.constant 0 : i32
          %get3A_782 = arith.constant 0 : i32
          %get3A_783 = tpu.memref_slice %run_scoped3A_8[%rem3A_258, %get3A_781, %get3A_782] : memref<2x16x512xf32, #tpu.memory_space<vmem>> -> memref<1x16x512xf32, #tpu.memory_space<vmem>>
          %get3A_784 = tpu.memref_squeeze %get3A_783 : memref<1x16x512xf32, #tpu.memory_space<vmem>> -> memref<16x512xf32, #tpu.memory_space<vmem>>
          %get3A_785 = arith.index_cast %add3A_374 : i32 to index
          %get3A_786 = arith.constant 208 : index
          %get3A_787 = tpu.vector_load %get3A_784[%get3A_785, %get3A_786] {strides = array<i32>} : memref<16x512xf32, #tpu.memory_space<vmem>>, vector<1x16xf32>,
          %get3A_788 = vector.shape_cast %get3A_787 : vector<1x16xf32> to vector<1x16xf32>
          %get3A_789 = arith.constant 0 : i32
          %get3A_790 = arith.constant 0 : i32
          %get3A_791 = tpu.memref_slice %run_scoped3A_8[%rem3A_258, %get3A_789, %get3A_790] : memref<2x16x512xf32, #tpu.memory_space<vmem>> -> memref<1x16x512xf32, #tpu.memory_space<vmem>>
          %get3A_792 = tpu.memref_squeeze %get3A_791 : memref<1x16x512xf32, #tpu.memory_space<vmem>> -> memref<16x512xf32, #tpu.memory_space<vmem>>
          %get3A_793 = arith.index_cast %add3A_374 : i32 to index
          %get3A_794 = arith.constant 272 : index
          %get3A_795 = tpu.vector_load %get3A_792[%get3A_793, %get3A_794] {strides = array<i32>} : memref<16x512xf32, #tpu.memory_space<vmem>>, vector<1x16xf32>,
          %get3A_796 = vector.shape_cast %get3A_795 : vector<1x16xf32> to vector<1x16xf32>
          %get3A_797 = arith.constant 0 : i32
          %get3A_798 = arith.constant 0 : i32
          %get3A_799 = tpu.memref_slice %run_scoped3A_8[%rem3A_258, %get3A_797, %get3A_798] : memref<2x16x512xf32, #tpu.memory_space<vmem>> -> memref<1x16x512xf32, #tpu.memory_space<vmem>>
          %get3A_800 = tpu.memref_squeeze %get3A_799 : memref<1x16x512xf32, #tpu.memory_space<vmem>> -> memref<16x512xf32, #tpu.memory_space<vmem>>
          %get3A_801 = arith.index_cast %add3A_374 : i32 to index
          %get3A_802 = arith.constant 336 : index
          %get3A_803 = tpu.vector_load %get3A_800[%get3A_801, %get3A_802] {strides = array<i32>} : memref<16x512xf32, #tpu.memory_space<vmem>>, vector<1x16xf32>,
          %get3A_804 = vector.shape_cast %get3A_803 : vector<1x16xf32> to vector<1x16xf32>
          %get3A_805 = arith.constant 0 : i32
          %get3A_806 = arith.constant 0 : i32
          %get3A_807 = tpu.memref_slice %run_scoped3A_8[%rem3A_258, %get3A_805, %get3A_806] : memref<2x16x512xf32, #tpu.memory_space<vmem>> -> memref<1x16x512xf32, #tpu.memory_space<vmem>>
          %get3A_808 = tpu.memref_squeeze %get3A_807 : memref<1x16x512xf32, #tpu.memory_space<vmem>> -> memref<16x512xf32, #tpu.memory_space<vmem>>
          %get3A_809 = arith.index_cast %add3A_374 : i32 to index
          %get3A_810 = arith.constant 400 : index
          %get3A_811 = tpu.vector_load %get3A_808[%get3A_809, %get3A_810] {strides = array<i32>} : memref<16x512xf32, #tpu.memory_space<vmem>>, vector<1x16xf32>,
          %get3A_812 = vector.shape_cast %get3A_811 : vector<1x16xf32> to vector<1x16xf32>
          %get3A_813 = arith.constant 0 : i32
          %get3A_814 = arith.constant 0 : i32
          %get3A_815 = tpu.memref_slice %run_scoped3A_8[%rem3A_258, %get3A_813, %get3A_814] : memref<2x16x512xf32, #tpu.memory_space<vmem>> -> memref<1x16x512xf32, #tpu.memory_space<vmem>>
          %get3A_816 = tpu.memref_squeeze %get3A_815 : memref<1x16x512xf32, #tpu.memory_space<vmem>> -> memref<16x512xf32, #tpu.memory_space<vmem>>
          %get3A_817 = arith.index_cast %add3A_374 : i32 to index
          %get3A_818 = arith.constant 464 : index
          %get3A_819 = tpu.vector_load %get3A_816[%get3A_817, %get3A_818] {strides = array<i32>} : memref<16x512xf32, #tpu.memory_space<vmem>>, vector<1x16xf32>,
          %get3A_820 = vector.shape_cast %get3A_819 : vector<1x16xf32> to vector<1x16xf32>
          %mul3A_821 = arith.mulf %get3A_700, %get3A_764 : vector<1x16xf32>
          %mul3A_822 = arith.mulf %get3A_708, %get3A_820 : vector<1x16xf32>
          %add3A_823 = arith.addf %mul3A_821, %mul3A_822 : vector<1x16xf32>
          %mul3A_824 = arith.mulf %get3A_716, %get3A_812 : vector<1x16xf32>
          %add3A_825 = arith.addf %add3A_823, %mul3A_824 : vector<1x16xf32>
          %mul3A_826 = arith.mulf %get3A_724, %get3A_804 : vector<1x16xf32>
          %add3A_827 = arith.addf %add3A_825, %mul3A_826 : vector<1x16xf32>
          %mul3A_828 = arith.mulf %get3A_732, %get3A_796 : vector<1x16xf32>
          %add3A_829 = arith.addf %add3A_827, %mul3A_828 : vector<1x16xf32>
          %mul3A_830 = arith.mulf %get3A_740, %get3A_788 : vector<1x16xf32>
          %add3A_831 = arith.addf %add3A_829, %mul3A_830 : vector<1x16xf32>
          %mul3A_832 = arith.mulf %get3A_748, %get3A_780 : vector<1x16xf32>
          %add3A_833 = arith.addf %add3A_831, %mul3A_832 : vector<1x16xf32>
          %mul3A_834 = arith.mulf %get3A_756, %get3A_772 : vector<1x16xf32>
          %add3A_835 = arith.addf %add3A_833, %mul3A_834 : vector<1x16xf32>
          %swap3A_836 = arith.constant 0 : i32
          %swap3A_837 = arith.constant 0 : i32
          %swap3A_838 = tpu.memref_slice %run_scoped3A_10[%rem3A_260, %swap3A_836, %swap3A_837] : memref<2x16x512xf32, #tpu.memory_space<vmem>> -> memref<1x16x512xf32, #tpu.memory_space<vmem>>
          %swap3A_839 = tpu.memref_squeeze %swap3A_838 : memref<1x16x512xf32, #tpu.memory_space<vmem>> -> memref<16x512xf32, #tpu.memory_space<vmem>>
          %swap3A_840 = arith.index_cast %add3A_374 : i32 to index
          %swap3A_841 = arith.constant 16 : index
          %swap3A_842 = tpu.vector_load %swap3A_839[%swap3A_840, %swap3A_841] {strides = array<i32>} : memref<16x512xf32, #tpu.memory_space<vmem>>, vector<1x16xf32>,
          %swap3A_843 = vector.shape_cast %swap3A_842 : vector<1x16xf32> to vector<1x16xf32>
          %swap3A_844 = vector.shape_cast %add3A_835 : vector<1x16xf32> to vector<1x16xf32>
          tpu.vector_store %swap3A_839[%swap3A_840, %swap3A_841], %swap3A_844 {strides = array<i32>} : memref<16x512xf32, #tpu.memory_space<vmem>>, vector<1x16xf32>,
          %mul3A_845 = arith.mulf %get3A_700, %get3A_772 : vector<1x16xf32>
          %mul3A_846 = arith.mulf %get3A_708, %get3A_764 : vector<1x16xf32>
          %add3A_847 = arith.addf %mul3A_845, %mul3A_846 : vector<1x16xf32>
          %mul3A_848 = arith.mulf %get3A_716, %get3A_820 : vector<1x16xf32>
          %add3A_849 = arith.addf %add3A_847, %mul3A_848 : vector<1x16xf32>
          %mul3A_850 = arith.mulf %get3A_724, %get3A_812 : vector<1x16xf32>
          %add3A_851 = arith.addf %add3A_849, %mul3A_850 : vector<1x16xf32>
          %mul3A_852 = arith.mulf %get3A_732, %get3A_804 : vector<1x16xf32>
          %add3A_853 = arith.addf %add3A_851, %mul3A_852 : vector<1x16xf32>
          %mul3A_854 = arith.mulf %get3A_740, %get3A_796 : vector<1x16xf32>
          %add3A_855 = arith.addf %add3A_853, %mul3A_854 : vector<1x16xf32>
          %mul3A_856 = arith.mulf %get3A_748, %get3A_788 : vector<1x16xf32>
          %add3A_857 = arith.addf %add3A_855, %mul3A_856 : vector<1x16xf32>
          %mul3A_858 = arith.mulf %get3A_756, %get3A_780 : vector<1x16xf32>
          %add3A_859 = arith.addf %add3A_857, %mul3A_858 : vector<1x16xf32>
          %swap3A_860 = arith.constant 0 : i32
          %swap3A_861 = arith.constant 0 : i32
          %swap3A_862 = tpu.memref_slice %run_scoped3A_10[%rem3A_260, %swap3A_860, %swap3A_861] : memref<2x16x512xf32, #tpu.memory_space<vmem>> -> memref<1x16x512xf32, #tpu.memory_space<vmem>>
          %swap3A_863 = tpu.memref_squeeze %swap3A_862 : memref<1x16x512xf32, #tpu.memory_space<vmem>> -> memref<16x512xf32, #tpu.memory_space<vmem>>
          %swap3A_864 = arith.index_cast %add3A_374 : i32 to index
          %swap3A_865 = arith.constant 80 : index
          %swap3A_866 = tpu.vector_load %swap3A_863[%swap3A_864, %swap3A_865] {strides = array<i32>} : memref<16x512xf32, #tpu.memory_space<vmem>>, vector<1x16xf32>,
          %swap3A_867 = vector.shape_cast %swap3A_866 : vector<1x16xf32> to vector<1x16xf32>
          %swap3A_868 = vector.shape_cast %add3A_859 : vector<1x16xf32> to vector<1x16xf32>
          tpu.vector_store %swap3A_863[%swap3A_864, %swap3A_865], %swap3A_868 {strides = array<i32>} : memref<16x512xf32, #tpu.memory_space<vmem>>, vector<1x16xf32>,
          %mul3A_869 = arith.mulf %get3A_700, %get3A_780 : vector<1x16xf32>
          %mul3A_870 = arith.mulf %get3A_708, %get3A_772 : vector<1x16xf32>
          %add3A_871 = arith.addf %mul3A_869, %mul3A_870 : vector<1x16xf32>
          %mul3A_872 = arith.mulf %get3A_716, %get3A_764 : vector<1x16xf32>
          %add3A_873 = arith.addf %add3A_871, %mul3A_872 : vector<1x16xf32>
          %mul3A_874 = arith.mulf %get3A_724, %get3A_820 : vector<1x16xf32>
          %add3A_875 = arith.addf %add3A_873, %mul3A_874 : vector<1x16xf32>
          %mul3A_876 = arith.mulf %get3A_732, %get3A_812 : vector<1x16xf32>
          %add3A_877 = arith.addf %add3A_875, %mul3A_876 : vector<1x16xf32>
          %mul3A_878 = arith.mulf %get3A_740, %get3A_804 : vector<1x16xf32>
          %add3A_879 = arith.addf %add3A_877, %mul3A_878 : vector<1x16xf32>
          %mul3A_880 = arith.mulf %get3A_748, %get3A_796 : vector<1x16xf32>
          %add3A_881 = arith.addf %add3A_879, %mul3A_880 : vector<1x16xf32>
          %mul3A_882 = arith.mulf %get3A_756, %get3A_788 : vector<1x16xf32>
          %add3A_883 = arith.addf %add3A_881, %mul3A_882 : vector<1x16xf32>
          %swap3A_884 = arith.constant 0 : i32
          %swap3A_885 = arith.constant 0 : i32
          %swap3A_886 = tpu.memref_slice %run_scoped3A_10[%rem3A_260, %swap3A_884, %swap3A_885] : memref<2x16x512xf32, #tpu.memory_space<vmem>> -> memref<1x16x512xf32, #tpu.memory_space<vmem>>
          %swap3A_887 = tpu.memref_squeeze %swap3A_886 : memref<1x16x512xf32, #tpu.memory_space<vmem>> -> memref<16x512xf32, #tpu.memory_space<vmem>>
          %swap3A_888 = arith.index_cast %add3A_374 : i32 to index
          %swap3A_889 = arith.constant 144 : index
          %swap3A_890 = tpu.vector_load %swap3A_887[%swap3A_888, %swap3A_889] {strides = array<i32>} : memref<16x512xf32, #tpu.memory_space<vmem>>, vector<1x16xf32>,
          %swap3A_891 = vector.shape_cast %swap3A_890 : vector<1x16xf32> to vector<1x16xf32>
          %swap3A_892 = vector.shape_cast %add3A_883 : vector<1x16xf32> to vector<1x16xf32>
          tpu.vector_store %swap3A_887[%swap3A_888, %swap3A_889], %swap3A_892 {strides = array<i32>} : memref<16x512xf32, #tpu.memory_space<vmem>>, vector<1x16xf32>,
          %mul3A_893 = arith.mulf %get3A_700, %get3A_788 : vector<1x16xf32>
          %mul3A_894 = arith.mulf %get3A_708, %get3A_780 : vector<1x16xf32>
          %add3A_895 = arith.addf %mul3A_893, %mul3A_894 : vector<1x16xf32>
          %mul3A_896 = arith.mulf %get3A_716, %get3A_772 : vector<1x16xf32>
          %add3A_897 = arith.addf %add3A_895, %mul3A_896 : vector<1x16xf32>
          %mul3A_898 = arith.mulf %get3A_724, %get3A_764 : vector<1x16xf32>
          %add3A_899 = arith.addf %add3A_897, %mul3A_898 : vector<1x16xf32>
          %mul3A_900 = arith.mulf %get3A_732, %get3A_820 : vector<1x16xf32>
          %add3A_901 = arith.addf %add3A_899, %mul3A_900 : vector<1x16xf32>
          %mul3A_902 = arith.mulf %get3A_740, %get3A_812 : vector<1x16xf32>
          %add3A_903 = arith.addf %add3A_901, %mul3A_902 : vector<1x16xf32>
          %mul3A_904 = arith.mulf %get3A_748, %get3A_804 : vector<1x16xf32>
          %add3A_905 = arith.addf %add3A_903, %mul3A_904 : vector<1x16xf32>
          %mul3A_906 = arith.mulf %get3A_756, %get3A_796 : vector<1x16xf32>
          %add3A_907 = arith.addf %add3A_905, %mul3A_906 : vector<1x16xf32>
          %swap3A_908 = arith.constant 0 : i32
          %swap3A_909 = arith.constant 0 : i32
          %swap3A_910 = tpu.memref_slice %run_scoped3A_10[%rem3A_260, %swap3A_908, %swap3A_909] : memref<2x16x512xf32, #tpu.memory_space<vmem>> -> memref<1x16x512xf32, #tpu.memory_space<vmem>>
          %swap3A_911 = tpu.memref_squeeze %swap3A_910 : memref<1x16x512xf32, #tpu.memory_space<vmem>> -> memref<16x512xf32, #tpu.memory_space<vmem>>
          %swap3A_912 = arith.index_cast %add3A_374 : i32 to index
          %swap3A_913 = arith.constant 208 : index
          %swap3A_914 = tpu.vector_load %swap3A_911[%swap3A_912, %swap3A_913] {strides = array<i32>} : memref<16x512xf32, #tpu.memory_space<vmem>>, vector<1x16xf32>,
          %swap3A_915 = vector.shape_cast %swap3A_914 : vector<1x16xf32> to vector<1x16xf32>
          %swap3A_916 = vector.shape_cast %add3A_907 : vector<1x16xf32> to vector<1x16xf32>
          tpu.vector_store %swap3A_911[%swap3A_912, %swap3A_913], %swap3A_916 {strides = array<i32>} : memref<16x512xf32, #tpu.memory_space<vmem>>, vector<1x16xf32>,
          %mul3A_917 = arith.mulf %get3A_700, %get3A_796 : vector<1x16xf32>
          %mul3A_918 = arith.mulf %get3A_708, %get3A_788 : vector<1x16xf32>
          %add3A_919 = arith.addf %mul3A_917, %mul3A_918 : vector<1x16xf32>
          %mul3A_920 = arith.mulf %get3A_716, %get3A_780 : vector<1x16xf32>
          %add3A_921 = arith.addf %add3A_919, %mul3A_920 : vector<1x16xf32>
          %mul3A_922 = arith.mulf %get3A_724, %get3A_772 : vector<1x16xf32>
          %add3A_923 = arith.addf %add3A_921, %mul3A_922 : vector<1x16xf32>
          %mul3A_924 = arith.mulf %get3A_732, %get3A_764 : vector<1x16xf32>
          %add3A_925 = arith.addf %add3A_923, %mul3A_924 : vector<1x16xf32>
          %mul3A_926 = arith.mulf %get3A_740, %get3A_820 : vector<1x16xf32>
          %add3A_927 = arith.addf %add3A_925, %mul3A_926 : vector<1x16xf32>
          %mul3A_928 = arith.mulf %get3A_748, %get3A_812 : vector<1x16xf32>
          %add3A_929 = arith.addf %add3A_927, %mul3A_928 : vector<1x16xf32>
          %mul3A_930 = arith.mulf %get3A_756, %get3A_804 : vector<1x16xf32>
          %add3A_931 = arith.addf %add3A_929, %mul3A_930 : vector<1x16xf32>
          %swap3A_932 = arith.constant 0 : i32
          %swap3A_933 = arith.constant 0 : i32
          %swap3A_934 = tpu.memref_slice %run_scoped3A_10[%rem3A_260, %swap3A_932, %swap3A_933] : memref<2x16x512xf32, #tpu.memory_space<vmem>> -> memref<1x16x512xf32, #tpu.memory_space<vmem>>
          %swap3A_935 = tpu.memref_squeeze %swap3A_934 : memref<1x16x512xf32, #tpu.memory_space<vmem>> -> memref<16x512xf32, #tpu.memory_space<vmem>>
          %swap3A_936 = arith.index_cast %add3A_374 : i32 to index
          %swap3A_937 = arith.constant 272 : index
          %swap3A_938 = tpu.vector_load %swap3A_935[%swap3A_936, %swap3A_937] {strides = array<i32>} : memref<16x512xf32, #tpu.memory_space<vmem>>, vector<1x16xf32>,
          %swap3A_939 = vector.shape_cast %swap3A_938 : vector<1x16xf32> to vector<1x16xf32>
          %swap3A_940 = vector.shape_cast %add3A_931 : vector<1x16xf32> to vector<1x16xf32>
          tpu.vector_store %swap3A_935[%swap3A_936, %swap3A_937], %swap3A_940 {strides = array<i32>} : memref<16x512xf32, #tpu.memory_space<vmem>>, vector<1x16xf32>,
          %mul3A_941 = arith.mulf %get3A_700, %get3A_804 : vector<1x16xf32>
          %mul3A_942 = arith.mulf %get3A_708, %get3A_796 : vector<1x16xf32>
          %add3A_943 = arith.addf %mul3A_941, %mul3A_942 : vector<1x16xf32>
          %mul3A_944 = arith.mulf %get3A_716, %get3A_788 : vector<1x16xf32>
          %add3A_945 = arith.addf %add3A_943, %mul3A_944 : vector<1x16xf32>
          %mul3A_946 = arith.mulf %get3A_724, %get3A_780 : vector<1x16xf32>
          %add3A_947 = arith.addf %add3A_945, %mul3A_946 : vector<1x16xf32>
          %mul3A_948 = arith.mulf %get3A_732, %get3A_772 : vector<1x16xf32>
          %add3A_949 = arith.addf %add3A_947, %mul3A_948 : vector<1x16xf32>
          %mul3A_950 = arith.mulf %get3A_740, %get3A_764 : vector<1x16xf32>
          %add3A_951 = arith.addf %add3A_949, %mul3A_950 : vector<1x16xf32>
          %mul3A_952 = arith.mulf %get3A_748, %get3A_820 : vector<1x16xf32>
          %add3A_953 = arith.addf %add3A_951, %mul3A_952 : vector<1x16xf32>
          %mul3A_954 = arith.mulf %get3A_756, %get3A_812 : vector<1x16xf32>
          %add3A_955 = arith.addf %add3A_953, %mul3A_954 : vector<1x16xf32>
          %swap3A_956 = arith.constant 0 : i32
          %swap3A_957 = arith.constant 0 : i32
          %swap3A_958 = tpu.memref_slice %run_scoped3A_10[%rem3A_260, %swap3A_956, %swap3A_957] : memref<2x16x512xf32, #tpu.memory_space<vmem>> -> memref<1x16x512xf32, #tpu.memory_space<vmem>>
          %swap3A_959 = tpu.memref_squeeze %swap3A_958 : memref<1x16x512xf32, #tpu.memory_space<vmem>> -> memref<16x512xf32, #tpu.memory_space<vmem>>
          %swap3A_960 = arith.index_cast %add3A_374 : i32 to index
          %swap3A_961 = arith.constant 336 : index
          %swap3A_962 = tpu.vector_load %swap3A_959[%swap3A_960, %swap3A_961] {strides = array<i32>} : memref<16x512xf32, #tpu.memory_space<vmem>>, vector<1x16xf32>,
          %swap3A_963 = vector.shape_cast %swap3A_962 : vector<1x16xf32> to vector<1x16xf32>
          %swap3A_964 = vector.shape_cast %add3A_955 : vector<1x16xf32> to vector<1x16xf32>
          tpu.vector_store %swap3A_959[%swap3A_960, %swap3A_961], %swap3A_964 {strides = array<i32>} : memref<16x512xf32, #tpu.memory_space<vmem>>, vector<1x16xf32>,
          %mul3A_965 = arith.mulf %get3A_700, %get3A_812 : vector<1x16xf32>
          %mul3A_966 = arith.mulf %get3A_708, %get3A_804 : vector<1x16xf32>
          %add3A_967 = arith.addf %mul3A_965, %mul3A_966 : vector<1x16xf32>
          %mul3A_968 = arith.mulf %get3A_716, %get3A_796 : vector<1x16xf32>
          %add3A_969 = arith.addf %add3A_967, %mul3A_968 : vector<1x16xf32>
          %mul3A_970 = arith.mulf %get3A_724, %get3A_788 : vector<1x16xf32>
          %add3A_971 = arith.addf %add3A_969, %mul3A_970 : vector<1x16xf32>
          %mul3A_972 = arith.mulf %get3A_732, %get3A_780 : vector<1x16xf32>
          %add3A_973 = arith.addf %add3A_971, %mul3A_972 : vector<1x16xf32>
          %mul3A_974 = arith.mulf %get3A_740, %get3A_772 : vector<1x16xf32>
          %add3A_975 = arith.addf %add3A_973, %mul3A_974 : vector<1x16xf32>
          %mul3A_976 = arith.mulf %get3A_748, %get3A_764 : vector<1x16xf32>
          %add3A_977 = arith.addf %add3A_975, %mul3A_976 : vector<1x16xf32>
          %mul3A_978 = arith.mulf %get3A_756, %get3A_820 : vector<1x16xf32>
          %add3A_979 = arith.addf %add3A_977, %mul3A_978 : vector<1x16xf32>
          %swap3A_980 = arith.constant 0 : i32
          %swap3A_981 = arith.constant 0 : i32
          %swap3A_982 = tpu.memref_slice %run_scoped3A_10[%rem3A_260, %swap3A_980, %swap3A_981] : memref<2x16x512xf32, #tpu.memory_space<vmem>> -> memref<1x16x512xf32, #tpu.memory_space<vmem>>
          %swap3A_983 = tpu.memref_squeeze %swap3A_982 : memref<1x16x512xf32, #tpu.memory_space<vmem>> -> memref<16x512xf32, #tpu.memory_space<vmem>>
          %swap3A_984 = arith.index_cast %add3A_374 : i32 to index
          %swap3A_985 = arith.constant 400 : index
          %swap3A_986 = tpu.vector_load %swap3A_983[%swap3A_984, %swap3A_985] {strides = array<i32>} : memref<16x512xf32, #tpu.memory_space<vmem>>, vector<1x16xf32>,
          %swap3A_987 = vector.shape_cast %swap3A_986 : vector<1x16xf32> to vector<1x16xf32>
          %swap3A_988 = vector.shape_cast %add3A_979 : vector<1x16xf32> to vector<1x16xf32>
          tpu.vector_store %swap3A_983[%swap3A_984, %swap3A_985], %swap3A_988 {strides = array<i32>} : memref<16x512xf32, #tpu.memory_space<vmem>>, vector<1x16xf32>,
          %mul3A_989 = arith.mulf %get3A_700, %get3A_820 : vector<1x16xf32>
          %mul3A_990 = arith.mulf %get3A_708, %get3A_812 : vector<1x16xf32>
          %add3A_991 = arith.addf %mul3A_989, %mul3A_990 : vector<1x16xf32>
          %mul3A_992 = arith.mulf %get3A_716, %get3A_804 : vector<1x16xf32>
          %add3A_993 = arith.addf %add3A_991, %mul3A_992 : vector<1x16xf32>
          %mul3A_994 = arith.mulf %get3A_724, %get3A_796 : vector<1x16xf32>
          %add3A_995 = arith.addf %add3A_993, %mul3A_994 : vector<1x16xf32>
          %mul3A_996 = arith.mulf %get3A_732, %get3A_788 : vector<1x16xf32>
          %add3A_997 = arith.addf %add3A_995, %mul3A_996 : vector<1x16xf32>
          %mul3A_998 = arith.mulf %get3A_740, %get3A_780 : vector<1x16xf32>
          %add3A_999 = arith.addf %add3A_997, %mul3A_998 : vector<1x16xf32>
          %mul3A_1000 = arith.mulf %get3A_748, %get3A_772 : vector<1x16xf32>
          %add3A_1001 = arith.addf %add3A_999, %mul3A_1000 : vector<1x16xf32>
          %mul3A_1002 = arith.mulf %get3A_756, %get3A_764 : vector<1x16xf32>
          %add3A_1003 = arith.addf %add3A_1001, %mul3A_1002 : vector<1x16xf32>
          %swap3A_1004 = arith.constant 0 : i32
          %swap3A_1005 = arith.constant 0 : i32
          %swap3A_1006 = tpu.memref_slice %run_scoped3A_10[%rem3A_260, %swap3A_1004, %swap3A_1005] : memref<2x16x512xf32, #tpu.memory_space<vmem>> -> memref<1x16x512xf32, #tpu.memory_space<vmem>>
          %swap3A_1007 = tpu.memref_squeeze %swap3A_1006 : memref<1x16x512xf32, #tpu.memory_space<vmem>> -> memref<16x512xf32, #tpu.memory_space<vmem>>
          %swap3A_1008 = arith.index_cast %add3A_374 : i32 to index
          %swap3A_1009 = arith.constant 464 : index
          %swap3A_1010 = tpu.vector_load %swap3A_1007[%swap3A_1008, %swap3A_1009] {strides = array<i32>} : memref<16x512xf32, #tpu.memory_space<vmem>>, vector<1x16xf32>,
          %swap3A_1011 = vector.shape_cast %swap3A_1010 : vector<1x16xf32> to vector<1x16xf32>
          %swap3A_1012 = vector.shape_cast %add3A_1003 : vector<1x16xf32> to vector<1x16xf32>
          tpu.vector_store %swap3A_1007[%swap3A_1008, %swap3A_1009], %swap3A_1012 {strides = array<i32>} : memref<16x512xf32, #tpu.memory_space<vmem>>, vector<1x16xf32>,
          %get3A_1013 = arith.constant 0 : i32
          %get3A_1014 = arith.constant 0 : i32
          %get3A_1015 = tpu.memref_slice %run_scoped3A[%rem3A_256, %get3A_1013, %get3A_1014] : memref<2x16x512xf32, #tpu.memory_space<vmem>> -> memref<1x16x512xf32, #tpu.memory_space<vmem>>
          %get3A_1016 = tpu.memref_squeeze %get3A_1015 : memref<1x16x512xf32, #tpu.memory_space<vmem>> -> memref<16x512xf32, #tpu.memory_space<vmem>>
          %get3A_1017 = arith.index_cast %add3A_374 : i32 to index
          %get3A_1018 = arith.constant 32 : index
          %get3A_1019 = tpu.vector_load %get3A_1016[%get3A_1017, %get3A_1018] {strides = array<i32>} : memref<16x512xf32, #tpu.memory_space<vmem>>, vector<1x16xf32>,
          %get3A_1020 = vector.shape_cast %get3A_1019 : vector<1x16xf32> to vector<1x16xf32>
          %get3A_1021 = arith.constant 0 : i32
          %get3A_1022 = arith.constant 0 : i32
          %get3A_1023 = tpu.memref_slice %run_scoped3A[%rem3A_256, %get3A_1021, %get3A_1022] : memref<2x16x512xf32, #tpu.memory_space<vmem>> -> memref<1x16x512xf32, #tpu.memory_space<vmem>>
          %get3A_1024 = tpu.memref_squeeze %get3A_1023 : memref<1x16x512xf32, #tpu.memory_space<vmem>> -> memref<16x512xf32, #tpu.memory_space<vmem>>
          %get3A_1025 = arith.index_cast %add3A_374 : i32 to index
          %get3A_1026 = arith.constant 96 : index
          %get3A_1027 = tpu.vector_load %get3A_1024[%get3A_1025, %get3A_1026] {strides = array<i32>} : memref<16x512xf32, #tpu.memory_space<vmem>>, vector<1x16xf32>,
          %get3A_1028 = vector.shape_cast %get3A_1027 : vector<1x16xf32> to vector<1x16xf32>
          %get3A_1029 = arith.constant 0 : i32
          %get3A_1030 = arith.constant 0 : i32
          %get3A_1031 = tpu.memref_slice %run_scoped3A[%rem3A_256, %get3A_1029, %get3A_1030] : memref<2x16x512xf32, #tpu.memory_space<vmem>> -> memref<1x16x512xf32, #tpu.memory_space<vmem>>
          %get3A_1032 = tpu.memref_squeeze %get3A_1031 : memref<1x16x512xf32, #tpu.memory_space<vmem>> -> memref<16x512xf32, #tpu.memory_space<vmem>>
          %get3A_1033 = arith.index_cast %add3A_374 : i32 to index
          %get3A_1034 = arith.constant 160 : index
          %get3A_1035 = tpu.vector_load %get3A_1032[%get3A_1033, %get3A_1034] {strides = array<i32>} : memref<16x512xf32, #tpu.memory_space<vmem>>, vector<1x16xf32>,
          %get3A_1036 = vector.shape_cast %get3A_1035 : vector<1x16xf32> to vector<1x16xf32>
          %get3A_1037 = arith.constant 0 : i32
          %get3A_1038 = arith.constant 0 : i32
          %get3A_1039 = tpu.memref_slice %run_scoped3A[%rem3A_256, %get3A_1037, %get3A_1038] : memref<2x16x512xf32, #tpu.memory_space<vmem>> -> memref<1x16x512xf32, #tpu.memory_space<vmem>>
          %get3A_1040 = tpu.memref_squeeze %get3A_1039 : memref<1x16x512xf32, #tpu.memory_space<vmem>> -> memref<16x512xf32, #tpu.memory_space<vmem>>
          %get3A_1041 = arith.index_cast %add3A_374 : i32 to index
          %get3A_1042 = arith.constant 224 : index
          %get3A_1043 = tpu.vector_load %get3A_1040[%get3A_1041, %get3A_1042] {strides = array<i32>} : memref<16x512xf32, #tpu.memory_space<vmem>>, vector<1x16xf32>,
          %get3A_1044 = vector.shape_cast %get3A_1043 : vector<1x16xf32> to vector<1x16xf32>
          %get3A_1045 = arith.constant 0 : i32
          %get3A_1046 = arith.constant 0 : i32
          %get3A_1047 = tpu.memref_slice %run_scoped3A[%rem3A_256, %get3A_1045, %get3A_1046] : memref<2x16x512xf32, #tpu.memory_space<vmem>> -> memref<1x16x512xf32, #tpu.memory_space<vmem>>
          %get3A_1048 = tpu.memref_squeeze %get3A_1047 : memref<1x16x512xf32, #tpu.memory_space<vmem>> -> memref<16x512xf32, #tpu.memory_space<vmem>>
          %get3A_1049 = arith.index_cast %add3A_374 : i32 to index
          %get3A_1050 = arith.constant 288 : index
          %get3A_1051 = tpu.vector_load %get3A_1048[%get3A_1049, %get3A_1050] {strides = array<i32>} : memref<16x512xf32, #tpu.memory_space<vmem>>, vector<1x16xf32>,
          %get3A_1052 = vector.shape_cast %get3A_1051 : vector<1x16xf32> to vector<1x16xf32>
          %get3A_1053 = arith.constant 0 : i32
          %get3A_1054 = arith.constant 0 : i32
          %get3A_1055 = tpu.memref_slice %run_scoped3A[%rem3A_256, %get3A_1053, %get3A_1054] : memref<2x16x512xf32, #tpu.memory_space<vmem>> -> memref<1x16x512xf32, #tpu.memory_space<vmem>>
          %get3A_1056 = tpu.memref_squeeze %get3A_1055 : memref<1x16x512xf32, #tpu.memory_space<vmem>> -> memref<16x512xf32, #tpu.memory_space<vmem>>
          %get3A_1057 = arith.index_cast %add3A_374 : i32 to index
          %get3A_1058 = arith.constant 352 : index
          %get3A_1059 = tpu.vector_load %get3A_1056[%get3A_1057, %get3A_1058] {strides = array<i32>} : memref<16x512xf32, #tpu.memory_space<vmem>>, vector<1x16xf32>,
          %get3A_1060 = vector.shape_cast %get3A_1059 : vector<1x16xf32> to vector<1x16xf32>
          %get3A_1061 = arith.constant 0 : i32
          %get3A_1062 = arith.constant 0 : i32
          %get3A_1063 = tpu.memref_slice %run_scoped3A[%rem3A_256, %get3A_1061, %get3A_1062] : memref<2x16x512xf32, #tpu.memory_space<vmem>> -> memref<1x16x512xf32, #tpu.memory_space<vmem>>
          %get3A_1064 = tpu.memref_squeeze %get3A_1063 : memref<1x16x512xf32, #tpu.memory_space<vmem>> -> memref<16x512xf32, #tpu.memory_space<vmem>>
          %get3A_1065 = arith.index_cast %add3A_374 : i32 to index
          %get3A_1066 = arith.constant 416 : index
          %get3A_1067 = tpu.vector_load %get3A_1064[%get3A_1065, %get3A_1066] {strides = array<i32>} : memref<16x512xf32, #tpu.memory_space<vmem>>, vector<1x16xf32>,
          %get3A_1068 = vector.shape_cast %get3A_1067 : vector<1x16xf32> to vector<1x16xf32>
          %get3A_1069 = arith.constant 0 : i32
          %get3A_1070 = arith.constant 0 : i32
          %get3A_1071 = tpu.memref_slice %run_scoped3A[%rem3A_256, %get3A_1069, %get3A_1070] : memref<2x16x512xf32, #tpu.memory_space<vmem>> -> memref<1x16x512xf32, #tpu.memory_space<vmem>>
          %get3A_1072 = tpu.memref_squeeze %get3A_1071 : memref<1x16x512xf32, #tpu.memory_space<vmem>> -> memref<16x512xf32, #tpu.memory_space<vmem>>
          %get3A_1073 = arith.index_cast %add3A_374 : i32 to index
          %get3A_1074 = arith.constant 480 : index
          %get3A_1075 = tpu.vector_load %get3A_1072[%get3A_1073, %get3A_1074] {strides = array<i32>} : memref<16x512xf32, #tpu.memory_space<vmem>>, vector<1x16xf32>,
          %get3A_1076 = vector.shape_cast %get3A_1075 : vector<1x16xf32> to vector<1x16xf32>
          %get3A_1077 = arith.constant 0 : i32
          %get3A_1078 = arith.constant 0 : i32
          %get3A_1079 = tpu.memref_slice %run_scoped3A_8[%rem3A_258, %get3A_1077, %get3A_1078] : memref<2x16x512xf32, #tpu.memory_space<vmem>> -> memref<1x16x512xf32, #tpu.memory_space<vmem>>
          %get3A_1080 = tpu.memref_squeeze %get3A_1079 : memref<1x16x512xf32, #tpu.memory_space<vmem>> -> memref<16x512xf32, #tpu.memory_space<vmem>>
          %get3A_1081 = arith.index_cast %add3A_374 : i32 to index
          %get3A_1082 = arith.constant 32 : index
          %get3A_1083 = tpu.vector_load %get3A_1080[%get3A_1081, %get3A_1082] {strides = array<i32>} : memref<16x512xf32, #tpu.memory_space<vmem>>, vector<1x16xf32>,
          %get3A_1084 = vector.shape_cast %get3A_1083 : vector<1x16xf32> to vector<1x16xf32>
          %get3A_1085 = arith.constant 0 : i32
          %get3A_1086 = arith.constant 0 : i32
          %get3A_1087 = tpu.memref_slice %run_scoped3A_8[%rem3A_258, %get3A_1085, %get3A_1086] : memref<2x16x512xf32, #tpu.memory_space<vmem>> -> memref<1x16x512xf32, #tpu.memory_space<vmem>>
          %get3A_1088 = tpu.memref_squeeze %get3A_1087 : memref<1x16x512xf32, #tpu.memory_space<vmem>> -> memref<16x512xf32, #tpu.memory_space<vmem>>
          %get3A_1089 = arith.index_cast %add3A_374 : i32 to index
          %get3A_1090 = arith.constant 96 : index
          %get3A_1091 = tpu.vector_load %get3A_1088[%get3A_1089, %get3A_1090] {strides = array<i32>} : memref<16x512xf32, #tpu.memory_space<vmem>>, vector<1x16xf32>,
          %get3A_1092 = vector.shape_cast %get3A_1091 : vector<1x16xf32> to vector<1x16xf32>
          %get3A_1093 = arith.constant 0 : i32
          %get3A_1094 = arith.constant 0 : i32
          %get3A_1095 = tpu.memref_slice %run_scoped3A_8[%rem3A_258, %get3A_1093, %get3A_1094] : memref<2x16x512xf32, #tpu.memory_space<vmem>> -> memref<1x16x512xf32, #tpu.memory_space<vmem>>
          %get3A_1096 = tpu.memref_squeeze %get3A_1095 : memref<1x16x512xf32, #tpu.memory_space<vmem>> -> memref<16x512xf32, #tpu.memory_space<vmem>>
          %get3A_1097 = arith.index_cast %add3A_374 : i32 to index
          %get3A_1098 = arith.constant 160 : index
          %get3A_1099 = tpu.vector_load %get3A_1096[%get3A_1097, %get3A_1098] {strides = array<i32>} : memref<16x512xf32, #tpu.memory_space<vmem>>, vector<1x16xf32>,
          %get3A_1100 = vector.shape_cast %get3A_1099 : vector<1x16xf32> to vector<1x16xf32>
          %get3A_1101 = arith.constant 0 : i32
          %get3A_1102 = arith.constant 0 : i32
          %get3A_1103 = tpu.memref_slice %run_scoped3A_8[%rem3A_258, %get3A_1101, %get3A_1102] : memref<2x16x512xf32, #tpu.memory_space<vmem>> -> memref<1x16x512xf32, #tpu.memory_space<vmem>>
          %get3A_1104 = tpu.memref_squeeze %get3A_1103 : memref<1x16x512xf32, #tpu.memory_space<vmem>> -> memref<16x512xf32, #tpu.memory_space<vmem>>
          %get3A_1105 = arith.index_cast %add3A_374 : i32 to index
          %get3A_1106 = arith.constant 224 : index
          %get3A_1107 = tpu.vector_load %get3A_1104[%get3A_1105, %get3A_1106] {strides = array<i32>} : memref<16x512xf32, #tpu.memory_space<vmem>>, vector<1x16xf32>,
          %get3A_1108 = vector.shape_cast %get3A_1107 : vector<1x16xf32> to vector<1x16xf32>
          %get3A_1109 = arith.constant 0 : i32
          %get3A_1110 = arith.constant 0 : i32
          %get3A_1111 = tpu.memref_slice %run_scoped3A_8[%rem3A_258, %get3A_1109, %get3A_1110] : memref<2x16x512xf32, #tpu.memory_space<vmem>> -> memref<1x16x512xf32, #tpu.memory_space<vmem>>
          %get3A_1112 = tpu.memref_squeeze %get3A_1111 : memref<1x16x512xf32, #tpu.memory_space<vmem>> -> memref<16x512xf32, #tpu.memory_space<vmem>>
          %get3A_1113 = arith.index_cast %add3A_374 : i32 to index
          %get3A_1114 = arith.constant 288 : index
          %get3A_1115 = tpu.vector_load %get3A_1112[%get3A_1113, %get3A_1114] {strides = array<i32>} : memref<16x512xf32, #tpu.memory_space<vmem>>, vector<1x16xf32>,
          %get3A_1116 = vector.shape_cast %get3A_1115 : vector<1x16xf32> to vector<1x16xf32>
          %get3A_1117 = arith.constant 0 : i32
          %get3A_1118 = arith.constant 0 : i32
          %get3A_1119 = tpu.memref_slice %run_scoped3A_8[%rem3A_258, %get3A_1117, %get3A_1118] : memref<2x16x512xf32, #tpu.memory_space<vmem>> -> memref<1x16x512xf32, #tpu.memory_space<vmem>>
          %get3A_1120 = tpu.memref_squeeze %get3A_1119 : memref<1x16x512xf32, #tpu.memory_space<vmem>> -> memref<16x512xf32, #tpu.memory_space<vmem>>
          %get3A_1121 = arith.index_cast %add3A_374 : i32 to index
          %get3A_1122 = arith.constant 352 : index
          %get3A_1123 = tpu.vector_load %get3A_1120[%get3A_1121, %get3A_1122] {strides = array<i32>} : memref<16x512xf32, #tpu.memory_space<vmem>>, vector<1x16xf32>,
          %get3A_1124 = vector.shape_cast %get3A_1123 : vector<1x16xf32> to vector<1x16xf32>
          %get3A_1125 = arith.constant 0 : i32
          %get3A_1126 = arith.constant 0 : i32
          %get3A_1127 = tpu.memref_slice %run_scoped3A_8[%rem3A_258, %get3A_1125, %get3A_1126] : memref<2x16x512xf32, #tpu.memory_space<vmem>> -> memref<1x16x512xf32, #tpu.memory_space<vmem>>
          %get3A_1128 = tpu.memref_squeeze %get3A_1127 : memref<1x16x512xf32, #tpu.memory_space<vmem>> -> memref<16x512xf32, #tpu.memory_space<vmem>>
          %get3A_1129 = arith.index_cast %add3A_374 : i32 to index
          %get3A_1130 = arith.constant 416 : index
          %get3A_1131 = tpu.vector_load %get3A_1128[%get3A_1129, %get3A_1130] {strides = array<i32>} : memref<16x512xf32, #tpu.memory_space<vmem>>, vector<1x16xf32>,
          %get3A_1132 = vector.shape_cast %get3A_1131 : vector<1x16xf32> to vector<1x16xf32>
          %get3A_1133 = arith.constant 0 : i32
          %get3A_1134 = arith.constant 0 : i32
          %get3A_1135 = tpu.memref_slice %run_scoped3A_8[%rem3A_258, %get3A_1133, %get3A_1134] : memref<2x16x512xf32, #tpu.memory_space<vmem>> -> memref<1x16x512xf32, #tpu.memory_space<vmem>>
          %get3A_1136 = tpu.memref_squeeze %get3A_1135 : memref<1x16x512xf32, #tpu.memory_space<vmem>> -> memref<16x512xf32, #tpu.memory_space<vmem>>
          %get3A_1137 = arith.index_cast %add3A_374 : i32 to index
          %get3A_1138 = arith.constant 480 : index
          %get3A_1139 = tpu.vector_load %get3A_1136[%get3A_1137, %get3A_1138] {strides = array<i32>} : memref<16x512xf32, #tpu.memory_space<vmem>>, vector<1x16xf32>,
          %get3A_1140 = vector.shape_cast %get3A_1139 : vector<1x16xf32> to vector<1x16xf32>
          %mul3A_1141 = arith.mulf %get3A_1020, %get3A_1084 : vector<1x16xf32>
          %mul3A_1142 = arith.mulf %get3A_1028, %get3A_1140 : vector<1x16xf32>
          %add3A_1143 = arith.addf %mul3A_1141, %mul3A_1142 : vector<1x16xf32>
          %mul3A_1144 = arith.mulf %get3A_1036, %get3A_1132 : vector<1x16xf32>
          %add3A_1145 = arith.addf %add3A_1143, %mul3A_1144 : vector<1x16xf32>
          %mul3A_1146 = arith.mulf %get3A_1044, %get3A_1124 : vector<1x16xf32>
          %add3A_1147 = arith.addf %add3A_1145, %mul3A_1146 : vector<1x16xf32>
          %mul3A_1148 = arith.mulf %get3A_1052, %get3A_1116 : vector<1x16xf32>
          %add3A_1149 = arith.addf %add3A_1147, %mul3A_1148 : vector<1x16xf32>
          %mul3A_1150 = arith.mulf %get3A_1060, %get3A_1108 : vector<1x16xf32>
          %add3A_1151 = arith.addf %add3A_1149, %mul3A_1150 : vector<1x16xf32>
          %mul3A_1152 = arith.mulf %get3A_1068, %get3A_1100 : vector<1x16xf32>
          %add3A_1153 = arith.addf %add3A_1151, %mul3A_1152 : vector<1x16xf32>
          %mul3A_1154 = arith.mulf %get3A_1076, %get3A_1092 : vector<1x16xf32>
          %add3A_1155 = arith.addf %add3A_1153, %mul3A_1154 : vector<1x16xf32>
          %swap3A_1156 = arith.constant 0 : i32
          %swap3A_1157 = arith.constant 0 : i32
          %swap3A_1158 = tpu.memref_slice %run_scoped3A_10[%rem3A_260, %swap3A_1156, %swap3A_1157] : memref<2x16x512xf32, #tpu.memory_space<vmem>> -> memref<1x16x512xf32, #tpu.memory_space<vmem>>
          %swap3A_1159 = tpu.memref_squeeze %swap3A_1158 : memref<1x16x512xf32, #tpu.memory_space<vmem>> -> memref<16x512xf32, #tpu.memory_space<vmem>>
          %swap3A_1160 = arith.index_cast %add3A_374 : i32 to index
          %swap3A_1161 = arith.constant 32 : index
          %swap3A_1162 = tpu.vector_load %swap3A_1159[%swap3A_1160, %swap3A_1161] {strides = array<i32>} : memref<16x512xf32, #tpu.memory_space<vmem>>, vector<1x16xf32>,
          %swap3A_1163 = vector.shape_cast %swap3A_1162 : vector<1x16xf32> to vector<1x16xf32>
          %swap3A_1164 = vector.shape_cast %add3A_1155 : vector<1x16xf32> to vector<1x16xf32>
          tpu.vector_store %swap3A_1159[%swap3A_1160, %swap3A_1161], %swap3A_1164 {strides = array<i32>} : memref<16x512xf32, #tpu.memory_space<vmem>>, vector<1x16xf32>,
          %mul3A_1165 = arith.mulf %get3A_1020, %get3A_1092 : vector<1x16xf32>
          %mul3A_1166 = arith.mulf %get3A_1028, %get3A_1084 : vector<1x16xf32>
          %add3A_1167 = arith.addf %mul3A_1165, %mul3A_1166 : vector<1x16xf32>
          %mul3A_1168 = arith.mulf %get3A_1036, %get3A_1140 : vector<1x16xf32>
          %add3A_1169 = arith.addf %add3A_1167, %mul3A_1168 : vector<1x16xf32>
          %mul3A_1170 = arith.mulf %get3A_1044, %get3A_1132 : vector<1x16xf32>
          %add3A_1171 = arith.addf %add3A_1169, %mul3A_1170 : vector<1x16xf32>
          %mul3A_1172 = arith.mulf %get3A_1052, %get3A_1124 : vector<1x16xf32>
          %add3A_1173 = arith.addf %add3A_1171, %mul3A_1172 : vector<1x16xf32>
          %mul3A_1174 = arith.mulf %get3A_1060, %get3A_1116 : vector<1x16xf32>
          %add3A_1175 = arith.addf %add3A_1173, %mul3A_1174 : vector<1x16xf32>
          %mul3A_1176 = arith.mulf %get3A_1068, %get3A_1108 : vector<1x16xf32>
          %add3A_1177 = arith.addf %add3A_1175, %mul3A_1176 : vector<1x16xf32>
          %mul3A_1178 = arith.mulf %get3A_1076, %get3A_1100 : vector<1x16xf32>
          %add3A_1179 = arith.addf %add3A_1177, %mul3A_1178 : vector<1x16xf32>
          %swap3A_1180 = arith.constant 0 : i32
          %swap3A_1181 = arith.constant 0 : i32
          %swap3A_1182 = tpu.memref_slice %run_scoped3A_10[%rem3A_260, %swap3A_1180, %swap3A_1181] : memref<2x16x512xf32, #tpu.memory_space<vmem>> -> memref<1x16x512xf32, #tpu.memory_space<vmem>>
          %swap3A_1183 = tpu.memref_squeeze %swap3A_1182 : memref<1x16x512xf32, #tpu.memory_space<vmem>> -> memref<16x512xf32, #tpu.memory_space<vmem>>
          %swap3A_1184 = arith.index_cast %add3A_374 : i32 to index
          %swap3A_1185 = arith.constant 96 : index
          %swap3A_1186 = tpu.vector_load %swap3A_1183[%swap3A_1184, %swap3A_1185] {strides = array<i32>} : memref<16x512xf32, #tpu.memory_space<vmem>>, vector<1x16xf32>,
          %swap3A_1187 = vector.shape_cast %swap3A_1186 : vector<1x16xf32> to vector<1x16xf32>
          %swap3A_1188 = vector.shape_cast %add3A_1179 : vector<1x16xf32> to vector<1x16xf32>
          tpu.vector_store %swap3A_1183[%swap3A_1184, %swap3A_1185], %swap3A_1188 {strides = array<i32>} : memref<16x512xf32, #tpu.memory_space<vmem>>, vector<1x16xf32>,
          %mul3A_1189 = arith.mulf %get3A_1020, %get3A_1100 : vector<1x16xf32>
          %mul3A_1190 = arith.mulf %get3A_1028, %get3A_1092 : vector<1x16xf32>
          %add3A_1191 = arith.addf %mul3A_1189, %mul3A_1190 : vector<1x16xf32>
          %mul3A_1192 = arith.mulf %get3A_1036, %get3A_1084 : vector<1x16xf32>
          %add3A_1193 = arith.addf %add3A_1191, %mul3A_1192 : vector<1x16xf32>
          %mul3A_1194 = arith.mulf %get3A_1044, %get3A_1140 : vector<1x16xf32>
          %add3A_1195 = arith.addf %add3A_1193, %mul3A_1194 : vector<1x16xf32>
          %mul3A_1196 = arith.mulf %get3A_1052, %get3A_1132 : vector<1x16xf32>
          %add3A_1197 = arith.addf %add3A_1195, %mul3A_1196 : vector<1x16xf32>
          %mul3A_1198 = arith.mulf %get3A_1060, %get3A_1124 : vector<1x16xf32>
          %add3A_1199 = arith.addf %add3A_1197, %mul3A_1198 : vector<1x16xf32>
          %mul3A_1200 = arith.mulf %get3A_1068, %get3A_1116 : vector<1x16xf32>
          %add3A_1201 = arith.addf %add3A_1199, %mul3A_1200 : vector<1x16xf32>
          %mul3A_1202 = arith.mulf %get3A_1076, %get3A_1108 : vector<1x16xf32>
          %add3A_1203 = arith.addf %add3A_1201, %mul3A_1202 : vector<1x16xf32>
          %swap3A_1204 = arith.constant 0 : i32
          %swap3A_1205 = arith.constant 0 : i32
          %swap3A_1206 = tpu.memref_slice %run_scoped3A_10[%rem3A_260, %swap3A_1204, %swap3A_1205] : memref<2x16x512xf32, #tpu.memory_space<vmem>> -> memref<1x16x512xf32, #tpu.memory_space<vmem>>
          %swap3A_1207 = tpu.memref_squeeze %swap3A_1206 : memref<1x16x512xf32, #tpu.memory_space<vmem>> -> memref<16x512xf32, #tpu.memory_space<vmem>>
          %swap3A_1208 = arith.index_cast %add3A_374 : i32 to index
          %swap3A_1209 = arith.constant 160 : index
          %swap3A_1210 = tpu.vector_load %swap3A_1207[%swap3A_1208, %swap3A_1209] {strides = array<i32>} : memref<16x512xf32, #tpu.memory_space<vmem>>, vector<1x16xf32>,
          %swap3A_1211 = vector.shape_cast %swap3A_1210 : vector<1x16xf32> to vector<1x16xf32>
          %swap3A_1212 = vector.shape_cast %add3A_1203 : vector<1x16xf32> to vector<1x16xf32>
          tpu.vector_store %swap3A_1207[%swap3A_1208, %swap3A_1209], %swap3A_1212 {strides = array<i32>} : memref<16x512xf32, #tpu.memory_space<vmem>>, vector<1x16xf32>,
          %mul3A_1213 = arith.mulf %get3A_1020, %get3A_1108 : vector<1x16xf32>
          %mul3A_1214 = arith.mulf %get3A_1028, %get3A_1100 : vector<1x16xf32>
          %add3A_1215 = arith.addf %mul3A_1213, %mul3A_1214 : vector<1x16xf32>
          %mul3A_1216 = arith.mulf %get3A_1036, %get3A_1092 : vector<1x16xf32>
          %add3A_1217 = arith.addf %add3A_1215, %mul3A_1216 : vector<1x16xf32>
          %mul3A_1218 = arith.mulf %get3A_1044, %get3A_1084 : vector<1x16xf32>
          %add3A_1219 = arith.addf %add3A_1217, %mul3A_1218 : vector<1x16xf32>
          %mul3A_1220 = arith.mulf %get3A_1052, %get3A_1140 : vector<1x16xf32>
          %add3A_1221 = arith.addf %add3A_1219, %mul3A_1220 : vector<1x16xf32>
          %mul3A_1222 = arith.mulf %get3A_1060, %get3A_1132 : vector<1x16xf32>
          %add3A_1223 = arith.addf %add3A_1221, %mul3A_1222 : vector<1x16xf32>
          %mul3A_1224 = arith.mulf %get3A_1068, %get3A_1124 : vector<1x16xf32>
          %add3A_1225 = arith.addf %add3A_1223, %mul3A_1224 : vector<1x16xf32>
          %mul3A_1226 = arith.mulf %get3A_1076, %get3A_1116 : vector<1x16xf32>
          %add3A_1227 = arith.addf %add3A_1225, %mul3A_1226 : vector<1x16xf32>
          %swap3A_1228 = arith.constant 0 : i32
          %swap3A_1229 = arith.constant 0 : i32
          %swap3A_1230 = tpu.memref_slice %run_scoped3A_10[%rem3A_260, %swap3A_1228, %swap3A_1229] : memref<2x16x512xf32, #tpu.memory_space<vmem>> -> memref<1x16x512xf32, #tpu.memory_space<vmem>>
          %swap3A_1231 = tpu.memref_squeeze %swap3A_1230 : memref<1x16x512xf32, #tpu.memory_space<vmem>> -> memref<16x512xf32, #tpu.memory_space<vmem>>
          %swap3A_1232 = arith.index_cast %add3A_374 : i32 to index
          %swap3A_1233 = arith.constant 224 : index
          %swap3A_1234 = tpu.vector_load %swap3A_1231[%swap3A_1232, %swap3A_1233] {strides = array<i32>} : memref<16x512xf32, #tpu.memory_space<vmem>>, vector<1x16xf32>,
          %swap3A_1235 = vector.shape_cast %swap3A_1234 : vector<1x16xf32> to vector<1x16xf32>
          %swap3A_1236 = vector.shape_cast %add3A_1227 : vector<1x16xf32> to vector<1x16xf32>
          tpu.vector_store %swap3A_1231[%swap3A_1232, %swap3A_1233], %swap3A_1236 {strides = array<i32>} : memref<16x512xf32, #tpu.memory_space<vmem>>, vector<1x16xf32>,
          %mul3A_1237 = arith.mulf %get3A_1020, %get3A_1116 : vector<1x16xf32>
          %mul3A_1238 = arith.mulf %get3A_1028, %get3A_1108 : vector<1x16xf32>
          %add3A_1239 = arith.addf %mul3A_1237, %mul3A_1238 : vector<1x16xf32>
          %mul3A_1240 = arith.mulf %get3A_1036, %get3A_1100 : vector<1x16xf32>
          %add3A_1241 = arith.addf %add3A_1239, %mul3A_1240 : vector<1x16xf32>
          %mul3A_1242 = arith.mulf %get3A_1044, %get3A_1092 : vector<1x16xf32>
          %add3A_1243 = arith.addf %add3A_1241, %mul3A_1242 : vector<1x16xf32>
          %mul3A_1244 = arith.mulf %get3A_1052, %get3A_1084 : vector<1x16xf32>
          %add3A_1245 = arith.addf %add3A_1243, %mul3A_1244 : vector<1x16xf32>
          %mul3A_1246 = arith.mulf %get3A_1060, %get3A_1140 : vector<1x16xf32>
          %add3A_1247 = arith.addf %add3A_1245, %mul3A_1246 : vector<1x16xf32>
          %mul3A_1248 = arith.mulf %get3A_1068, %get3A_1132 : vector<1x16xf32>
          %add3A_1249 = arith.addf %add3A_1247, %mul3A_1248 : vector<1x16xf32>
          %mul3A_1250 = arith.mulf %get3A_1076, %get3A_1124 : vector<1x16xf32>
          %add3A_1251 = arith.addf %add3A_1249, %mul3A_1250 : vector<1x16xf32>
          %swap3A_1252 = arith.constant 0 : i32
          %swap3A_1253 = arith.constant 0 : i32
          %swap3A_1254 = tpu.memref_slice %run_scoped3A_10[%rem3A_260, %swap3A_1252, %swap3A_1253] : memref<2x16x512xf32, #tpu.memory_space<vmem>> -> memref<1x16x512xf32, #tpu.memory_space<vmem>>
          %swap3A_1255 = tpu.memref_squeeze %swap3A_1254 : memref<1x16x512xf32, #tpu.memory_space<vmem>> -> memref<16x512xf32, #tpu.memory_space<vmem>>
          %swap3A_1256 = arith.index_cast %add3A_374 : i32 to index
          %swap3A_1257 = arith.constant 288 : index
          %swap3A_1258 = tpu.vector_load %swap3A_1255[%swap3A_1256, %swap3A_1257] {strides = array<i32>} : memref<16x512xf32, #tpu.memory_space<vmem>>, vector<1x16xf32>,
          %swap3A_1259 = vector.shape_cast %swap3A_1258 : vector<1x16xf32> to vector<1x16xf32>
          %swap3A_1260 = vector.shape_cast %add3A_1251 : vector<1x16xf32> to vector<1x16xf32>
          tpu.vector_store %swap3A_1255[%swap3A_1256, %swap3A_1257], %swap3A_1260 {strides = array<i32>} : memref<16x512xf32, #tpu.memory_space<vmem>>, vector<1x16xf32>,
          %mul3A_1261 = arith.mulf %get3A_1020, %get3A_1124 : vector<1x16xf32>
          %mul3A_1262 = arith.mulf %get3A_1028, %get3A_1116 : vector<1x16xf32>
          %add3A_1263 = arith.addf %mul3A_1261, %mul3A_1262 : vector<1x16xf32>
          %mul3A_1264 = arith.mulf %get3A_1036, %get3A_1108 : vector<1x16xf32>
          %add3A_1265 = arith.addf %add3A_1263, %mul3A_1264 : vector<1x16xf32>
          %mul3A_1266 = arith.mulf %get3A_1044, %get3A_1100 : vector<1x16xf32>
          %add3A_1267 = arith.addf %add3A_1265, %mul3A_1266 : vector<1x16xf32>
          %mul3A_1268 = arith.mulf %get3A_1052, %get3A_1092 : vector<1x16xf32>
          %add3A_1269 = arith.addf %add3A_1267, %mul3A_1268 : vector<1x16xf32>
          %mul3A_1270 = arith.mulf %get3A_1060, %get3A_1084 : vector<1x16xf32>
          %add3A_1271 = arith.addf %add3A_1269, %mul3A_1270 : vector<1x16xf32>
          %mul3A_1272 = arith.mulf %get3A_1068, %get3A_1140 : vector<1x16xf32>
          %add3A_1273 = arith.addf %add3A_1271, %mul3A_1272 : vector<1x16xf32>
          %mul3A_1274 = arith.mulf %get3A_1076, %get3A_1132 : vector<1x16xf32>
          %add3A_1275 = arith.addf %add3A_1273, %mul3A_1274 : vector<1x16xf32>
          %swap3A_1276 = arith.constant 0 : i32
          %swap3A_1277 = arith.constant 0 : i32
          %swap3A_1278 = tpu.memref_slice %run_scoped3A_10[%rem3A_260, %swap3A_1276, %swap3A_1277] : memref<2x16x512xf32, #tpu.memory_space<vmem>> -> memref<1x16x512xf32, #tpu.memory_space<vmem>>
          %swap3A_1279 = tpu.memref_squeeze %swap3A_1278 : memref<1x16x512xf32, #tpu.memory_space<vmem>> -> memref<16x512xf32, #tpu.memory_space<vmem>>
          %swap3A_1280 = arith.index_cast %add3A_374 : i32 to index
          %swap3A_1281 = arith.constant 352 : index
          %swap3A_1282 = tpu.vector_load %swap3A_1279[%swap3A_1280, %swap3A_1281] {strides = array<i32>} : memref<16x512xf32, #tpu.memory_space<vmem>>, vector<1x16xf32>,
          %swap3A_1283 = vector.shape_cast %swap3A_1282 : vector<1x16xf32> to vector<1x16xf32>
          %swap3A_1284 = vector.shape_cast %add3A_1275 : vector<1x16xf32> to vector<1x16xf32>
          tpu.vector_store %swap3A_1279[%swap3A_1280, %swap3A_1281], %swap3A_1284 {strides = array<i32>} : memref<16x512xf32, #tpu.memory_space<vmem>>, vector<1x16xf32>,
          %mul3A_1285 = arith.mulf %get3A_1020, %get3A_1132 : vector<1x16xf32>
          %mul3A_1286 = arith.mulf %get3A_1028, %get3A_1124 : vector<1x16xf32>
          %add3A_1287 = arith.addf %mul3A_1285, %mul3A_1286 : vector<1x16xf32>
          %mul3A_1288 = arith.mulf %get3A_1036, %get3A_1116 : vector<1x16xf32>
          %add3A_1289 = arith.addf %add3A_1287, %mul3A_1288 : vector<1x16xf32>
          %mul3A_1290 = arith.mulf %get3A_1044, %get3A_1108 : vector<1x16xf32>
          %add3A_1291 = arith.addf %add3A_1289, %mul3A_1290 : vector<1x16xf32>
          %mul3A_1292 = arith.mulf %get3A_1052, %get3A_1100 : vector<1x16xf32>
          %add3A_1293 = arith.addf %add3A_1291, %mul3A_1292 : vector<1x16xf32>
          %mul3A_1294 = arith.mulf %get3A_1060, %get3A_1092 : vector<1x16xf32>
          %add3A_1295 = arith.addf %add3A_1293, %mul3A_1294 : vector<1x16xf32>
          %mul3A_1296 = arith.mulf %get3A_1068, %get3A_1084 : vector<1x16xf32>
          %add3A_1297 = arith.addf %add3A_1295, %mul3A_1296 : vector<1x16xf32>
          %mul3A_1298 = arith.mulf %get3A_1076, %get3A_1140 : vector<1x16xf32>
          %add3A_1299 = arith.addf %add3A_1297, %mul3A_1298 : vector<1x16xf32>
          %swap3A_1300 = arith.constant 0 : i32
          %swap3A_1301 = arith.constant 0 : i32
          %swap3A_1302 = tpu.memref_slice %run_scoped3A_10[%rem3A_260, %swap3A_1300, %swap3A_1301] : memref<2x16x512xf32, #tpu.memory_space<vmem>> -> memref<1x16x512xf32, #tpu.memory_space<vmem>>
          %swap3A_1303 = tpu.memref_squeeze %swap3A_1302 : memref<1x16x512xf32, #tpu.memory_space<vmem>> -> memref<16x512xf32, #tpu.memory_space<vmem>>
          %swap3A_1304 = arith.index_cast %add3A_374 : i32 to index
          %swap3A_1305 = arith.constant 416 : index
          %swap3A_1306 = tpu.vector_load %swap3A_1303[%swap3A_1304, %swap3A_1305] {strides = array<i32>} : memref<16x512xf32, #tpu.memory_space<vmem>>, vector<1x16xf32>,
          %swap3A_1307 = vector.shape_cast %swap3A_1306 : vector<1x16xf32> to vector<1x16xf32>
          %swap3A_1308 = vector.shape_cast %add3A_1299 : vector<1x16xf32> to vector<1x16xf32>
          tpu.vector_store %swap3A_1303[%swap3A_1304, %swap3A_1305], %swap3A_1308 {strides = array<i32>} : memref<16x512xf32, #tpu.memory_space<vmem>>, vector<1x16xf32>,
          %mul3A_1309 = arith.mulf %get3A_1020, %get3A_1140 : vector<1x16xf32>
          %mul3A_1310 = arith.mulf %get3A_1028, %get3A_1132 : vector<1x16xf32>
          %add3A_1311 = arith.addf %mul3A_1309, %mul3A_1310 : vector<1x16xf32>
          %mul3A_1312 = arith.mulf %get3A_1036, %get3A_1124 : vector<1x16xf32>
          %add3A_1313 = arith.addf %add3A_1311, %mul3A_1312 : vector<1x16xf32>
          %mul3A_1314 = arith.mulf %get3A_1044, %get3A_1116 : vector<1x16xf32>
          %add3A_1315 = arith.addf %add3A_1313, %mul3A_1314 : vector<1x16xf32>
          %mul3A_1316 = arith.mulf %get3A_1052, %get3A_1108 : vector<1x16xf32>
          %add3A_1317 = arith.addf %add3A_1315, %mul3A_1316 : vector<1x16xf32>
          %mul3A_1318 = arith.mulf %get3A_1060, %get3A_1100 : vector<1x16xf32>
          %add3A_1319 = arith.addf %add3A_1317, %mul3A_1318 : vector<1x16xf32>
          %mul3A_1320 = arith.mulf %get3A_1068, %get3A_1092 : vector<1x16xf32>
          %add3A_1321 = arith.addf %add3A_1319, %mul3A_1320 : vector<1x16xf32>
          %mul3A_1322 = arith.mulf %get3A_1076, %get3A_1084 : vector<1x16xf32>
          %add3A_1323 = arith.addf %add3A_1321, %mul3A_1322 : vector<1x16xf32>
          %swap3A_1324 = arith.constant 0 : i32
          %swap3A_1325 = arith.constant 0 : i32
          %swap3A_1326 = tpu.memref_slice %run_scoped3A_10[%rem3A_260, %swap3A_1324, %swap3A_1325] : memref<2x16x512xf32, #tpu.memory_space<vmem>> -> memref<1x16x512xf32, #tpu.memory_space<vmem>>
          %swap3A_1327 = tpu.memref_squeeze %swap3A_1326 : memref<1x16x512xf32, #tpu.memory_space<vmem>> -> memref<16x512xf32, #tpu.memory_space<vmem>>
          %swap3A_1328 = arith.index_cast %add3A_374 : i32 to index
          %swap3A_1329 = arith.constant 480 : index
          %swap3A_1330 = tpu.vector_load %swap3A_1327[%swap3A_1328, %swap3A_1329] {strides = array<i32>} : memref<16x512xf32, #tpu.memory_space<vmem>>, vector<1x16xf32>,
          %swap3A_1331 = vector.shape_cast %swap3A_1330 : vector<1x16xf32> to vector<1x16xf32>
          %swap3A_1332 = vector.shape_cast %add3A_1323 : vector<1x16xf32> to vector<1x16xf32>
          tpu.vector_store %swap3A_1327[%swap3A_1328, %swap3A_1329], %swap3A_1332 {strides = array<i32>} : memref<16x512xf32, #tpu.memory_space<vmem>>, vector<1x16xf32>,
          %get3A_1333 = arith.constant 0 : i32
          %get3A_1334 = arith.constant 0 : i32
          %get3A_1335 = tpu.memref_slice %run_scoped3A[%rem3A_256, %get3A_1333, %get3A_1334] : memref<2x16x512xf32, #tpu.memory_space<vmem>> -> memref<1x16x512xf32, #tpu.memory_space<vmem>>
          %get3A_1336 = tpu.memref_squeeze %get3A_1335 : memref<1x16x512xf32, #tpu.memory_space<vmem>> -> memref<16x512xf32, #tpu.memory_space<vmem>>
          %get3A_1337 = arith.index_cast %add3A_374 : i32 to index
          %get3A_1338 = arith.constant 48 : index
          %get3A_1339 = tpu.vector_load %get3A_1336[%get3A_1337, %get3A_1338] {strides = array<i32>} : memref<16x512xf32, #tpu.memory_space<vmem>>, vector<1x16xf32>,
          %get3A_1340 = vector.shape_cast %get3A_1339 : vector<1x16xf32> to vector<1x16xf32>
          %get3A_1341 = arith.constant 0 : i32
          %get3A_1342 = arith.constant 0 : i32
          %get3A_1343 = tpu.memref_slice %run_scoped3A[%rem3A_256, %get3A_1341, %get3A_1342] : memref<2x16x512xf32, #tpu.memory_space<vmem>> -> memref<1x16x512xf32, #tpu.memory_space<vmem>>
          %get3A_1344 = tpu.memref_squeeze %get3A_1343 : memref<1x16x512xf32, #tpu.memory_space<vmem>> -> memref<16x512xf32, #tpu.memory_space<vmem>>
          %get3A_1345 = arith.index_cast %add3A_374 : i32 to index
          %get3A_1346 = arith.constant 112 : index
          %get3A_1347 = tpu.vector_load %get3A_1344[%get3A_1345, %get3A_1346] {strides = array<i32>} : memref<16x512xf32, #tpu.memory_space<vmem>>, vector<1x16xf32>,
          %get3A_1348 = vector.shape_cast %get3A_1347 : vector<1x16xf32> to vector<1x16xf32>
          %get3A_1349 = arith.constant 0 : i32
          %get3A_1350 = arith.constant 0 : i32
          %get3A_1351 = tpu.memref_slice %run_scoped3A[%rem3A_256, %get3A_1349, %get3A_1350] : memref<2x16x512xf32, #tpu.memory_space<vmem>> -> memref<1x16x512xf32, #tpu.memory_space<vmem>>
          %get3A_1352 = tpu.memref_squeeze %get3A_1351 : memref<1x16x512xf32, #tpu.memory_space<vmem>> -> memref<16x512xf32, #tpu.memory_space<vmem>>
          %get3A_1353 = arith.index_cast %add3A_374 : i32 to index
          %get3A_1354 = arith.constant 176 : index
          %get3A_1355 = tpu.vector_load %get3A_1352[%get3A_1353, %get3A_1354] {strides = array<i32>} : memref<16x512xf32, #tpu.memory_space<vmem>>, vector<1x16xf32>,
          %get3A_1356 = vector.shape_cast %get3A_1355 : vector<1x16xf32> to vector<1x16xf32>
          %get3A_1357 = arith.constant 0 : i32
          %get3A_1358 = arith.constant 0 : i32
          %get3A_1359 = tpu.memref_slice %run_scoped3A[%rem3A_256, %get3A_1357, %get3A_1358] : memref<2x16x512xf32, #tpu.memory_space<vmem>> -> memref<1x16x512xf32, #tpu.memory_space<vmem>>
          %get3A_1360 = tpu.memref_squeeze %get3A_1359 : memref<1x16x512xf32, #tpu.memory_space<vmem>> -> memref<16x512xf32, #tpu.memory_space<vmem>>
          %get3A_1361 = arith.index_cast %add3A_374 : i32 to index
          %get3A_1362 = arith.constant 240 : index
          %get3A_1363 = tpu.vector_load %get3A_1360[%get3A_1361, %get3A_1362] {strides = array<i32>} : memref<16x512xf32, #tpu.memory_space<vmem>>, vector<1x16xf32>,
          %get3A_1364 = vector.shape_cast %get3A_1363 : vector<1x16xf32> to vector<1x16xf32>
          %get3A_1365 = arith.constant 0 : i32
          %get3A_1366 = arith.constant 0 : i32
          %get3A_1367 = tpu.memref_slice %run_scoped3A[%rem3A_256, %get3A_1365, %get3A_1366] : memref<2x16x512xf32, #tpu.memory_space<vmem>> -> memref<1x16x512xf32, #tpu.memory_space<vmem>>
          %get3A_1368 = tpu.memref_squeeze %get3A_1367 : memref<1x16x512xf32, #tpu.memory_space<vmem>> -> memref<16x512xf32, #tpu.memory_space<vmem>>
          %get3A_1369 = arith.index_cast %add3A_374 : i32 to index
          %get3A_1370 = arith.constant 304 : index
          %get3A_1371 = tpu.vector_load %get3A_1368[%get3A_1369, %get3A_1370] {strides = array<i32>} : memref<16x512xf32, #tpu.memory_space<vmem>>, vector<1x16xf32>,
          %get3A_1372 = vector.shape_cast %get3A_1371 : vector<1x16xf32> to vector<1x16xf32>
          %get3A_1373 = arith.constant 0 : i32
          %get3A_1374 = arith.constant 0 : i32
          %get3A_1375 = tpu.memref_slice %run_scoped3A[%rem3A_256, %get3A_1373, %get3A_1374] : memref<2x16x512xf32, #tpu.memory_space<vmem>> -> memref<1x16x512xf32, #tpu.memory_space<vmem>>
          %get3A_1376 = tpu.memref_squeeze %get3A_1375 : memref<1x16x512xf32, #tpu.memory_space<vmem>> -> memref<16x512xf32, #tpu.memory_space<vmem>>
          %get3A_1377 = arith.index_cast %add3A_374 : i32 to index
          %get3A_1378 = arith.constant 368 : index
          %get3A_1379 = tpu.vector_load %get3A_1376[%get3A_1377, %get3A_1378] {strides = array<i32>} : memref<16x512xf32, #tpu.memory_space<vmem>>, vector<1x16xf32>,
          %get3A_1380 = vector.shape_cast %get3A_1379 : vector<1x16xf32> to vector<1x16xf32>
          %get3A_1381 = arith.constant 0 : i32
          %get3A_1382 = arith.constant 0 : i32
          %get3A_1383 = tpu.memref_slice %run_scoped3A[%rem3A_256, %get3A_1381, %get3A_1382] : memref<2x16x512xf32, #tpu.memory_space<vmem>> -> memref<1x16x512xf32, #tpu.memory_space<vmem>>
          %get3A_1384 = tpu.memref_squeeze %get3A_1383 : memref<1x16x512xf32, #tpu.memory_space<vmem>> -> memref<16x512xf32, #tpu.memory_space<vmem>>
          %get3A_1385 = arith.index_cast %add3A_374 : i32 to index
          %get3A_1386 = arith.constant 432 : index
          %get3A_1387 = tpu.vector_load %get3A_1384[%get3A_1385, %get3A_1386] {strides = array<i32>} : memref<16x512xf32, #tpu.memory_space<vmem>>, vector<1x16xf32>,
          %get3A_1388 = vector.shape_cast %get3A_1387 : vector<1x16xf32> to vector<1x16xf32>
          %get3A_1389 = arith.constant 0 : i32
          %get3A_1390 = arith.constant 0 : i32
          %get3A_1391 = tpu.memref_slice %run_scoped3A[%rem3A_256, %get3A_1389, %get3A_1390] : memref<2x16x512xf32, #tpu.memory_space<vmem>> -> memref<1x16x512xf32, #tpu.memory_space<vmem>>
          %get3A_1392 = tpu.memref_squeeze %get3A_1391 : memref<1x16x512xf32, #tpu.memory_space<vmem>> -> memref<16x512xf32, #tpu.memory_space<vmem>>
          %get3A_1393 = arith.index_cast %add3A_374 : i32 to index
          %get3A_1394 = arith.constant 496 : index
          %get3A_1395 = tpu.vector_load %get3A_1392[%get3A_1393, %get3A_1394] {strides = array<i32>} : memref<16x512xf32, #tpu.memory_space<vmem>>, vector<1x16xf32>,
          %get3A_1396 = vector.shape_cast %get3A_1395 : vector<1x16xf32> to vector<1x16xf32>
          %get3A_1397 = arith.constant 0 : i32
          %get3A_1398 = arith.constant 0 : i32
          %get3A_1399 = tpu.memref_slice %run_scoped3A_8[%rem3A_258, %get3A_1397, %get3A_1398] : memref<2x16x512xf32, #tpu.memory_space<vmem>> -> memref<1x16x512xf32, #tpu.memory_space<vmem>>
          %get3A_1400 = tpu.memref_squeeze %get3A_1399 : memref<1x16x512xf32, #tpu.memory_space<vmem>> -> memref<16x512xf32, #tpu.memory_space<vmem>>
          %get3A_1401 = arith.index_cast %add3A_374 : i32 to index
          %get3A_1402 = arith.constant 48 : index
          %get3A_1403 = tpu.vector_load %get3A_1400[%get3A_1401, %get3A_1402] {strides = array<i32>} : memref<16x512xf32, #tpu.memory_space<vmem>>, vector<1x16xf32>,
          %get3A_1404 = vector.shape_cast %get3A_1403 : vector<1x16xf32> to vector<1x16xf32>
          %get3A_1405 = arith.constant 0 : i32
          %get3A_1406 = arith.constant 0 : i32
          %get3A_1407 = tpu.memref_slice %run_scoped3A_8[%rem3A_258, %get3A_1405, %get3A_1406] : memref<2x16x512xf32, #tpu.memory_space<vmem>> -> memref<1x16x512xf32, #tpu.memory_space<vmem>>
          %get3A_1408 = tpu.memref_squeeze %get3A_1407 : memref<1x16x512xf32, #tpu.memory_space<vmem>> -> memref<16x512xf32, #tpu.memory_space<vmem>>
          %get3A_1409 = arith.index_cast %add3A_374 : i32 to index
          %get3A_1410 = arith.constant 112 : index
          %get3A_1411 = tpu.vector_load %get3A_1408[%get3A_1409, %get3A_1410] {strides = array<i32>} : memref<16x512xf32, #tpu.memory_space<vmem>>, vector<1x16xf32>,
          %get3A_1412 = vector.shape_cast %get3A_1411 : vector<1x16xf32> to vector<1x16xf32>
          %get3A_1413 = arith.constant 0 : i32
          %get3A_1414 = arith.constant 0 : i32
          %get3A_1415 = tpu.memref_slice %run_scoped3A_8[%rem3A_258, %get3A_1413, %get3A_1414] : memref<2x16x512xf32, #tpu.memory_space<vmem>> -> memref<1x16x512xf32, #tpu.memory_space<vmem>>
          %get3A_1416 = tpu.memref_squeeze %get3A_1415 : memref<1x16x512xf32, #tpu.memory_space<vmem>> -> memref<16x512xf32, #tpu.memory_space<vmem>>
          %get3A_1417 = arith.index_cast %add3A_374 : i32 to index
          %get3A_1418 = arith.constant 176 : index
          %get3A_1419 = tpu.vector_load %get3A_1416[%get3A_1417, %get3A_1418] {strides = array<i32>} : memref<16x512xf32, #tpu.memory_space<vmem>>, vector<1x16xf32>,
          %get3A_1420 = vector.shape_cast %get3A_1419 : vector<1x16xf32> to vector<1x16xf32>
          %get3A_1421 = arith.constant 0 : i32
          %get3A_1422 = arith.constant 0 : i32
          %get3A_1423 = tpu.memref_slice %run_scoped3A_8[%rem3A_258, %get3A_1421, %get3A_1422] : memref<2x16x512xf32, #tpu.memory_space<vmem>> -> memref<1x16x512xf32, #tpu.memory_space<vmem>>
          %get3A_1424 = tpu.memref_squeeze %get3A_1423 : memref<1x16x512xf32, #tpu.memory_space<vmem>> -> memref<16x512xf32, #tpu.memory_space<vmem>>
          %get3A_1425 = arith.index_cast %add3A_374 : i32 to index
          %get3A_1426 = arith.constant 240 : index
          %get3A_1427 = tpu.vector_load %get3A_1424[%get3A_1425, %get3A_1426] {strides = array<i32>} : memref<16x512xf32, #tpu.memory_space<vmem>>, vector<1x16xf32>,
          %get3A_1428 = vector.shape_cast %get3A_1427 : vector<1x16xf32> to vector<1x16xf32>
          %get3A_1429 = arith.constant 0 : i32
          %get3A_1430 = arith.constant 0 : i32
          %get3A_1431 = tpu.memref_slice %run_scoped3A_8[%rem3A_258, %get3A_1429, %get3A_1430] : memref<2x16x512xf32, #tpu.memory_space<vmem>> -> memref<1x16x512xf32, #tpu.memory_space<vmem>>
          %get3A_1432 = tpu.memref_squeeze %get3A_1431 : memref<1x16x512xf32, #tpu.memory_space<vmem>> -> memref<16x512xf32, #tpu.memory_space<vmem>>
          %get3A_1433 = arith.index_cast %add3A_374 : i32 to index
          %get3A_1434 = arith.constant 304 : index
          %get3A_1435 = tpu.vector_load %get3A_1432[%get3A_1433, %get3A_1434] {strides = array<i32>} : memref<16x512xf32, #tpu.memory_space<vmem>>, vector<1x16xf32>,
          %get3A_1436 = vector.shape_cast %get3A_1435 : vector<1x16xf32> to vector<1x16xf32>
          %get3A_1437 = arith.constant 0 : i32
          %get3A_1438 = arith.constant 0 : i32
          %get3A_1439 = tpu.memref_slice %run_scoped3A_8[%rem3A_258, %get3A_1437, %get3A_1438] : memref<2x16x512xf32, #tpu.memory_space<vmem>> -> memref<1x16x512xf32, #tpu.memory_space<vmem>>
          %get3A_1440 = tpu.memref_squeeze %get3A_1439 : memref<1x16x512xf32, #tpu.memory_space<vmem>> -> memref<16x512xf32, #tpu.memory_space<vmem>>
          %get3A_1441 = arith.index_cast %add3A_374 : i32 to index
          %get3A_1442 = arith.constant 368 : index
          %get3A_1443 = tpu.vector_load %get3A_1440[%get3A_1441, %get3A_1442] {strides = array<i32>} : memref<16x512xf32, #tpu.memory_space<vmem>>, vector<1x16xf32>,
          %get3A_1444 = vector.shape_cast %get3A_1443 : vector<1x16xf32> to vector<1x16xf32>
          %get3A_1445 = arith.constant 0 : i32
          %get3A_1446 = arith.constant 0 : i32
          %get3A_1447 = tpu.memref_slice %run_scoped3A_8[%rem3A_258, %get3A_1445, %get3A_1446] : memref<2x16x512xf32, #tpu.memory_space<vmem>> -> memref<1x16x512xf32, #tpu.memory_space<vmem>>
          %get3A_1448 = tpu.memref_squeeze %get3A_1447 : memref<1x16x512xf32, #tpu.memory_space<vmem>> -> memref<16x512xf32, #tpu.memory_space<vmem>>
          %get3A_1449 = arith.index_cast %add3A_374 : i32 to index
          %get3A_1450 = arith.constant 432 : index
          %get3A_1451 = tpu.vector_load %get3A_1448[%get3A_1449, %get3A_1450] {strides = array<i32>} : memref<16x512xf32, #tpu.memory_space<vmem>>, vector<1x16xf32>,
          %get3A_1452 = vector.shape_cast %get3A_1451 : vector<1x16xf32> to vector<1x16xf32>
          %get3A_1453 = arith.constant 0 : i32
          %get3A_1454 = arith.constant 0 : i32
          %get3A_1455 = tpu.memref_slice %run_scoped3A_8[%rem3A_258, %get3A_1453, %get3A_1454] : memref<2x16x512xf32, #tpu.memory_space<vmem>> -> memref<1x16x512xf32, #tpu.memory_space<vmem>>
          %get3A_1456 = tpu.memref_squeeze %get3A_1455 : memref<1x16x512xf32, #tpu.memory_space<vmem>> -> memref<16x512xf32, #tpu.memory_space<vmem>>
          %get3A_1457 = arith.index_cast %add3A_374 : i32 to index
          %get3A_1458 = arith.constant 496 : index
          %get3A_1459 = tpu.vector_load %get3A_1456[%get3A_1457, %get3A_1458] {strides = array<i32>} : memref<16x512xf32, #tpu.memory_space<vmem>>, vector<1x16xf32>,
          %get3A_1460 = vector.shape_cast %get3A_1459 : vector<1x16xf32> to vector<1x16xf32>
          %mul3A_1461 = arith.mulf %get3A_1340, %get3A_1404 : vector<1x16xf32>
          %mul3A_1462 = arith.mulf %get3A_1348, %get3A_1460 : vector<1x16xf32>
          %add3A_1463 = arith.addf %mul3A_1461, %mul3A_1462 : vector<1x16xf32>
          %mul3A_1464 = arith.mulf %get3A_1356, %get3A_1452 : vector<1x16xf32>
          %add3A_1465 = arith.addf %add3A_1463, %mul3A_1464 : vector<1x16xf32>
          %mul3A_1466 = arith.mulf %get3A_1364, %get3A_1444 : vector<1x16xf32>
          %add3A_1467 = arith.addf %add3A_1465, %mul3A_1466 : vector<1x16xf32>
          %mul3A_1468 = arith.mulf %get3A_1372, %get3A_1436 : vector<1x16xf32>
          %add3A_1469 = arith.addf %add3A_1467, %mul3A_1468 : vector<1x16xf32>
          %mul3A_1470 = arith.mulf %get3A_1380, %get3A_1428 : vector<1x16xf32>
          %add3A_1471 = arith.addf %add3A_1469, %mul3A_1470 : vector<1x16xf32>
          %mul3A_1472 = arith.mulf %get3A_1388, %get3A_1420 : vector<1x16xf32>
          %add3A_1473 = arith.addf %add3A_1471, %mul3A_1472 : vector<1x16xf32>
          %mul3A_1474 = arith.mulf %get3A_1396, %get3A_1412 : vector<1x16xf32>
          %add3A_1475 = arith.addf %add3A_1473, %mul3A_1474 : vector<1x16xf32>
          %swap3A_1476 = arith.constant 0 : i32
          %swap3A_1477 = arith.constant 0 : i32
          %swap3A_1478 = tpu.memref_slice %run_scoped3A_10[%rem3A_260, %swap3A_1476, %swap3A_1477] : memref<2x16x512xf32, #tpu.memory_space<vmem>> -> memref<1x16x512xf32, #tpu.memory_space<vmem>>
          %swap3A_1479 = tpu.memref_squeeze %swap3A_1478 : memref<1x16x512xf32, #tpu.memory_space<vmem>> -> memref<16x512xf32, #tpu.memory_space<vmem>>
          %swap3A_1480 = arith.index_cast %add3A_374 : i32 to index
          %swap3A_1481 = arith.constant 48 : index
          %swap3A_1482 = tpu.vector_load %swap3A_1479[%swap3A_1480, %swap3A_1481] {strides = array<i32>} : memref<16x512xf32, #tpu.memory_space<vmem>>, vector<1x16xf32>,
          %swap3A_1483 = vector.shape_cast %swap3A_1482 : vector<1x16xf32> to vector<1x16xf32>
          %swap3A_1484 = vector.shape_cast %add3A_1475 : vector<1x16xf32> to vector<1x16xf32>
          tpu.vector_store %swap3A_1479[%swap3A_1480, %swap3A_1481], %swap3A_1484 {strides = array<i32>} : memref<16x512xf32, #tpu.memory_space<vmem>>, vector<1x16xf32>,
          %mul3A_1485 = arith.mulf %get3A_1340, %get3A_1412 : vector<1x16xf32>
          %mul3A_1486 = arith.mulf %get3A_1348, %get3A_1404 : vector<1x16xf32>
          %add3A_1487 = arith.addf %mul3A_1485, %mul3A_1486 : vector<1x16xf32>
          %mul3A_1488 = arith.mulf %get3A_1356, %get3A_1460 : vector<1x16xf32>
          %add3A_1489 = arith.addf %add3A_1487, %mul3A_1488 : vector<1x16xf32>
          %mul3A_1490 = arith.mulf %get3A_1364, %get3A_1452 : vector<1x16xf32>
          %add3A_1491 = arith.addf %add3A_1489, %mul3A_1490 : vector<1x16xf32>
          %mul3A_1492 = arith.mulf %get3A_1372, %get3A_1444 : vector<1x16xf32>
          %add3A_1493 = arith.addf %add3A_1491, %mul3A_1492 : vector<1x16xf32>
          %mul3A_1494 = arith.mulf %get3A_1380, %get3A_1436 : vector<1x16xf32>
          %add3A_1495 = arith.addf %add3A_1493, %mul3A_1494 : vector<1x16xf32>
          %mul3A_1496 = arith.mulf %get3A_1388, %get3A_1428 : vector<1x16xf32>
          %add3A_1497 = arith.addf %add3A_1495, %mul3A_1496 : vector<1x16xf32>
          %mul3A_1498 = arith.mulf %get3A_1396, %get3A_1420 : vector<1x16xf32>
          %add3A_1499 = arith.addf %add3A_1497, %mul3A_1498 : vector<1x16xf32>
          %swap3A_1500 = arith.constant 0 : i32
          %swap3A_1501 = arith.constant 0 : i32
          %swap3A_1502 = tpu.memref_slice %run_scoped3A_10[%rem3A_260, %swap3A_1500, %swap3A_1501] : memref<2x16x512xf32, #tpu.memory_space<vmem>> -> memref<1x16x512xf32, #tpu.memory_space<vmem>>
          %swap3A_1503 = tpu.memref_squeeze %swap3A_1502 : memref<1x16x512xf32, #tpu.memory_space<vmem>> -> memref<16x512xf32, #tpu.memory_space<vmem>>
          %swap3A_1504 = arith.index_cast %add3A_374 : i32 to index
          %swap3A_1505 = arith.constant 112 : index
          %swap3A_1506 = tpu.vector_load %swap3A_1503[%swap3A_1504, %swap3A_1505] {strides = array<i32>} : memref<16x512xf32, #tpu.memory_space<vmem>>, vector<1x16xf32>,
          %swap3A_1507 = vector.shape_cast %swap3A_1506 : vector<1x16xf32> to vector<1x16xf32>
          %swap3A_1508 = vector.shape_cast %add3A_1499 : vector<1x16xf32> to vector<1x16xf32>
          tpu.vector_store %swap3A_1503[%swap3A_1504, %swap3A_1505], %swap3A_1508 {strides = array<i32>} : memref<16x512xf32, #tpu.memory_space<vmem>>, vector<1x16xf32>,
          %mul3A_1509 = arith.mulf %get3A_1340, %get3A_1420 : vector<1x16xf32>
          %mul3A_1510 = arith.mulf %get3A_1348, %get3A_1412 : vector<1x16xf32>
          %add3A_1511 = arith.addf %mul3A_1509, %mul3A_1510 : vector<1x16xf32>
          %mul3A_1512 = arith.mulf %get3A_1356, %get3A_1404 : vector<1x16xf32>
          %add3A_1513 = arith.addf %add3A_1511, %mul3A_1512 : vector<1x16xf32>
          %mul3A_1514 = arith.mulf %get3A_1364, %get3A_1460 : vector<1x16xf32>
          %add3A_1515 = arith.addf %add3A_1513, %mul3A_1514 : vector<1x16xf32>
          %mul3A_1516 = arith.mulf %get3A_1372, %get3A_1452 : vector<1x16xf32>
          %add3A_1517 = arith.addf %add3A_1515, %mul3A_1516 : vector<1x16xf32>
          %mul3A_1518 = arith.mulf %get3A_1380, %get3A_1444 : vector<1x16xf32>
          %add3A_1519 = arith.addf %add3A_1517, %mul3A_1518 : vector<1x16xf32>
          %mul3A_1520 = arith.mulf %get3A_1388, %get3A_1436 : vector<1x16xf32>
          %add3A_1521 = arith.addf %add3A_1519, %mul3A_1520 : vector<1x16xf32>
          %mul3A_1522 = arith.mulf %get3A_1396, %get3A_1428 : vector<1x16xf32>
          %add3A_1523 = arith.addf %add3A_1521, %mul3A_1522 : vector<1x16xf32>
          %swap3A_1524 = arith.constant 0 : i32
          %swap3A_1525 = arith.constant 0 : i32
          %swap3A_1526 = tpu.memref_slice %run_scoped3A_10[%rem3A_260, %swap3A_1524, %swap3A_1525] : memref<2x16x512xf32, #tpu.memory_space<vmem>> -> memref<1x16x512xf32, #tpu.memory_space<vmem>>
          %swap3A_1527 = tpu.memref_squeeze %swap3A_1526 : memref<1x16x512xf32, #tpu.memory_space<vmem>> -> memref<16x512xf32, #tpu.memory_space<vmem>>
          %swap3A_1528 = arith.index_cast %add3A_374 : i32 to index
          %swap3A_1529 = arith.constant 176 : index
          %swap3A_1530 = tpu.vector_load %swap3A_1527[%swap3A_1528, %swap3A_1529] {strides = array<i32>} : memref<16x512xf32, #tpu.memory_space<vmem>>, vector<1x16xf32>,
          %swap3A_1531 = vector.shape_cast %swap3A_1530 : vector<1x16xf32> to vector<1x16xf32>
          %swap3A_1532 = vector.shape_cast %add3A_1523 : vector<1x16xf32> to vector<1x16xf32>
          tpu.vector_store %swap3A_1527[%swap3A_1528, %swap3A_1529], %swap3A_1532 {strides = array<i32>} : memref<16x512xf32, #tpu.memory_space<vmem>>, vector<1x16xf32>,
          %mul3A_1533 = arith.mulf %get3A_1340, %get3A_1428 : vector<1x16xf32>
          %mul3A_1534 = arith.mulf %get3A_1348, %get3A_1420 : vector<1x16xf32>
          %add3A_1535 = arith.addf %mul3A_1533, %mul3A_1534 : vector<1x16xf32>
          %mul3A_1536 = arith.mulf %get3A_1356, %get3A_1412 : vector<1x16xf32>
          %add3A_1537 = arith.addf %add3A_1535, %mul3A_1536 : vector<1x16xf32>
          %mul3A_1538 = arith.mulf %get3A_1364, %get3A_1404 : vector<1x16xf32>
          %add3A_1539 = arith.addf %add3A_1537, %mul3A_1538 : vector<1x16xf32>
          %mul3A_1540 = arith.mulf %get3A_1372, %get3A_1460 : vector<1x16xf32>
          %add3A_1541 = arith.addf %add3A_1539, %mul3A_1540 : vector<1x16xf32>
          %mul3A_1542 = arith.mulf %get3A_1380, %get3A_1452 : vector<1x16xf32>
          %add3A_1543 = arith.addf %add3A_1541, %mul3A_1542 : vector<1x16xf32>
          %mul3A_1544 = arith.mulf %get3A_1388, %get3A_1444 : vector<1x16xf32>
          %add3A_1545 = arith.addf %add3A_1543, %mul3A_1544 : vector<1x16xf32>
          %mul3A_1546 = arith.mulf %get3A_1396, %get3A_1436 : vector<1x16xf32>
          %add3A_1547 = arith.addf %add3A_1545, %mul3A_1546 : vector<1x16xf32>
          %swap3A_1548 = arith.constant 0 : i32
          %swap3A_1549 = arith.constant 0 : i32
          %swap3A_1550 = tpu.memref_slice %run_scoped3A_10[%rem3A_260, %swap3A_1548, %swap3A_1549] : memref<2x16x512xf32, #tpu.memory_space<vmem>> -> memref<1x16x512xf32, #tpu.memory_space<vmem>>
          %swap3A_1551 = tpu.memref_squeeze %swap3A_1550 : memref<1x16x512xf32, #tpu.memory_space<vmem>> -> memref<16x512xf32, #tpu.memory_space<vmem>>
          %swap3A_1552 = arith.index_cast %add3A_374 : i32 to index
          %swap3A_1553 = arith.constant 240 : index
          %swap3A_1554 = tpu.vector_load %swap3A_1551[%swap3A_1552, %swap3A_1553] {strides = array<i32>} : memref<16x512xf32, #tpu.memory_space<vmem>>, vector<1x16xf32>,
          %swap3A_1555 = vector.shape_cast %swap3A_1554 : vector<1x16xf32> to vector<1x16xf32>
          %swap3A_1556 = vector.shape_cast %add3A_1547 : vector<1x16xf32> to vector<1x16xf32>
          tpu.vector_store %swap3A_1551[%swap3A_1552, %swap3A_1553], %swap3A_1556 {strides = array<i32>} : memref<16x512xf32, #tpu.memory_space<vmem>>, vector<1x16xf32>,
          %mul3A_1557 = arith.mulf %get3A_1340, %get3A_1436 : vector<1x16xf32>
          %mul3A_1558 = arith.mulf %get3A_1348, %get3A_1428 : vector<1x16xf32>
          %add3A_1559 = arith.addf %mul3A_1557, %mul3A_1558 : vector<1x16xf32>
          %mul3A_1560 = arith.mulf %get3A_1356, %get3A_1420 : vector<1x16xf32>
          %add3A_1561 = arith.addf %add3A_1559, %mul3A_1560 : vector<1x16xf32>
          %mul3A_1562 = arith.mulf %get3A_1364, %get3A_1412 : vector<1x16xf32>
          %add3A_1563 = arith.addf %add3A_1561, %mul3A_1562 : vector<1x16xf32>
          %mul3A_1564 = arith.mulf %get3A_1372, %get3A_1404 : vector<1x16xf32>
          %add3A_1565 = arith.addf %add3A_1563, %mul3A_1564 : vector<1x16xf32>
          %mul3A_1566 = arith.mulf %get3A_1380, %get3A_1460 : vector<1x16xf32>
          %add3A_1567 = arith.addf %add3A_1565, %mul3A_1566 : vector<1x16xf32>
          %mul3A_1568 = arith.mulf %get3A_1388, %get3A_1452 : vector<1x16xf32>
          %add3A_1569 = arith.addf %add3A_1567, %mul3A_1568 : vector<1x16xf32>
          %mul3A_1570 = arith.mulf %get3A_1396, %get3A_1444 : vector<1x16xf32>
          %add3A_1571 = arith.addf %add3A_1569, %mul3A_1570 : vector<1x16xf32>
          %swap3A_1572 = arith.constant 0 : i32
          %swap3A_1573 = arith.constant 0 : i32
          %swap3A_1574 = tpu.memref_slice %run_scoped3A_10[%rem3A_260, %swap3A_1572, %swap3A_1573] : memref<2x16x512xf32, #tpu.memory_space<vmem>> -> memref<1x16x512xf32, #tpu.memory_space<vmem>>
          %swap3A_1575 = tpu.memref_squeeze %swap3A_1574 : memref<1x16x512xf32, #tpu.memory_space<vmem>> -> memref<16x512xf32, #tpu.memory_space<vmem>>
          %swap3A_1576 = arith.index_cast %add3A_374 : i32 to index
          %swap3A_1577 = arith.constant 304 : index
          %swap3A_1578 = tpu.vector_load %swap3A_1575[%swap3A_1576, %swap3A_1577] {strides = array<i32>} : memref<16x512xf32, #tpu.memory_space<vmem>>, vector<1x16xf32>,
          %swap3A_1579 = vector.shape_cast %swap3A_1578 : vector<1x16xf32> to vector<1x16xf32>
          %swap3A_1580 = vector.shape_cast %add3A_1571 : vector<1x16xf32> to vector<1x16xf32>
          tpu.vector_store %swap3A_1575[%swap3A_1576, %swap3A_1577], %swap3A_1580 {strides = array<i32>} : memref<16x512xf32, #tpu.memory_space<vmem>>, vector<1x16xf32>,
          %mul3A_1581 = arith.mulf %get3A_1340, %get3A_1444 : vector<1x16xf32>
          %mul3A_1582 = arith.mulf %get3A_1348, %get3A_1436 : vector<1x16xf32>
          %add3A_1583 = arith.addf %mul3A_1581, %mul3A_1582 : vector<1x16xf32>
          %mul3A_1584 = arith.mulf %get3A_1356, %get3A_1428 : vector<1x16xf32>
          %add3A_1585 = arith.addf %add3A_1583, %mul3A_1584 : vector<1x16xf32>
          %mul3A_1586 = arith.mulf %get3A_1364, %get3A_1420 : vector<1x16xf32>
          %add3A_1587 = arith.addf %add3A_1585, %mul3A_1586 : vector<1x16xf32>
          %mul3A_1588 = arith.mulf %get3A_1372, %get3A_1412 : vector<1x16xf32>
          %add3A_1589 = arith.addf %add3A_1587, %mul3A_1588 : vector<1x16xf32>
          %mul3A_1590 = arith.mulf %get3A_1380, %get3A_1404 : vector<1x16xf32>
          %add3A_1591 = arith.addf %add3A_1589, %mul3A_1590 : vector<1x16xf32>
          %mul3A_1592 = arith.mulf %get3A_1388, %get3A_1460 : vector<1x16xf32>
          %add3A_1593 = arith.addf %add3A_1591, %mul3A_1592 : vector<1x16xf32>
          %mul3A_1594 = arith.mulf %get3A_1396, %get3A_1452 : vector<1x16xf32>
          %add3A_1595 = arith.addf %add3A_1593, %mul3A_1594 : vector<1x16xf32>
          %swap3A_1596 = arith.constant 0 : i32
          %swap3A_1597 = arith.constant 0 : i32
          %swap3A_1598 = tpu.memref_slice %run_scoped3A_10[%rem3A_260, %swap3A_1596, %swap3A_1597] : memref<2x16x512xf32, #tpu.memory_space<vmem>> -> memref<1x16x512xf32, #tpu.memory_space<vmem>>
          %swap3A_1599 = tpu.memref_squeeze %swap3A_1598 : memref<1x16x512xf32, #tpu.memory_space<vmem>> -> memref<16x512xf32, #tpu.memory_space<vmem>>
          %swap3A_1600 = arith.index_cast %add3A_374 : i32 to index
          %swap3A_1601 = arith.constant 368 : index
          %swap3A_1602 = tpu.vector_load %swap3A_1599[%swap3A_1600, %swap3A_1601] {strides = array<i32>} : memref<16x512xf32, #tpu.memory_space<vmem>>, vector<1x16xf32>,
          %swap3A_1603 = vector.shape_cast %swap3A_1602 : vector<1x16xf32> to vector<1x16xf32>
          %swap3A_1604 = vector.shape_cast %add3A_1595 : vector<1x16xf32> to vector<1x16xf32>
          tpu.vector_store %swap3A_1599[%swap3A_1600, %swap3A_1601], %swap3A_1604 {strides = array<i32>} : memref<16x512xf32, #tpu.memory_space<vmem>>, vector<1x16xf32>,
          %mul3A_1605 = arith.mulf %get3A_1340, %get3A_1452 : vector<1x16xf32>
          %mul3A_1606 = arith.mulf %get3A_1348, %get3A_1444 : vector<1x16xf32>
          %add3A_1607 = arith.addf %mul3A_1605, %mul3A_1606 : vector<1x16xf32>
          %mul3A_1608 = arith.mulf %get3A_1356, %get3A_1436 : vector<1x16xf32>
          %add3A_1609 = arith.addf %add3A_1607, %mul3A_1608 : vector<1x16xf32>
          %mul3A_1610 = arith.mulf %get3A_1364, %get3A_1428 : vector<1x16xf32>
          %add3A_1611 = arith.addf %add3A_1609, %mul3A_1610 : vector<1x16xf32>
          %mul3A_1612 = arith.mulf %get3A_1372, %get3A_1420 : vector<1x16xf32>
          %add3A_1613 = arith.addf %add3A_1611, %mul3A_1612 : vector<1x16xf32>
          %mul3A_1614 = arith.mulf %get3A_1380, %get3A_1412 : vector<1x16xf32>
          %add3A_1615 = arith.addf %add3A_1613, %mul3A_1614 : vector<1x16xf32>
          %mul3A_1616 = arith.mulf %get3A_1388, %get3A_1404 : vector<1x16xf32>
          %add3A_1617 = arith.addf %add3A_1615, %mul3A_1616 : vector<1x16xf32>
          %mul3A_1618 = arith.mulf %get3A_1396, %get3A_1460 : vector<1x16xf32>
          %add3A_1619 = arith.addf %add3A_1617, %mul3A_1618 : vector<1x16xf32>
          %swap3A_1620 = arith.constant 0 : i32
          %swap3A_1621 = arith.constant 0 : i32
          %swap3A_1622 = tpu.memref_slice %run_scoped3A_10[%rem3A_260, %swap3A_1620, %swap3A_1621] : memref<2x16x512xf32, #tpu.memory_space<vmem>> -> memref<1x16x512xf32, #tpu.memory_space<vmem>>
          %swap3A_1623 = tpu.memref_squeeze %swap3A_1622 : memref<1x16x512xf32, #tpu.memory_space<vmem>> -> memref<16x512xf32, #tpu.memory_space<vmem>>
          %swap3A_1624 = arith.index_cast %add3A_374 : i32 to index
          %swap3A_1625 = arith.constant 432 : index
          %swap3A_1626 = tpu.vector_load %swap3A_1623[%swap3A_1624, %swap3A_1625] {strides = array<i32>} : memref<16x512xf32, #tpu.memory_space<vmem>>, vector<1x16xf32>,
          %swap3A_1627 = vector.shape_cast %swap3A_1626 : vector<1x16xf32> to vector<1x16xf32>
          %swap3A_1628 = vector.shape_cast %add3A_1619 : vector<1x16xf32> to vector<1x16xf32>
          tpu.vector_store %swap3A_1623[%swap3A_1624, %swap3A_1625], %swap3A_1628 {strides = array<i32>} : memref<16x512xf32, #tpu.memory_space<vmem>>, vector<1x16xf32>,
          %mul3A_1629 = arith.mulf %get3A_1340, %get3A_1460 : vector<1x16xf32>
          %mul3A_1630 = arith.mulf %get3A_1348, %get3A_1452 : vector<1x16xf32>
          %add3A_1631 = arith.addf %mul3A_1629, %mul3A_1630 : vector<1x16xf32>
          %mul3A_1632 = arith.mulf %get3A_1356, %get3A_1444 : vector<1x16xf32>
          %add3A_1633 = arith.addf %add3A_1631, %mul3A_1632 : vector<1x16xf32>
          %mul3A_1634 = arith.mulf %get3A_1364, %get3A_1436 : vector<1x16xf32>
          %add3A_1635 = arith.addf %add3A_1633, %mul3A_1634 : vector<1x16xf32>
          %mul3A_1636 = arith.mulf %get3A_1372, %get3A_1428 : vector<1x16xf32>
          %add3A_1637 = arith.addf %add3A_1635, %mul3A_1636 : vector<1x16xf32>
          %mul3A_1638 = arith.mulf %get3A_1380, %get3A_1420 : vector<1x16xf32>
          %add3A_1639 = arith.addf %add3A_1637, %mul3A_1638 : vector<1x16xf32>
          %mul3A_1640 = arith.mulf %get3A_1388, %get3A_1412 : vector<1x16xf32>
          %add3A_1641 = arith.addf %add3A_1639, %mul3A_1640 : vector<1x16xf32>
          %mul3A_1642 = arith.mulf %get3A_1396, %get3A_1404 : vector<1x16xf32>
          %add3A_1643 = arith.addf %add3A_1641, %mul3A_1642 : vector<1x16xf32>
          %swap3A_1644 = arith.constant 0 : i32
          %swap3A_1645 = arith.constant 0 : i32
          %swap3A_1646 = tpu.memref_slice %run_scoped3A_10[%rem3A_260, %swap3A_1644, %swap3A_1645] : memref<2x16x512xf32, #tpu.memory_space<vmem>> -> memref<1x16x512xf32, #tpu.memory_space<vmem>>
          %swap3A_1647 = tpu.memref_squeeze %swap3A_1646 : memref<1x16x512xf32, #tpu.memory_space<vmem>> -> memref<16x512xf32, #tpu.memory_space<vmem>>
          %swap3A_1648 = arith.index_cast %add3A_374 : i32 to index
          %swap3A_1649 = arith.constant 496 : index
          %swap3A_1650 = tpu.vector_load %swap3A_1647[%swap3A_1648, %swap3A_1649] {strides = array<i32>} : memref<16x512xf32, #tpu.memory_space<vmem>>, vector<1x16xf32>,
          %swap3A_1651 = vector.shape_cast %swap3A_1650 : vector<1x16xf32> to vector<1x16xf32>
          %swap3A_1652 = vector.shape_cast %add3A_1643 : vector<1x16xf32> to vector<1x16xf32>
          tpu.vector_store %swap3A_1647[%swap3A_1648, %swap3A_1649], %swap3A_1652 {strides = array<i32>} : memref<16x512xf32, #tpu.memory_space<vmem>>, vector<1x16xf32>,
        }
        %scan3A_265 = arith.constant 16 : i32
        "tpu.trace_stop"() : () -> ()
        %ne3A_266 = arith.cmpi ne, %add3A_161, %add3A_179 : i32
        %or3A_267 = arith.constant false
        %or3A_268 = arith.ori %or3A_267, %ne3A_266 : i1
        %or3A_269 = arith.constant false
        %or3A_270 = arith.ori %or3A_268, %or3A_269 : i1
        %or3A_271 = arith.ori %or3A_270, %eq3A_160 : i1
        %convert_element_type3A_272 = arith.extui %or3A_271 : i1 to i32
        %cond3A_273 = arith.constant 0 : i32
        %cond3A_274 = arith.cmpi ne, %convert_element_type3A_272, %cond3A_273 : i32
        scf.if %cond3A_274 {
        } else {
        }
        %and3A_275 = arith.constant false
        %and3A_276 = arith.andi %or3A_271, %and3A_275 : i1
        %ne3A_277 = arith.cmpi ne, %add3A_161, %add3A_179 : i32
        %or3A_278 = arith.constant false
        %or3A_279 = arith.ori %or3A_278, %ne3A_277 : i1
        %or3A_280 = arith.constant false
        %or3A_281 = arith.ori %or3A_279, %or3A_280 : i1
        %or3A_282 = arith.ori %or3A_281, %eq3A_160 : i1
        %convert_element_type3A_283 = arith.extui %or3A_282 : i1 to i32
        %cond3A_284 = arith.constant 0 : i32
        %cond3A_285 = arith.cmpi ne, %convert_element_type3A_283, %cond3A_284 : i32
        scf.if %cond3A_285 {
        } else {
        }
        %and3A_286 = arith.constant false
        %and3A_287 = arith.andi %or3A_282, %and3A_286 : i1
        %ne3A_288 = arith.cmpi ne, %add3A_161, %add3A_179 : i32
        %or3A_289 = arith.constant false
        %or3A_290 = arith.ori %or3A_289, %ne3A_288 : i1
        %or3A_291 = arith.constant false
        %or3A_292 = arith.ori %or3A_290, %or3A_291 : i1
        %or3A_293 = arith.ori %or3A_292, %eq3A_160 : i1
        %convert_element_type3A_294 = arith.extui %or3A_293 : i1 to i32
        %cond3A_295 = arith.constant 0 : i32
        %cond3A_296 = arith.cmpi ne, %convert_element_type3A_294, %cond3A_295 : i32
        scf.if %cond3A_296 {
          "tpu.trace_start"() <{level = 10 : i32, message = "ep_copy_out"}> : () -> ()
          %rem3A_370 = arith.constant 2 : i32
          %rem3A_371 = arith.remui %scan3A_154, %rem3A_370 : i32
          %mul3A_372 = arith.constant 16 : i32
          %mul3A_373 = arith.muli %mul3A_372, %add3A_161 : i32
          %dma_start3A_374 = arith.constant 0 : i32
          %dma_start3A_375 = arith.constant 0 : i32
          %dma_start3A_376 = tpu.memref_slice %run_scoped3A_10[%rem3A_371, %dma_start3A_374, %dma_start3A_375] : memref<2x16x512xf32, #tpu.memory_space<vmem>> -> memref<1x16x512xf32, #tpu.memory_space<vmem>>
          %dma_start3A_377 = tpu.memref_squeeze %dma_start3A_376 : memref<1x16x512xf32, #tpu.memory_space<vmem>> -> memref<16x512xf32, #tpu.memory_space<vmem>>
          %dma_start3A_378 = arith.constant 0 : i32
          %dma_start3A_379 = tpu.memref_slice %arg4[%mul3A_373, %dma_start3A_378] : memref<16384x512xf32, #tpu.memory_space<hbm>> -> memref<16x512xf32, #tpu.memory_space<hbm>>
          %dma_start3A_380 = tpu.memref_slice %run_scoped3A_11[%rem3A_371] : memref<2x!tpu.dma_semaphore, #tpu.memory_space<semaphore_mem>> -> memref<1x!tpu.dma_semaphore, #tpu.memory_space<semaphore_mem>>
          %dma_start3A_381 = tpu.memref_squeeze %dma_start3A_380 : memref<1x!tpu.dma_semaphore, #tpu.memory_space<semaphore_mem>> -> memref<!tpu.dma_semaphore, #tpu.memory_space<semaphore_mem>>
          %dma_start3A_382 = arith.constant 0 : i32
          %dma_start3A_383 = tpu.memref_slice %arg4[%mul3A_373, %dma_start3A_382] : memref<16384x512xf32, #tpu.memory_space<hbm>> -> memref<16x512xf32, #tpu.memory_space<hbm>>
          %dma_start3A_384 = arith.constant 0 : i32
          %dma_start3A_385 = arith.constant 0 : i32
          %dma_start3A_386 = tpu.memref_slice %run_scoped3A_10[%rem3A_371, %dma_start3A_384, %dma_start3A_385] : memref<2x16x512xf32, #tpu.memory_space<vmem>> -> memref<1x16x512xf32, #tpu.memory_space<vmem>>
          %dma_start3A_387 = tpu.memref_squeeze %dma_start3A_386 : memref<1x16x512xf32, #tpu.memory_space<vmem>> -> memref<16x512xf32, #tpu.memory_space<vmem>>
          tpu.enqueue_dma source(%dma_start3A_387 : memref<16x512xf32, #tpu.memory_space<vmem>>) target(%dma_start3A_383 : memref<16x512xf32, #tpu.memory_space<hbm>>) target_semaphore(%dma_start3A_381 : memref<!tpu.dma_semaphore, #tpu.memory_space<semaphore_mem>>)
          "tpu.trace_stop"() : () -> ()
        } else {
        }
        %and3A_297 = arith.constant true
        %and3A_298 = arith.andi %or3A_293, %and3A_297 : i1
        %add3A_299 = arith.constant 1 : i32
        %add3A_300 = arith.addi %scan3A_154, %add3A_299 : i32
        %select_n3A_301 = arith.select %and3A_298, %add3A_300, %scan3A_154 : i32
        %ne3A_302 = arith.cmpi ne, %add3A_161, %add3A_170 : i32
        %or3A_303 = arith.constant false
        %or3A_304 = arith.ori %or3A_303, %ne3A_302 : i1
        %or3A_305 = arith.constant false
        %or3A_306 = arith.ori %or3A_304, %or3A_305 : i1
        %not3A_307 = arith.constant true
        %not3A_308 = arith.xori %eq3A_158, %not3A_307 : i1
        %and3A_309 = arith.andi %or3A_306, %not3A_308 : i1
        %convert_element_type3A_310 = arith.extui %and3A_309 : i1 to i32
        %cond3A_311 = arith.constant 0 : i32
        %cond3A_312 = arith.cmpi ne, %convert_element_type3A_310, %cond3A_311 : i32
        scf.if %cond3A_312 {
        } else {
        }
        %and3A_313 = arith.constant false
        %and3A_314 = arith.andi %and3A_309, %and3A_313 : i1
        %ne3A_315 = arith.cmpi ne, %add3A_161, %add3A_170 : i32
        %or3A_316 = arith.constant false
        %or3A_317 = arith.ori %or3A_316, %ne3A_315 : i1
        %or3A_318 = arith.constant false
        %or3A_319 = arith.ori %or3A_317, %or3A_318 : i1
        %not3A_320 = arith.constant true
        %not3A_321 = arith.xori %eq3A_158, %not3A_320 : i1
        %and3A_322 = arith.andi %or3A_319, %not3A_321 : i1
        %convert_element_type3A_323 = arith.extui %and3A_322 : i1 to i32
        %cond3A_324 = arith.constant 0 : i32
        %cond3A_325 = arith.cmpi ne, %convert_element_type3A_323, %cond3A_324 : i32
        scf.if %cond3A_325 {
        } else {
        }
        %and3A_326 = arith.constant false
        %and3A_327 = arith.andi %and3A_322, %and3A_326 : i1
        %ne3A_328 = arith.cmpi ne, %add3A_161, %add3A_170 : i32
        %or3A_329 = arith.constant false
        %or3A_330 = arith.ori %or3A_329, %ne3A_328 : i1
        %or3A_331 = arith.constant false
        %or3A_332 = arith.ori %or3A_330, %or3A_331 : i1
        %not3A_333 = arith.constant true
        %not3A_334 = arith.xori %eq3A_158, %not3A_333 : i1
        %and3A_335 = arith.andi %or3A_332, %not3A_334 : i1
        %convert_element_type3A_336 = arith.extui %and3A_335 : i1 to i32
        %cond3A_337 = arith.constant 0 : i32
        %cond3A_338 = arith.cmpi ne, %convert_element_type3A_336, %cond3A_337 : i32
        scf.if %cond3A_338 {
          "tpu.trace_start"() <{level = 10 : i32, message = "ep_wait_out"}> : () -> ()
          %rem3A_370 = arith.constant 2 : i32
          %rem3A_371 = arith.remui %scan3A_155, %rem3A_370 : i32
          %mul3A_372 = arith.constant 16 : i32
          %mul3A_373 = arith.muli %mul3A_372, %add3A_170 : i32
          %dma_wait3A_374 = arith.constant 0 : i32
          %dma_wait3A_375 = arith.constant 0 : i32
          %dma_wait3A_376 = tpu.memref_slice %run_scoped3A_10[%rem3A_371, %dma_wait3A_374, %dma_wait3A_375] : memref<2x16x512xf32, #tpu.memory_space<vmem>> -> memref<1x16x512xf32, #tpu.memory_space<vmem>>
          %dma_wait3A_377 = tpu.memref_squeeze %dma_wait3A_376 : memref<1x16x512xf32, #tpu.memory_space<vmem>> -> memref<16x512xf32, #tpu.memory_space<vmem>>
          %dma_wait3A_378 = arith.constant 0 : i32
          %dma_wait3A_379 = tpu.memref_slice %arg4[%mul3A_373, %dma_wait3A_378] : memref<16384x512xf32, #tpu.memory_space<hbm>> -> memref<16x512xf32, #tpu.memory_space<hbm>>
          %dma_wait3A_380 = tpu.memref_slice %run_scoped3A_11[%rem3A_371] : memref<2x!tpu.dma_semaphore, #tpu.memory_space<semaphore_mem>> -> memref<1x!tpu.dma_semaphore, #tpu.memory_space<semaphore_mem>>
          %dma_wait3A_381 = tpu.memref_squeeze %dma_wait3A_380 : memref<1x!tpu.dma_semaphore, #tpu.memory_space<semaphore_mem>> -> memref<!tpu.dma_semaphore, #tpu.memory_space<semaphore_mem>>
          %dma_wait3A_382 = arith.constant 0 : i32
          %dma_wait3A_383 = tpu.memref_slice %arg4[%mul3A_373, %dma_wait3A_382] : memref<16384x512xf32, #tpu.memory_space<hbm>> -> memref<16x512xf32, #tpu.memory_space<hbm>>
          %dma_wait3A_384 = arith.constant 0 : i32
          %dma_wait3A_385 = arith.constant 0 : i32
          %dma_wait3A_386 = tpu.memref_slice %run_scoped3A_10[%rem3A_371, %dma_wait3A_384, %dma_wait3A_385] : memref<2x16x512xf32, #tpu.memory_space<vmem>> -> memref<1x16x512xf32, #tpu.memory_space<vmem>>
          %dma_wait3A_387 = tpu.memref_squeeze %dma_wait3A_386 : memref<1x16x512xf32, #tpu.memory_space<vmem>> -> memref<16x512xf32, #tpu.memory_space<vmem>>
          tpu.wait_dma2 semaphore(%dma_wait3A_381 : memref<!tpu.dma_semaphore, #tpu.memory_space<semaphore_mem>>) src(%dma_wait3A_387 : memref<16x512xf32, #tpu.memory_space<vmem>>) dst(%dma_wait3A_383 : memref<16x512xf32, #tpu.memory_space<hbm>>)
          "tpu.trace_stop"() : () -> ()
        } else {
        }
        %and3A_339 = arith.constant true
        %and3A_340 = arith.andi %and3A_335, %and3A_339 : i1
        %add3A_341 = arith.constant 1 : i32
        %add3A_342 = arith.addi %scan3A_155, %add3A_341 : i32
        %select_n3A_343 = arith.select %and3A_340, %add3A_342, %scan3A_155 : i32
        %ne3A_344 = arith.cmpi ne, %add3A_161, %add3A_179 : i32
        %or3A_345 = arith.constant false
        %or3A_346 = arith.ori %or3A_345, %ne3A_344 : i1
        %or3A_347 = arith.constant false
        %or3A_348 = arith.ori %or3A_346, %or3A_347 : i1
        %or3A_349 = arith.ori %or3A_348, %eq3A_160 : i1
        %add3A_350 = arith.constant 1 : i32
        %add3A_351 = arith.addi %scan3A_151, %add3A_350 : i32
        %select_n3A_352 = arith.select %or3A_349, %add3A_351, %scan3A_151 : i32
        %ne3A_353 = arith.cmpi ne, %add3A_161, %add3A_179 : i32
        %or3A_354 = arith.constant false
        %or3A_355 = arith.ori %or3A_354, %ne3A_353 : i1
        %or3A_356 = arith.constant false
        %or3A_357 = arith.ori %or3A_355, %or3A_356 : i1
        %or3A_358 = arith.ori %or3A_357, %eq3A_160 : i1
        %add3A_359 = arith.constant 1 : i32
        %add3A_360 = arith.addi %scan3A_153, %add3A_359 : i32
        %select_n3A_361 = arith.select %or3A_358, %add3A_360, %scan3A_153 : i32
        %add3A_362 = arith.constant 1 : i32
        %add3A_363 = arith.addi %scan3A_156, %add3A_362 : i32
        %select_n3A_364 = arith.constant true
        %select_n3A_365 = arith.select %select_n3A_364, %add3A_363, %scan3A_156 : i32
        %eq3A_366 = arith.constant 2 : i32
        %eq3A_367 = arith.cmpi eq, %select_n3A_365, %eq3A_366 : i32
        %select_n3A_368 = arith.constant 0 : i32
        %select_n3A_369 = arith.select %eq3A_367, %select_n3A_368, %select_n3A_365 : i32
        scf.yield %select_n3A_199, %select_n3A_352, %select_n3A_217, %select_n3A_361, %select_n3A_301, %select_n3A_343, %select_n3A_369 : i32, i32, i32, i32, i32, i32, i32
      }
      %scan3A_96 = arith.constant 2 : i32
      %sub3A = arith.constant 1 : i32
      %sub3A_97 = arith.subi %scan3A_95#6, %sub3A : i32
      %select_n3A_98 = arith.constant true
      %select_n3A_99 = arith.select %select_n3A_98, %sub3A_97, %scan3A_95#6 : i32
      %eq3A_100 = arith.constant -1 : i32
      %eq3A_101 = arith.cmpi eq, %select_n3A_99, %eq3A_100 : i32
      %select_n3A_102 = arith.constant 1 : i32
      %select_n3A_103 = arith.select %eq3A_101, %select_n3A_102, %select_n3A_99 : i32
      %add3A_104 = arith.addi %select_n3A_103, %mul3A_6 : i32
      %sub3A_105 = arith.constant 1 : i32
      %sub3A_106 = arith.subi %select_n3A_103, %sub3A_105 : i32
      %select_n3A_107 = arith.constant true
      %select_n3A_108 = arith.select %select_n3A_107, %sub3A_106, %select_n3A_103 : i32
      %eq3A_109 = arith.constant -1 : i32
      %eq3A_110 = arith.cmpi eq, %select_n3A_108, %eq3A_109 : i32
      %select_n3A_111 = arith.constant 1 : i32
      %select_n3A_112 = arith.select %eq3A_110, %select_n3A_111, %select_n3A_108 : i32
      %add3A_113 = arith.addi %select_n3A_112, %mul3A_6 : i32
      %add3A_114 = arith.constant 1 : i32
      %add3A_115 = arith.addi %select_n3A_103, %add3A_114 : i32
      %select_n3A_116 = arith.constant true
      %select_n3A_117 = arith.select %select_n3A_116, %add3A_115, %select_n3A_103 : i32
      %eq3A_118 = arith.constant 2 : i32
      %eq3A_119 = arith.cmpi eq, %select_n3A_117, %eq3A_118 : i32
      %select_n3A_120 = arith.constant 0 : i32
      %select_n3A_121 = arith.select %eq3A_119, %select_n3A_120, %select_n3A_117 : i32
      %add3A_122 = arith.addi %select_n3A_121, %mul3A_6 : i32
      %add3A_123 = arith.constant 1 : i32
      %add3A_124 = arith.addi %select_n3A_121, %add3A_123 : i32
      %select_n3A_125 = arith.constant true
      %select_n3A_126 = arith.select %select_n3A_125, %add3A_124, %select_n3A_121 : i32
      %eq3A_127 = arith.constant 2 : i32
      %eq3A_128 = arith.cmpi eq, %select_n3A_126, %eq3A_127 : i32
      %select_n3A_129 = arith.constant 0 : i32
      %select_n3A_130 = arith.select %eq3A_128, %select_n3A_129, %select_n3A_126 : i32
      %add3A_131 = arith.addi %select_n3A_130, %mul3A_6 : i32
      "tpu.trace_start"() <{level = 10 : i32, message = "ep_finalize"}> : () -> ()
      %rem3A_132 = arith.constant 2 : i32
      %rem3A_133 = arith.remui %scan3A_95#5, %rem3A_132 : i32
      %mul3A_134 = arith.constant 16 : i32
      %mul3A_135 = arith.muli %mul3A_134, %add3A_104 : i32
      %dma_wait3A = arith.constant 0 : i32
      %dma_wait3A_136 = arith.constant 0 : i32
      %dma_wait3A_137 = tpu.memref_slice %run_scoped3A_10[%rem3A_133, %dma_wait3A, %dma_wait3A_136] : memref<2x16x512xf32, #tpu.memory_space<vmem>> -> memref<1x16x512xf32, #tpu.memory_space<vmem>>
      %dma_wait3A_138 = tpu.memref_squeeze %dma_wait3A_137 : memref<1x16x512xf32, #tpu.memory_space<vmem>> -> memref<16x512xf32, #tpu.memory_space<vmem>>
      %dma_wait3A_139 = arith.constant 0 : i32
      %dma_wait3A_140 = tpu.memref_slice %arg4[%mul3A_135, %dma_wait3A_139] : memref<16384x512xf32, #tpu.memory_space<hbm>> -> memref<16x512xf32, #tpu.memory_space<hbm>>
      %dma_wait3A_141 = tpu.memref_slice %run_scoped3A_11[%rem3A_133] : memref<2x!tpu.dma_semaphore, #tpu.memory_space<semaphore_mem>> -> memref<1x!tpu.dma_semaphore, #tpu.memory_space<semaphore_mem>>
      %dma_wait3A_142 = tpu.memref_squeeze %dma_wait3A_141 : memref<1x!tpu.dma_semaphore, #tpu.memory_space<semaphore_mem>> -> memref<!tpu.dma_semaphore, #tpu.memory_space<semaphore_mem>>
      %dma_wait3A_143 = arith.constant 0 : i32
      %dma_wait3A_144 = tpu.memref_slice %arg4[%mul3A_135, %dma_wait3A_143] : memref<16384x512xf32, #tpu.memory_space<hbm>> -> memref<16x512xf32, #tpu.memory_space<hbm>>
      %dma_wait3A_145 = arith.constant 0 : i32
      %dma_wait3A_146 = arith.constant 0 : i32
      %dma_wait3A_147 = tpu.memref_slice %run_scoped3A_10[%rem3A_133, %dma_wait3A_145, %dma_wait3A_146] : memref<2x16x512xf32, #tpu.memory_space<vmem>> -> memref<1x16x512xf32, #tpu.memory_space<vmem>>
      %dma_wait3A_148 = tpu.memref_squeeze %dma_wait3A_147 : memref<1x16x512xf32, #tpu.memory_space<vmem>> -> memref<16x512xf32, #tpu.memory_space<vmem>>
      tpu.wait_dma2 semaphore(%dma_wait3A_142 : memref<!tpu.dma_semaphore, #tpu.memory_space<semaphore_mem>>) src(%dma_wait3A_148 : memref<16x512xf32, #tpu.memory_space<vmem>>) dst(%dma_wait3A_144 : memref<16x512xf32, #tpu.memory_space<hbm>>)
      "tpu.trace_stop"() : () -> ()
      tpu.yield
    }) : () -> ()
    return
  }
}

module attributes {stable_mosaic.version = 14 : i64} {
  func.func @body(%arg0: i32, %arg1: memref<1024x512xf32, #tpu.memory_space<vmem>>, %arg2: memref<1024x512xf32, #tpu.memory_space<vmem>>, %arg3: memref<16384x512xf32, #tpu.memory_space<any>>, %arg4: memref<1024x512xf32, #tpu.memory_space<vmem>>) attributes {dimension_semantics = [#tpu.dimension_semantics<arbitrary>], iteration_bounds = array<i64: 15>, scalar_prefetch = 0 : i64, scratch_operands = 0 : i64, tpu.core_type = #tpu.core_type<tc>, window_params = [{transform_indices = @transform_0, window_bounds = array<i64: 1024, 512>}, {transform_indices = @transform_1, window_bounds = array<i64: 1024, 512>}, {}, {transform_indices = @transform_3, window_bounds = array<i64: 1024, 512>}]} {
    %get3A = arith.constant 0 : index
    %get3A_0 = arith.constant 0 : index
    %get3A_1 = vector.load %arg1[%get3A, %get3A_0] : memref<1024x512xf32, #tpu.memory_space<vmem>>, vector<1024x512xf32>
    %convert_element_type3A = arith.truncf %get3A_1 : vector<1024x512xf32> to vector<1024x512xbf16>
    %get3A_2 = arith.constant 0 : index
    %get3A_3 = arith.constant 0 : index
    %get3A_4 = vector.load %arg2[%get3A_2, %get3A_3] : memref<1024x512xf32, #tpu.memory_space<vmem>>, vector<1024x512xf32>
    %convert_element_type3A_5 = arith.truncf %get3A_4 : vector<1024x512xf32> to vector<1024x512xbf16>
    %slice3A = vector.extract_strided_slice %convert_element_type3A_5 {offsets = [0, 448], sizes = [1024, 64], strides = [1, 1]} : vector<1024x512xbf16> to vector<1024x64xbf16>
    %slice3A_6 = vector.extract_strided_slice %convert_element_type3A_5 {offsets = [0, 0], sizes = [1024, 448], strides = [1, 1]} : vector<1024x512xbf16> to vector<1024x448xbf16>
    %concatenate3A = tpu.concatenate %slice3A, %slice3A_6 in 1 : vector<1024x64xbf16>, vector<1024x448xbf16> -> vector<1024x512xbf16>
    %slice3A_7 = vector.extract_strided_slice %convert_element_type3A {offsets = [0, 0], sizes = [1024, 64], strides = [1, 1]} : vector<1024x512xbf16> to vector<1024x64xbf16>
    %concatenate3A_8 = tpu.concatenate %slice3A_7, %slice3A_7, %slice3A_7, %slice3A_7, %slice3A_7, %slice3A_7, %slice3A_7, %slice3A_7 in 1 : vector<1024x64xbf16>, vector<1024x64xbf16>, vector<1024x64xbf16>, vector<1024x64xbf16>, vector<1024x64xbf16>, vector<1024x64xbf16>, vector<1024x64xbf16>, vector<1024x64xbf16> -> vector<1024x512xbf16>
    %mul3A = arith.mulf %concatenate3A_8, %convert_element_type3A_5 : vector<1024x512xbf16>
    %slice3A_9 = vector.extract_strided_slice %convert_element_type3A {offsets = [0, 64], sizes = [1024, 64], strides = [1, 1]} : vector<1024x512xbf16> to vector<1024x64xbf16>
    %concatenate3A_10 = tpu.concatenate %slice3A_9, %slice3A_9, %slice3A_9, %slice3A_9, %slice3A_9, %slice3A_9, %slice3A_9, %slice3A_9 in 1 : vector<1024x64xbf16>, vector<1024x64xbf16>, vector<1024x64xbf16>, vector<1024x64xbf16>, vector<1024x64xbf16>, vector<1024x64xbf16>, vector<1024x64xbf16>, vector<1024x64xbf16> -> vector<1024x512xbf16>
    %mul3A_11 = arith.mulf %concatenate3A_10, %concatenate3A : vector<1024x512xbf16>
    %add3A = arith.addf %mul3A, %mul3A_11 : vector<1024x512xbf16>
    %slice3A_12 = vector.extract_strided_slice %convert_element_type3A {offsets = [0, 128], sizes = [1024, 64], strides = [1, 1]} : vector<1024x512xbf16> to vector<1024x64xbf16>
    %concatenate3A_13 = tpu.concatenate %slice3A_12, %slice3A_12, %slice3A_12, %slice3A_12, %slice3A_12, %slice3A_12, %slice3A_12, %slice3A_12 in 1 : vector<1024x64xbf16>, vector<1024x64xbf16>, vector<1024x64xbf16>, vector<1024x64xbf16>, vector<1024x64xbf16>, vector<1024x64xbf16>, vector<1024x64xbf16>, vector<1024x64xbf16> -> vector<1024x512xbf16>
    %slice3A_14 = vector.extract_strided_slice %convert_element_type3A_5 {offsets = [0, 384], sizes = [1024, 128], strides = [1, 1]} : vector<1024x512xbf16> to vector<1024x128xbf16>
    %slice3A_15 = vector.extract_strided_slice %convert_element_type3A_5 {offsets = [0, 0], sizes = [1024, 384], strides = [1, 1]} : vector<1024x512xbf16> to vector<1024x384xbf16>
    %concatenate3A_16 = tpu.concatenate %slice3A_14, %slice3A_15 in 1 : vector<1024x128xbf16>, vector<1024x384xbf16> -> vector<1024x512xbf16>
    %mul3A_17 = arith.mulf %concatenate3A_13, %concatenate3A_16 : vector<1024x512xbf16>
    %add3A_18 = arith.addf %add3A, %mul3A_17 : vector<1024x512xbf16>
    %slice3A_19 = vector.extract_strided_slice %convert_element_type3A {offsets = [0, 192], sizes = [1024, 64], strides = [1, 1]} : vector<1024x512xbf16> to vector<1024x64xbf16>
    %concatenate3A_20 = tpu.concatenate %slice3A_19, %slice3A_19, %slice3A_19, %slice3A_19, %slice3A_19, %slice3A_19, %slice3A_19, %slice3A_19 in 1 : vector<1024x64xbf16>, vector<1024x64xbf16>, vector<1024x64xbf16>, vector<1024x64xbf16>, vector<1024x64xbf16>, vector<1024x64xbf16>, vector<1024x64xbf16>, vector<1024x64xbf16> -> vector<1024x512xbf16>
    %slice3A_21 = vector.extract_strided_slice %concatenate3A {offsets = [0, 384], sizes = [1024, 128], strides = [1, 1]} : vector<1024x512xbf16> to vector<1024x128xbf16>
    %slice3A_22 = vector.extract_strided_slice %concatenate3A {offsets = [0, 0], sizes = [1024, 384], strides = [1, 1]} : vector<1024x512xbf16> to vector<1024x384xbf16>
    %concatenate3A_23 = tpu.concatenate %slice3A_21, %slice3A_22 in 1 : vector<1024x128xbf16>, vector<1024x384xbf16> -> vector<1024x512xbf16>
    %mul3A_24 = arith.mulf %concatenate3A_20, %concatenate3A_23 : vector<1024x512xbf16>
    %add3A_25 = arith.addf %add3A_18, %mul3A_24 : vector<1024x512xbf16>
    %slice3A_26 = vector.extract_strided_slice %convert_element_type3A {offsets = [0, 256], sizes = [1024, 64], strides = [1, 1]} : vector<1024x512xbf16> to vector<1024x64xbf16>
    %concatenate3A_27 = tpu.concatenate %slice3A_26, %slice3A_26, %slice3A_26, %slice3A_26, %slice3A_26, %slice3A_26, %slice3A_26, %slice3A_26 in 1 : vector<1024x64xbf16>, vector<1024x64xbf16>, vector<1024x64xbf16>, vector<1024x64xbf16>, vector<1024x64xbf16>, vector<1024x64xbf16>, vector<1024x64xbf16>, vector<1024x64xbf16> -> vector<1024x512xbf16>
    %slice3A_28 = vector.extract_strided_slice %convert_element_type3A_5 {offsets = [0, 256], sizes = [1024, 256], strides = [1, 1]} : vector<1024x512xbf16> to vector<1024x256xbf16>
    %slice3A_29 = vector.extract_strided_slice %convert_element_type3A_5 {offsets = [0, 0], sizes = [1024, 256], strides = [1, 1]} : vector<1024x512xbf16> to vector<1024x256xbf16>
    %concatenate3A_30 = tpu.concatenate %slice3A_28, %slice3A_29 in 1 : vector<1024x256xbf16>, vector<1024x256xbf16> -> vector<1024x512xbf16>
    %mul3A_31 = arith.mulf %concatenate3A_27, %concatenate3A_30 : vector<1024x512xbf16>
    %add3A_32 = arith.addf %add3A_25, %mul3A_31 : vector<1024x512xbf16>
    %slice3A_33 = vector.extract_strided_slice %convert_element_type3A {offsets = [0, 320], sizes = [1024, 64], strides = [1, 1]} : vector<1024x512xbf16> to vector<1024x64xbf16>
    %concatenate3A_34 = tpu.concatenate %slice3A_33, %slice3A_33, %slice3A_33, %slice3A_33, %slice3A_33, %slice3A_33, %slice3A_33, %slice3A_33 in 1 : vector<1024x64xbf16>, vector<1024x64xbf16>, vector<1024x64xbf16>, vector<1024x64xbf16>, vector<1024x64xbf16>, vector<1024x64xbf16>, vector<1024x64xbf16>, vector<1024x64xbf16> -> vector<1024x512xbf16>
    %slice3A_35 = vector.extract_strided_slice %concatenate3A {offsets = [0, 256], sizes = [1024, 256], strides = [1, 1]} : vector<1024x512xbf16> to vector<1024x256xbf16>
    %slice3A_36 = vector.extract_strided_slice %concatenate3A {offsets = [0, 0], sizes = [1024, 256], strides = [1, 1]} : vector<1024x512xbf16> to vector<1024x256xbf16>
    %concatenate3A_37 = tpu.concatenate %slice3A_35, %slice3A_36 in 1 : vector<1024x256xbf16>, vector<1024x256xbf16> -> vector<1024x512xbf16>
    %mul3A_38 = arith.mulf %concatenate3A_34, %concatenate3A_37 : vector<1024x512xbf16>
    %add3A_39 = arith.addf %add3A_32, %mul3A_38 : vector<1024x512xbf16>
    %slice3A_40 = vector.extract_strided_slice %convert_element_type3A {offsets = [0, 384], sizes = [1024, 64], strides = [1, 1]} : vector<1024x512xbf16> to vector<1024x64xbf16>
    %concatenate3A_41 = tpu.concatenate %slice3A_40, %slice3A_40, %slice3A_40, %slice3A_40, %slice3A_40, %slice3A_40, %slice3A_40, %slice3A_40 in 1 : vector<1024x64xbf16>, vector<1024x64xbf16>, vector<1024x64xbf16>, vector<1024x64xbf16>, vector<1024x64xbf16>, vector<1024x64xbf16>, vector<1024x64xbf16>, vector<1024x64xbf16> -> vector<1024x512xbf16>
    %slice3A_42 = vector.extract_strided_slice %convert_element_type3A_5 {offsets = [0, 128], sizes = [1024, 384], strides = [1, 1]} : vector<1024x512xbf16> to vector<1024x384xbf16>
    %slice3A_43 = vector.extract_strided_slice %convert_element_type3A_5 {offsets = [0, 0], sizes = [1024, 128], strides = [1, 1]} : vector<1024x512xbf16> to vector<1024x128xbf16>
    %concatenate3A_44 = tpu.concatenate %slice3A_42, %slice3A_43 in 1 : vector<1024x384xbf16>, vector<1024x128xbf16> -> vector<1024x512xbf16>
    %mul3A_45 = arith.mulf %concatenate3A_41, %concatenate3A_44 : vector<1024x512xbf16>
    %add3A_46 = arith.addf %add3A_39, %mul3A_45 : vector<1024x512xbf16>
    %slice3A_47 = vector.extract_strided_slice %convert_element_type3A {offsets = [0, 448], sizes = [1024, 64], strides = [1, 1]} : vector<1024x512xbf16> to vector<1024x64xbf16>
    %concatenate3A_48 = tpu.concatenate %slice3A_47, %slice3A_47, %slice3A_47, %slice3A_47, %slice3A_47, %slice3A_47, %slice3A_47, %slice3A_47 in 1 : vector<1024x64xbf16>, vector<1024x64xbf16>, vector<1024x64xbf16>, vector<1024x64xbf16>, vector<1024x64xbf16>, vector<1024x64xbf16>, vector<1024x64xbf16>, vector<1024x64xbf16> -> vector<1024x512xbf16>
    %slice3A_49 = vector.extract_strided_slice %concatenate3A {offsets = [0, 128], sizes = [1024, 384], strides = [1, 1]} : vector<1024x512xbf16> to vector<1024x384xbf16>
    %slice3A_50 = vector.extract_strided_slice %concatenate3A {offsets = [0, 0], sizes = [1024, 128], strides = [1, 1]} : vector<1024x512xbf16> to vector<1024x128xbf16>
    %concatenate3A_51 = tpu.concatenate %slice3A_49, %slice3A_50 in 1 : vector<1024x384xbf16>, vector<1024x128xbf16> -> vector<1024x512xbf16>
    %mul3A_52 = arith.mulf %concatenate3A_48, %concatenate3A_51 : vector<1024x512xbf16>
    %add3A_53 = arith.addf %add3A_46, %mul3A_52 : vector<1024x512xbf16>
    %convert_element_type3A_54 = arith.extf %add3A_53 : vector<1024x512xbf16> to vector<1024x512xf32>
    %swap3A = arith.constant 0 : index
    %swap3A_55 = arith.constant 0 : index
    %swap3A_56 = vector.load %arg4[%swap3A, %swap3A_55] : memref<1024x512xf32, #tpu.memory_space<vmem>>, vector<1024x512xf32>
    tpu.vector_store %arg4[%swap3A, %swap3A_55], %convert_element_type3A_54 {strides = array<i32>} : memref<1024x512xf32, #tpu.memory_space<vmem>>, vector<1024x512xf32>,
    return
  }
  func.func @transform_0(%arg0: i32) -> (i32, i32) {
    %add3A = arith.constant 1 : i32
    %add3A_0 = arith.addi %arg0, %add3A : i32
    %c0_i32 = arith.constant 0 : i32
    %c0_i32_1 = arith.constant 0 : i32
    return %add3A_0, %c0_i32 : i32, i32
  }
  func.func @transform_1(%arg0: i32) -> (i32, i32) {
    %add3A = arith.constant 1 : i32
    %add3A_0 = arith.addi %arg0, %add3A : i32
    %c0_i32 = arith.constant 0 : i32
    %c0_i32_1 = arith.constant 0 : i32
    return %add3A_0, %c0_i32 : i32, i32
  }
  func.func @transform_3(%arg0: i32) -> (i32, i32) {
    %add3A = arith.constant 1 : i32
    %add3A_0 = arith.addi %arg0, %add3A : i32
    %c0_i32 = arith.constant 0 : i32
    %c0_i32_1 = arith.constant 0 : i32
    return %add3A_0, %c0_i32 : i32, i32
  }
}

</mosaic_0001>

<sc_bundles>
// kernel: kernel.4.cloned.1.call-start
scs
__scs_entry_jumppad:
0x0: {  	(pc) =	sbr.rel $0x88, $3  }
0x1: {  	(tag) =	ssettag $0x0;
	lr =	simm.s32 $0x1  }
0x2: {  	[smem:$0x3F9F] =	sst lr;
	_ =	strace $0xD0000000  }
0x3: {  	_ = 	snop  }
0x4: {  	_ = 	snop  }
0x5: {  	_ = 	snop  }
0x6: {  	_ = 	snop  }
0x7: {  	_ = 	snop  }
__scs_overlays_trampoline_lowered:
0x8: {  	[smem:$0x3FAE] =	sst s0  }
0x9: {  	[smem:$0x3FAF] =	sst s1  }
0xa: {  	[smem:$0x3FB0] =	sst s2  }
0xb: {  	[smem:$0x3FB1] =	sst s3  }
0xc: {  	[smem:$0x3FB2] =	sst s4  }
0xd: {  	[smem:$0x3FB3] =	sst s5  }
0xe: {  	[smem:$0x3FB4] =	sst s6  }
0xf: {  	[smem:$0x3FB5] =	sst s7  }
0x10: {  	[smem:$0x3FB6] =	sst s8  }
0x11: {  	[smem:$0x3FB7] =	sst s9;
	s0 =	simm.s32 @!p0 $0x0  }
0x12: {  	s1 =	sld [smem:$0x3F9D];
	s0 =	simm.s32 @p0 $0x1  }
0x13: {  	[smem:$0x3FB8] =	sst s0;
	s0 =	simm.s32 @!p1 $0x0  }
0x14: {  	s2 =	sld [smem:$0x3F9C];
	s0 =	simm.s32 @p1 $0x1  }
0x15: {  	[smem:$0x3FB9] =	sst s0;
	s0 =	simm.s32 @!p2 $0x0  }
0x16: {  	s3 =	sld [smem:$0x3FDB];
	s0 =	simm.s32 @p2 $0x1  }
0x17: {  	s4 =	simm.s32 $0x1BF5;
	[smem:$0x3FBB] =	sst s0  }
0x18: {  	s0 =	sld [smem:$0x3F9E];
	_ =	swait.ge [sflag:s4], $0x0  }
0x19: {  	s7 =	sld [smem:$0x3F9F]  }
0x1a: {  	s8 =	sadd.s32 $0xFFFFE003, lr  }
0x1b: {  	s9 =	sadd.s32 $0xFFFFFEF7, lr;
	s5 =	simm.s32 $0xFFFFFFFF;
	p2 =	slt.u32 s8, $0xFFFFF086  }
0x1c: {  	p1 =	slt.u32 s9, $0xF7A;
	s5 =	simm.s32 @!p2 $0x0  }
0x1d: {  	s5 =	simm.s32 @p1 $0x1;
	p0 =	seq.s32 s7, s2  }
0x1e: {  	s7 =	smul.u32 @!p0 $0xF7A, s2;
	p2 =	seq.s32 @!p0 s5, $0x0  }
0x1f: {  	s9 =	smul.u32 $0xF7A, s1;
	s8 =	simm.s32 @!p0 $0x1BF5;
	p2 =	por !p2, p0  }
0x20: {  	[sflag:s8] =	ssyncset.s32 @!p0 $0xFFFFF086;
	s6 =	sadd.s32 @!p0 s3, s7;
	s7 =	simm.s32 @!p0 $0x108  }
0x21: {  	s3 =	sadd.s32 s3, s9;
	s6 =	sadd.s32 @!p0 $0x88, s6;
	s7 =	simm.s32 @p2 $0x1082  }
0x22: {  	[simem:s7], [sflag:s8] =	dma.local @!p0 [hbm:s6], $0xF7A  }
0x23: {  	s9 =	sor.u32 $0xD0000000, s2;
	s6 =	simm.s32 $0x108;
	_ =	swait.ge @!p0 [sflag:s8], $0x0  }
0x24: {  	s3 =	sadd.s32 $0x88, s3;
	s6 =	simm.s32 @!p1 $0x1082;
	[sflag:s4] =	ssyncset.s32 $0xFFFFF086  }
0x25: {  	[simem:s6], [sflag:s4] =	dma.local [hbm:s3], $0xF7A  }
0x26: {  	[smem:$0x3F9F] =	sst s1;
	(tag) =	ssettag s2;
	_ =	strace s9  }
0x27: {  	s1 =	sld [smem:$0x3FAF]  }
0x28: {  	s2 =	sld [smem:$0x3FB0]  }
0x29: {  	s4 =	sld [smem:$0x3FB2]  }
0x2a: {  	p0 =	seq.s32 s5, $0x0;
	s5 =	sld [smem:$0x3FB3]  }
0x2b: {  	s6 =	sld [smem:$0x3FB4]  }
0x2c: {  	s7 =	sld [smem:$0x3FB5]  }
0x2d: {  	s3 =	simm.s32 $0x108;
	s8 =	sld [smem:$0x3FB6]  }
0x2e: {  	s3 =	simm.s32 @!p0 $0x1082;
	s9 =	sld [smem:$0x3FB7]  }
0x2f: {  	lr =	sadd.s32 s0, s3;
	s0 =	sld [smem:$0x3FAE]  }
0x30: {  	s3 =	sld [smem:$0x3FB1]  }
0x31: {  	[smem:$0x3FBA] =	sst s10  }
0x32: {  	s10 =	sld [smem:$0x3FB8];
	_ =	sdelay $0x3  }
0x33: {  	p0 =	seq.s32 s10, $0x1;
	s10 =	sld [smem:$0x3FBA];
	_ =	sdelay $0x3  }
0x34: {  	[smem:$0x3FBA] =	sst s10  }
0x35: {  	s10 =	sld [smem:$0x3FB9];
	_ =	sdelay $0x3  }
0x36: {  	p1 =	seq.s32 s10, $0x1;
	s10 =	sld [smem:$0x3FBA];
	_ =	sdelay $0x3  }
0x37: {  	[smem:$0x3FBA] =	sst s10  }
0x38: {  	s10 =	sld [smem:$0x3FBB]  }
0x39: {  	_ = 	snop;
	(pc) =	sbr.ind lr, $3  }
0x3a: {  	_ = 	snop  }
0x3b: {  	_ = 	snop  }
0x3c: {  	p2 =	seq.s32 s10, $0x1;
	s10 =	sld [smem:$0x3FBA]  }
0x3d: {  	_ =	shalt  }
0x3e: {  	_ =	shalt  }
0x3f: {  	_ =	shalt  }
0x40: {  	_ =	shalt  }
0x41: {  	_ =	shalt  }
0x42: {  	_ =	shalt  }
0x43: {  	_ =	shalt  }
0x44: {  	_ =	shalt  }
0x45: {  	_ =	shalt  }
0x46: {  	_ =	shalt  }
0x47: {  	_ =	shalt  }
0x48: {  	_ =	shalt  }
0x49: {  	_ =	shalt  }
0x4a: {  	_ =	shalt  }
0x4b: {  	_ =	shalt  }
0x4c: {  	_ =	shalt  }
0x4d: {  	_ =	shalt  }
0x4e: {  	_ =	shalt  }
0x4f: {  	_ =	shalt  }
0x50: {  	_ =	shalt  }
0x51: {  	_ =	shalt  }
0x52: {  	_ =	shalt  }
0x53: {  	_ =	shalt  }
0x54: {  	_ =	shalt  }
0x55: {  	_ =	shalt  }
0x56: {  	_ =	shalt  }
0x57: {  	_ =	shalt  }
0x58: {  	_ =	shalt  }
0x59: {  	_ =	shalt  }
0x5a: {  	_ =	shalt  }
0x5b: {  	_ =	shalt  }
0x5c: {  	_ =	shalt  }
0x5d: {  	_ =	shalt  }
0x5e: {  	_ =	shalt  }
0x5f: {  	_ =	shalt  }
0x60: {  	_ =	shalt  }
0x61: {  	_ =	shalt  }
0x62: {  	_ =	shalt  }
0x63: {  	_ =	shalt  }
0x64: {  	_ =	shalt  }
0x65: {  	_ =	shalt  }
0x66: {  	_ =	shalt  }
0x67: {  	_ =	shalt  }
0x68: {  	_ =	shalt  }
0x69: {  	_ =	shalt  }
0x6a: {  	_ =	shalt  }
0x6b: {  	_ =	shalt  }
0x6c: {  	_ =	shalt  }
0x6d: {  	_ =	shalt  }
0x6e: {  	_ =	shalt  }
0x6f: {  	_ =	shalt  }
0x70: {  	_ =	shalt  }
0x71: {  	_ =	shalt  }
0x72: {  	_ =	shalt  }
0x73: {  	_ =	shalt  }
0x74: {  	_ =	shalt  }
0x75: {  	_ =	shalt  }
0x76: {  	_ =	shalt  }
0x77: {  	_ =	shalt  }
0x78: {  	_ =	shalt  }
0x79: {  	_ =	shalt  }
0x7a: {  	_ =	shalt  }
0x7b: {  	_ =	shalt  }
0x7c: {  	_ =	shalt  }
0x7d: {  	_ =	shalt  }
0x7e: {  	_ =	shalt  }
0x7f: {  	_ =	shalt  }
0x80: {  	_ =	shalt  }
0x81: {  	_ =	shalt  }
0x82: {  	_ =	shalt  }
0x83: {  	_ =	shalt  }
0x84: {  	_ =	shalt  }
0x85: {  	_ =	shalt  }
0x86: {  	_ =	shalt  }
0x87: {  	_ =	shalt  }
.Lfunc_end0:
.L_simem_size_0:
called_computation_lowered:
.L_overlay_start_0:
0x88: {  	s2 =	sld [smem:$0x3FD9]  }
0x89: {  	s3 =	sld [smem:$0x3FFE];
	_ =	sdelay $0x1  }
0x8a: {  	s1 =	srdreg.scid  }
0x8b: {  	s0 =	sand.u32 $0x1, s1  }
0x8c: {  	s18 =	sshll.u32 s0, $0xA;
	s2 =	sadd.s32 s3, s2  }
0x8d: {  	s2 =	sadd.s32 s2, s18  }
0x8e: {  	[smem:$0x3FC6] =	sst s2  }
0x8f: {  	_ = 	snop  }
0x90: {  	s2 =	sld [smem:$0x3FC9]  }
0x91: {  	s19 =	sld [smem:$0x3FC8]  }
0x92: {  	s4 =	sld [smem:$0x3FD0];
	(tm) =	ssettm $0x1  }
0x93: {  	s5 =	sld [smem:$0x3FFB];
	_ =	sdelay $0x3  }
0x94: {  	_ =	strace s5  }
0x95: {  	s5 =	sld [smem:$0x3FFC];
	_ =	sdelay $0x3  }
0x96: {  	_ =	strace s5  }
0x97: {  	s5 =	sld [smem:$0x3FFD];
	_ =	sdelay $0x3  }
0x98: {  	_ =	strace s5  }
0x99: {  	_ =	strace $0x8FFFFFFF  }
0x9a: {  	s20 =	sld [smem:$0x3FDB];
	_ =	sdelay $0x1  }
0x9b: {  	s6 =	simm.s32 $_scs_section_size  }
0x9c: {  	s7 =	simm.s32 $_size__tile_overlayer_lowered;
	s8 =	simm.s32 $_tile_overlayer_lowered  }
0x9d: {  	s23 =	simm.s32 $0x1BFF;
	s22 =	sshll.u32 s8, $0x1;
	s5 =	sadd.s32 s6, s20  }
0x9e: {  	s9 =	simm.s32 $0x0;
	s21 =	sshll.u32 s7, $0x1;
	s7 =	sadd.s32 s22, s5  }
0x9f: {  	[timem:s9], [sflag:s23] =	dma.local [hbm:s7], s21  }
0xa0: {  	_ =	swait.ge [sflag:s23], s21  }
0xa1: {  	s6 =	ssub.s32 $0x0, s21;
	[sflag:s23] =	ssyncset.done $0x0  }
0xa2: {  	[sflag:s23] =	ssyncadd.s32 s6;
	_ =	sdelay $0x1  }
0xa3: {  	s24 =	simm.s32 $0x1B8B  }
0xa4: {  	_ =	swait.ge [sflag:s24], $0x1  }
0xa5: {  	[sflag:s24] =	ssyncset.done $0x0  }
0xa6: {  	s25 =	simm.s32 $0x1B8E;
	[sflag:s24] =	ssyncadd.s32 $0xFFFFFFFF  }
0xa7: {  	s26 =	simm.s32 $execute0_lowered;
	[smem:$0x3FD2] =	sst s25  }
0xa8: {  	s6 =	sshll.u32 s26, $0x1;
	_ =	strace $0x80000046;
	[dreg:$0x1] =	wrdreg $0xFFFFFFFF  }
0xa9: {  	s28 =	simm.s32 $_size_execute0_lowered;
	s5 =	sadd.s32 s5, s6;
	[dreg:$0x0] =	wrdreg $0x0  }
0xaa: {  	s6 =	sshll.u32 s28, $0x1;
	[dreg:$0x2] =	wrdreg s5  }
0xab: {  	[dreg:$0x3] =	wrdreg s6  }
0xac: {  	[dreg:$0x4] =	wrdreg $0xC0  }
0xad: {  	_ =	task [dreg:s9], $0x5FFFF  }
0xae: {  	[dreg:$0x1] =	wrdreg $0xFFFFFFFF  }
0xaf: {  	[dreg:$0x0] =	wrdreg $0x60  }
0xb0: {  	[dreg:$0x2] =	wrdreg s2  }
0xb1: {  	[dreg:$0x3] =	wrdreg s19  }
0xb2: {  	[dreg:$0x4] =	wrdreg s4  }
0xb3: {  	[dreg:$0x5] =	wrdreg $0x9  }
0xb4: {  	_ =	task.clear_ibuf [dreg:s9], $0x6FFFF;
	_ =	strace $0x90000046  }
0xb5: {  	s29 =	simm.s32 $0x9;
	_ =	strace $0x80000051  }
0xb6: {  	_ =	swait.ge [sflag:s29], $0x1  }
0xb7: {  	[sflag:s29] =	ssyncadd.s32 $0xFFFFFFFF  }
0xb8: {  	_ =	strace $0x90000051  }
0xb9: {  	_ =	sfence  }
0xba: {  	s30 =	sld [smem:$0x0];
	_ =	sdelay $0x2  }
0xbb: {  	s31 =	sshll.u32 s1, $0xD;
	s1 =	sshrl.u32 s1, $0x2  }
0xbc: {  	s3 =	sand.u32 $0x4000, s31;
	s1 =	sadd.s32 s1, s30  }
0xbd: {  	s0 =	sor.u32 s3, s0;
	s1 =	sshll.u32 s1, $0x11  }
0xbe: {  	s0 =	sor.u32 s1, s0  }
0xbf: {  	s0 =	sadd.s32 $0x8F2B, s0  }
0xc0: {  	[sflag:s0] =	ssyncadd.remote.s32 $0x1  }
0xc1: {  	_ =	sfence.sel $0xFFFF  }
0xc2: {  	[dreg:$0x0] =	wrdreg $0xFFFFFFFF;
	(pc) =	sbr.abs _section_cstart, $3  }
0xc3: {  	[dreg:$0x1] =	wrdreg $0xFFFFFFFF  }
0xc4: {  	_ =	task.clear_ibuf [dreg:s9], $0x2FFFF;
	_ =	strace $0x9FFFFFFF  }
0xc5: {  	(tm) =	ssettm $0x7FFFFFFF  }
tec
execute0_lowered:
.L_overlay_start_1:
0x0: {  	(tag) =	ssettag $0x1  }
0x1: {  	s1 =	rddreg [dreg:$0x0]  }
0x2: {  	s2 =	rddreg [dreg:$0x1];
	s0 =	srdreg.scid  }
0x3: {  	s3 =	rddreg [dreg:$0x2];
	s4 =	simm.s32 $0x0;
	s0 =	sand.u32 $0x1, s0  }
0x4: {  	s6 =	stileid.u32;
	s30 =	ssub.s32 $0x2, s0;
	s0 =	sshll.u32 s0, $0x4  }
.Ltmp0:
0x5: {  	s11 =	simm.s32 $0x6;
	s0 =	sor.u32 s6, s0;
	(pc) =	sbr.rel .LBB2_1-.Ltmp0, $4  }
0x6: {  	[smem:$0x7FF] =	sst s4;
	s6 =	sshll.u32 s0, $0x1;
	s0 =	sshll.u32 s0, $0xB  }
0x7: {  	_ =	strace $0x80000047;
	s5 =	sshrl.u32 s30, $0x1;
	s31 =	sadd.s32 s1, s0  }
0x8: {  	s4 =	ssub.s32 s30, s5;
	s0 =	sadd.s32 s2, s0;
	[dreg:$0x4] =	wrdreg s31  }
0x9: {  	s12 =	simm.s32 $0x0;
	s9 =	smax.u32 s4, $0x1;
	[dreg:$0x5] =	wrdreg s0  }
.LBB2_6:
0xa: {  	s0 =	sand.u32 $0x1, s14  }
0xb: {  	_ =	strace $0x8000004F;
	s0 =	sadd.s32 $0x5, s0  }
0xc: {  	_ =	swait.ge [sflag:s0], $0x2000  }
0xd: {  	[sflag:s0] =	ssyncset.done $0x0  }
0xe: {  	s12 =	sadd.s32 $0x1, s12;
	[sflag:s0] =	ssyncadd.s32 $0xFFFFE000  }
0xf: {  	p0 =	sne.s32 s12, s9;
	_ =	strace $0x9000004F  }
.Ltmp1:
0x10: {  	_ =	strace $0x80000050;
	(pc) =	sbr.rel @!p0 .LBB2_7-.Ltmp1, $4  }
0x11: {  	_ =	swait.ge [sflag:s11], $0x2000  }
0x12: {  	[sflag:s11] =	ssyncset.done $0x0  }
0x13: {  	[sflag:s11] =	ssyncadd.s32 $0xFFFFE000  }
0x14: {  	_ =	strace $0x90000050  }
.LBB2_1:
0x15: {  	_ =	strace $0x80000048  }
0x16: {  	s0 =	simm.s32 $0x0;
	s5 =	simm.s32 $0x4000;
	p0 =	por $0x1, $0x1  }
0x17: {  	p1 =	por $0x0, $0x0;
	s13 =	simm.s32 $0x1;
	s21 =	simm.s32 $0x0  }
0x18: {  	s14 =	simm.s32 $0x0;
	s19 =	simm.s32 $0x0;
	s4 =	rddreg [dreg:$0x4]  }
0x19: {  	[tilespmem:s0], [sflag:$0x1] =	stream.linear.gather [hbm4b:s4+s0], $0x2000, $0x200038;
	[tilespmem:$0xC000] =	vst v63  }
0x1a: {  	s15 =	simm.s32 $0x0;
	s16 =	simm.s32 $0x1;
	s31 =	rddreg [dreg:$0x5]  }
0x1b: {  	[tilespmem:s5], [sflag:$0x3] =	stream.linear.gather [hbm4b:s31+s0], $0x2000, $0x200038;
	[tilespmem:$0xC000] =	vst v63  }
0x1c: {  	s17 =	simm.s32 $0x0;
	s18 =	simm.s32 $0x0;
	_ =	strace $0x90000048  }
.LBB2_2:
0x1d: {  	s20 =	sadd.s32 $0x1, s21  }
0x1e: {  	p2 =	seq.s32 s20, $0x2  }
0x1f: {  	s20 =	simm.s32 @p2 $0x0  }
0x20: {  	p2 =	seq.s32 @p0 s21, s20  }
0x21: {  	p3 =	por p2, !p0  }
0x22: {  	s0 =	sadd.s32 @!p3 s6, s20  }
0x23: {  	_ =	strace @!p3 $0x80000049;
	s0 =	sshll.u32 @!p3 s0, $0xA  }
0x24: {  	s4 =	sand.u32 @!p3 $0x1, s13;
	s8 =	simm.s32 @!p3 $0x0;
	s0 =	sand.u32 @!p3 $0x1FFFFC00, s0  }
0x25: {  	s5 =	sshll.u32 @!p3 s4, $0xD;
	s4 =	sadd.s32 @!p3 $0x1, s4;
	s7 =	sadd.s32 @!p3 s1, s0  }
0x26: {  	[tilespmem:s5], [sflag:s4] =	stream.linear.gather @!p3 [hbm4b:s7+s8], $0x2000, $0x200038;
	[tilespmem:$0xC000] =	vst v63  }
0x27: {  	s4 =	sand.u32 @!p3 $0x1, s16  }
0x28: {  	s0 =	sadd.s32 @!p3 s2, s0;
	_ =	strace @!p3 $0x90000049;
	s5 =	sshll.u32 @!p3 s4, $0xD  }
0x29: {  	s4 =	sadd.s32 @!p3 $0x3, s4;
	_ =	strace @!p3 $0x8000004A;
	s5 =	sor.u32 @!p3 $0x4000, s5  }
0x2a: {  	[tilespmem:s5], [sflag:s4] =	stream.linear.gather @!p3 [hbm4b:s0+s8], $0x2000, $0x200038;
	[tilespmem:$0xC000] =	vst v63  }
0x2b: {  	s25 =	sand.u32 $0x1, s17;
	_ =	strace @!p3 $0x9000004A  }
0x2c: {  	s0 =	sadd.s32 $0x1, s25;
	_ =	strace $0x8000004B  }
0x2d: {  	_ =	swait.ge [sflag:s0], $0x2000  }
0x2e: {  	s23 =	sadd.s32 s6, s21;
	s26 =	sand.u32 $0x1, s15;
	[sflag:s0] =	ssyncset.done $0x0  }
0x2f: {  	s22 =	simm.s32 $0x0;
	s24 =	sand.u32 $0x1, s19;
	[sflag:s0] =	ssyncadd.s32 $0xFFFFE000  }
0x30: {  	s29 =	sshll.u32 s15, $0xD;
	s30 =	sshll.u32 s17, $0xD;
	_ =	strace $0x9000004B  }
0x31: {  	p2 =	por !p2, !p0;
	s0 =	sadd.s32 $0x3, s26;
	_ =	strace $0x8000004C  }
0x32: {  	s4 =	sadd.s32 @!p3 $0x1, s13;
	s5 =	smov.u32 s13;
	_ =	swait.ge [sflag:s0], $0x2000  }
0x33: {  	s28 =	simm.s32 $0x0;
	s5 =	smov.u32 @p2 s4;
	[sflag:s0] =	ssyncset.done $0x0  }
0x34: {  	s4 =	sand.u32 $0x2000, s30;
	[sflag:s0] =	ssyncadd.s32 $0xFFFFE000;
	s0 =	sand.u32 $0x2000, s29  }
0x35: {  	s31 =	sshll.u32 s24, $0xD;
	s22 =	simm.s32 @p2 $0x1;
	v0 =	vmov s4;
	s0 =	sor.u32 $0x4000, s0  }
0x36: {  	s22 =	simm.s32 @!p0 $0x0;
	s25 =	sor.u32 $0x8000, s31;
	_ =	strace $0x9000004C;
	v1 =	vmov s0  }
0x37: {  	v2 =	vmov s25;
	s13 =	smov.u32 @p0 s5;
	s26 =	simm.s32 $0x0;
	_ =	strace $0x8000004D  }
.LBB2_3:
0x38: {  	s0 =	sand.u32 $0x1000, s28;
	s4 =	sand.u32 $0x380, s26  }
0x39: {  	s29 =	sor.u32 s4, s0  }
0x3a: {  	v5 =	vld.idx.msk [tilespmem:v0+s29+$0x0 ss:$0x1], $0xffff  }
0x3b: {  	s7 =	sor.u32 $0x40, s29;
	v3 =	vld.idx.msk [tilespmem:v1+s29+$0x0 ss:$0x1], $0xffff  }
0x3c: {  	s10 =	sor.u32 $0x400, s29;
	v6 =	vld.idx.msk [tilespmem:v0+s7+$0x0 ss:$0x1], $0xffff  }
0x3d: {  	s30 =	sor.u32 $0xC40, s29;
	v7 =	vld.idx.msk [tilespmem:v0+s10+$0x0 ss:$0x1], $0xffff  }
0x3e: {  	s5 =	sor.u32 $0x440, s29;
	v4 =	vld.idx.msk [tilespmem:v1+s30+$0x0 ss:$0x1], $0xffff  }
0x3f: {  	s31 =	sor.u32 $0xC00, s29;
	v8 =	vld.idx.msk [tilespmem:v0+s5+$0x0 ss:$0x1], $0xffff  }
0x40: {  	s0 =	sor.u32 $0x800, s29;
	v9 =	vld.idx.msk [tilespmem:v1+s31+$0x0 ss:$0x1], $0xffff  }
0x41: {  	s4 =	sor.u32 $0x840, s29;
	v10 =	vld.idx.msk [tilespmem:v0+s0+$0x0 ss:$0x1], $0xffff  }
0x42: {  	v11 =	vld.idx.msk [tilespmem:v1+s4+$0x0 ss:$0x1], $0xffff  }
0x43: {  	v12 =	vld.idx.msk [tilespmem:v1+s7+$0x0 ss:$0x1], $0xffff  }
0x44: {  	v15 =	vld.idx.msk [tilespmem:v1+s0+$0x0 ss:$0x1], $0xffff  }
0x45: {  	v16 =	vld.idx.msk [tilespmem:v0+s4+$0x0 ss:$0x1], $0xffff  }
0x46: {  	v17 =	vld.idx.msk [tilespmem:v1+s5+$0x0 ss:$0x1], $0xffff  }
0x47: {  	v18 =	vld.idx.msk [tilespmem:v0+s31+$0x0 ss:$0x1], $0xffff  }
0x48: {  	v19 =	vld.idx.msk [tilespmem:v1+s10+$0x0 ss:$0x1], $0xffff;
	v13 =	vmul.f32 v3, v5;
	v14 =	vmul.f32 v4, v6  }
0x49: {  	v30 =	vmul.f32 v9, v7;
	v31 =	vmul.f32 v11, v8  }
0x4a: {  	v22 =	vld.idx.msk [tilespmem:v0+s30+$0x0 ss:$0x1], $0xffff;
	v20 =	vmul.f32 v12, v5;
	v21 =	vmul.f32 v3, v6  }
0x4b: {  	v32 =	vmul.f32 v15, v10;
	v33 =	vmul.f32 v4, v7  }
0x4c: {  	v34 =	vmul.f32 v17, v16;
	v35 =	vmul.f32 v9, v8  }
0x4d: {  	v36 =	vmul.f32 v19, v18;
	v37 =	vmul.f32 v11, v10  }
0x4e: {  	v38 =	vmul.f32 v19, v5;
	v23 =	vmul.f32 v12, v6  }
0x4f: {  	v24 =	vmul.f32 v12, v22;
	v39 =	vmul.f32 v15, v16  }
0x50: {  	v25 =	vmul.f32 v17, v18;
	v40 =	vmul.f32 v3, v7  }
0x51: {  	v41 =	vmul.f32 v17, v5;
	v26 =	vmul.f32 v19, v6  }
0x52: {  	v42 =	vmul.f32 v4, v8;
	v43 =	vmul.f32 v12, v7  }
0x53: {  	v44 =	vmul.f32 v19, v22;
	v45 =	vmul.f32 v9, v10  }
0x54: {  	v47 =	vmul.f32 v3, v8;
	v48 =	vmul.f32 v11, v16  }
0x55: {  	v49 =	vmul.f32 v15, v18;
	v50 =	vmul.f32 v4, v10;
	v13 =	vadd.f32 v14, v13  }
0x56: {  	v51 =	vmul.f32 v15, v5;
	v52 =	vmul.f32 v17, v6  }
0x57: {  	v53 =	vmul.f32 v9, v16;
	v55 =	vmul.f32 v19, v7;
	v13 =	vadd.f32 v13, v30  }
0x58: {  	v56 =	vmul.f32 v17, v22;
	v57 =	vmul.f32 v11, v18  }
0x59: {  	v58 =	vmul.f32 v15, v22;
	v59 =	vmul.f32 v12, v8;
	v13 =	vadd.f32 v13, v31  }
0x5a: {  	v60 =	vmul.f32 v11, v5;
	v61 =	vmul.f32 v15, v6  }
0x5b: {  	v62 =	vmul.f32 v3, v10;
	v20 =	vadd.f32 v20, v21;
	v13 =	vadd.f32 v13, v32  }
0x5c: {  	v63 =	vmul.f32 v17, v7;
	v14 =	vadd.f32 v38, v23;
	v21 =	vadd.f32 v41, v26  }
0x5d: {  	v27 =	vmul.f32 v4, v16;
	v20 =	vadd.f32 v33, v20;
	v13 =	vadd.f32 v13, v34  }
0x5e: {  	v29 =	vmul.f32 v19, v8;
	v54 =	vadd.f32 v51, v52;
	v14 =	vadd.f32 v14, v40  }
0x5f: {  	v38 =	vmul.f32 v17, v8;
	v20 =	vadd.f32 v20, v35;
	v13 =	vadd.f32 v13, v36  }
0x60: {  	v46 =	vadd.f32 v21, v43;
	v30 =	vmul.f32 v9, v5;
	v5 =	vmul.f32 v4, v5  }
0x61: {  	v33 =	vmul.f32 v15, v7;
	v20 =	vadd.f32 v20, v37;
	v13 =	vadd.f32 v13, v24  }
0x62: {  	v21 =	vadd.f32 v54, v55;
	v40 =	vmul.f32 v15, v8;
	v43 =	vmul.f32 v17, v10  }
0x63: {  	v20 =	vadd.f32 v20, v39;
	[tilespmem:v2+s29+$0x0 ss:$0x1] =	vst.idx.msk $0xffff, v13;
	v13 =	vadd.f32 v46, v47  }
0x64: {  	v14 =	vadd.f32 v42, v14;
	v21 =	vadd.f32 v21, v59;
	v31 =	vmul.f32 v11, v6  }
0x65: {  	v6 =	vmul.f32 v9, v6;
	v20 =	vadd.f32 v20, v25;
	v13 =	vadd.f32 v50, v13  }
0x66: {  	v35 =	vmul.f32 v11, v7;
	v14 =	vadd.f32 v14, v45;
	v26 =	vadd.f32 v21, v62  }
0x67: {  	v42 =	vmul.f32 v19, v10;
	v20 =	vadd.f32 v20, v44;
	v13 =	vadd.f32 v13, v53  }
0x68: {  	v11 =	vmul.f32 v11, v22;
	v21 =	vadd.f32 v30, v31;
	v5 =	vadd.f32 v5, v6  }
0x69: {  	[tilespmem:v2+s7+$0x0 ss:$0x1] =	vst.idx.msk $0xffff, v20;
	v20 =	vadd.f32 v60, v61;
	v13 =	vadd.f32 v13, v57  }
0x6a: {  	v32 =	vmul.f32 v12, v10;
	v14 =	vadd.f32 v14, v48;
	v5 =	vadd.f32 v5, v35  }
0x6b: {  	v45 =	vmul.f32 v12, v16;
	v28 =	vadd.f32 v20, v63;
	v13 =	vadd.f32 v13, v58  }
0x6c: {  	v34 =	vmul.f32 v9, v18;
	v14 =	vadd.f32 v14, v49;
	v5 =	vadd.f32 v5, v40  }
0x6d: {  	v37 =	vadd.f32 v21, v33;
	[tilespmem:v2+s5+$0x0 ss:$0x1] =	vst.idx.msk $0xffff, v13;
	v13 =	vadd.f32 v28, v29  }
0x6e: {  	v39 =	vmul.f32 v3, v16;
	v14 =	vadd.f32 v14, v56;
	v5 =	vadd.f32 v5, v43  }
0x6f: {  	v46 =	vmul.f32 v19, v16;
	v36 =	vadd.f32 v13, v32;
	v13 =	vadd.f32 v37, v38  }
0x70: {  	v48 =	vmul.f32 v3, v18;
	[tilespmem:v2+s10+$0x0 ss:$0x1] =	vst.idx.msk $0xffff, v14;
	v14 =	vadd.f32 v26, v27  }
0x71: {  	v49 =	vmul.f32 v12, v18;
	v5 =	vadd.f32 v5, v46;
	v13 =	vadd.f32 v13, v42  }
0x72: {  	v44 =	vmul.f32 v4, v18;
	v41 =	vadd.f32 v14, v34;
	v7 =	vadd.f32 v36, v39  }
0x73: {  	v3 =	vmul.f32 v3, v22;
	v5 =	vadd.f32 v5, v49;
	v47 =	vadd.f32 v13, v45  }
0x74: {  	v9 =	vmul.f32 v9, v22;
	v8 =	vadd.f32 v41, v11;
	v7 =	vadd.f32 v7, v44  }
0x75: {  	v4 =	vmul.f32 v4, v22;
	v3 =	vadd.f32 v5, v3;
	v10 =	vadd.f32 v47, v48  }
0x76: {  	[tilespmem:v2+s0+$0x0 ss:$0x1] =	vst.idx.msk $0xffff, v8;
	v7 =	vadd.f32 v7, v9  }
0x77: {  	[tilespmem:v2+s30+$0x0 ss:$0x1] =	vst.idx.msk $0xffff, v3;
	v4 =	vadd.f32 v10, v4  }
0x78: {  	[tilespmem:v2+s4+$0x0 ss:$0x1] =	vst.idx.msk $0xffff, v7  }
0x79: {  	s8 =	sor.u32 $0x10, s29;
	[tilespmem:v2+s31+$0x0 ss:$0x1] =	vst.idx.msk $0xffff, v4  }
0x7a: {  	s7 =	sor.u32 $0x50, s29;
	v5 =	vld.idx.msk [tilespmem:v0+s8+$0x0 ss:$0x1], $0xffff  }
0x7b: {  	s10 =	sor.u32 $0x410, s29;
	v6 =	vld.idx.msk [tilespmem:v0+s7+$0x0 ss:$0x1], $0xffff  }
0x7c: {  	v7 =	vld.idx.msk [tilespmem:v0+s10+$0x0 ss:$0x1], $0xffff  }
0x7d: {  	s30 =	sor.u32 $0xC50, s29;
	v3 =	vld.idx.msk [tilespmem:v1+s8+$0x0 ss:$0x1], $0xffff  }
0x7e: {  	s5 =	sor.u32 $0x450, s29;
	v4 =	vld.idx.msk [tilespmem:v1+s30+$0x0 ss:$0x1], $0xffff  }
0x7f: {  	s31 =	sor.u32 $0xC10, s29;
	v8 =	vld.idx.msk [tilespmem:v0+s5+$0x0 ss:$0x1], $0xffff  }
0x80: {  	s0 =	sor.u32 $0x810, s29;
	v9 =	vld.idx.msk [tilespmem:v1+s31+$0x0 ss:$0x1], $0xffff  }
0x81: {  	s4 =	sor.u32 $0x850, s29;
	v10 =	vld.idx.msk [tilespmem:v0+s0+$0x0 ss:$0x1], $0xffff  }
0x82: {  	v11 =	vld.idx.msk [tilespmem:v1+s4+$0x0 ss:$0x1], $0xffff  }
0x83: {  	v12 =	vld.idx.msk [tilespmem:v1+s7+$0x0 ss:$0x1], $0xffff  }
0x84: {  	v15 =	vld.idx.msk [tilespmem:v1+s0+$0x0 ss:$0x1], $0xffff  }
0x85: {  	v16 =	vld.idx.msk [tilespmem:v0+s4+$0x0 ss:$0x1], $0xffff  }
0x86: {  	v17 =	vld.idx.msk [tilespmem:v1+s5+$0x0 ss:$0x1], $0xffff  }
0x87: {  	v18 =	vld.idx.msk [tilespmem:v0+s31+$0x0 ss:$0x1], $0xffff  }
0x88: {  	v19 =	vld.idx.msk [tilespmem:v1+s10+$0x0 ss:$0x1], $0xffff;
	v50 =	vmul.f32 v3, v5  }
0x89: {  	v51 =	vmul.f32 v4, v6;
	v52 =	vmul.f32 v9, v7  }
0x8a: {  	v22 =	vld.idx.msk [tilespmem:v0+s30+$0x0 ss:$0x1], $0xffff;
	v53 =	vmul.f32 v11, v8;
	v54 =	vmul.f32 v12, v5  }
0x8b: {  	v55 =	vmul.f32 v3, v6;
	v56 =	vmul.f32 v15, v10  }
0x8c: {  	v57 =	vmul.f32 v4, v7;
	v58 =	vmul.f32 v17, v16  }
0x8d: {  	v59 =	vmul.f32 v9, v8;
	v60 =	vmul.f32 v19, v18  }
0x8e: {  	v61 =	vmul.f32 v11, v10;
	v62 =	vmul.f32 v19, v5  }
0x8f: {  	v63 =	vmul.f32 v12, v6;
	v28 =	vmul.f32 v12, v22  }
0x90: {  	v29 =	vmul.f32 v15, v16;
	v30 =	vmul.f32 v17, v18  }
0x91: {  	v31 =	vmul.f32 v3, v7;
	v32 =	vmul.f32 v17, v5  }
0x92: {  	v33 =	vmul.f32 v19, v6;
	v34 =	vmul.f32 v4, v8  }
0x93: {  	v35 =	vmul.f32 v12, v7;
	v36 =	vmul.f32 v19, v22  }
0x94: {  	v37 =	vmul.f32 v9, v10;
	v39 =	vmul.f32 v3, v8  }
0x95: {  	v40 =	vmul.f32 v11, v16;
	v41 =	vmul.f32 v15, v18;
	v13 =	vadd.f32 v51, v50  }
0x96: {  	v42 =	vmul.f32 v4, v10;
	v43 =	vmul.f32 v15, v5  }
0x97: {  	v44 =	vmul.f32 v17, v6;
	v45 =	vmul.f32 v9, v16;
	v13 =	vadd.f32 v13, v52  }
0x98: {  	v47 =	vmul.f32 v19, v7;
	v48 =	vmul.f32 v17, v22  }
0x99: {  	v49 =	vmul.f32 v11, v18;
	v20 =	vadd.f32 v54, v55;
	v13 =	vadd.f32 v13, v53  }
0x9a: {  	v14 =	vadd.f32 v62, v63;
	v21 =	vadd.f32 v32, v33;
	v50 =	vmul.f32 v15, v22  }
0x9b: {  	v51 =	vmul.f32 v12, v8;
	v54 =	vmul.f32 v3, v10;
	v13 =	vadd.f32 v13, v56  }
0x9c: {  	v46 =	vadd.f32 v43, v44;
	v55 =	vmul.f32 v17, v7;
	v62 =	vmul.f32 v12, v10  }
0x9d: {  	v63 =	vmul.f32 v15, v7;
	v20 =	vadd.f32 v57, v20;
	v13 =	vadd.f32 v13, v58  }
0x9e: {  	v32 =	vmul.f32 v17, v8;
	v33 =	vmul.f32 v3, v16;
	v14 =	vadd.f32 v14, v31  }
0x9f: {  	v43 =	vmul.f32 v12, v18;
	v20 =	vadd.f32 v20, v59;
	v13 =	vadd.f32 v13, v60  }
0xa0: {  	v38 =	vadd.f32 v21, v35;
	v21 =	vadd.f32 v46, v47;
	v52 =	vmul.f32 v11, v5  }
0xa1: {  	v57 =	vmul.f32 v4, v16;
	v20 =	vadd.f32 v20, v61;
	v13 =	vadd.f32 v13, v28  }
0xa2: {  	v14 =	vadd.f32 v34, v14;
	v53 =	vmul.f32 v15, v6;
	v21 =	vadd.f32 v21, v51  }
0xa3: {  	v20 =	vadd.f32 v20, v29;
	[tilespmem:v2+s8+$0x0 ss:$0x1] =	vst.idx.msk $0xffff, v13;
	v13 =	vadd.f32 v38, v39  }
0xa4: {  	v59 =	vmul.f32 v19, v8;
	v14 =	vadd.f32 v14, v37;
	v61 =	vmul.f32 v11, v6  }
0xa5: {  	v6 =	vmul.f32 v9, v6;
	v20 =	vadd.f32 v20, v30;
	v13 =	vadd.f32 v42, v13  }
0xa6: {  	v56 =	vadd.f32 v21, v54;
	v60 =	vmul.f32 v9, v5;
	v5 =	vmul.f32 v4, v5  }
0xa7: {  	v34 =	vmul.f32 v15, v8;
	v20 =	vadd.f32 v20, v36;
	v13 =	vadd.f32 v13, v45  }
0xa8: {  	v14 =	vadd.f32 v14, v40;
	v29 =	vmul.f32 v11, v7;
	v5 =	vadd.f32 v5, v6  }
0xa9: {  	[tilespmem:v2+s7+$0x0 ss:$0x1] =	vst.idx.msk $0xffff, v20;
	v20 =	vadd.f32 v52, v53;
	v13 =	vadd.f32 v13, v49  }
0xaa: {  	v37 =	vmul.f32 v17, v10;
	v21 =	vadd.f32 v60, v61;
	v5 =	vadd.f32 v5, v29  }
0xab: {  	v11 =	vmul.f32 v11, v22;
	v58 =	vadd.f32 v20, v55;
	v13 =	vadd.f32 v13, v50  }
0xac: {  	v40 =	vmul.f32 v19, v16;
	v14 =	vadd.f32 v14, v41;
	v5 =	vadd.f32 v5, v34  }
0xad: {  	v31 =	vadd.f32 v21, v63;
	[tilespmem:v2+s5+$0x0 ss:$0x1] =	vst.idx.msk $0xffff, v13;
	v13 =	vadd.f32 v58, v59  }
0xae: {  	v14 =	vadd.f32 v14, v48;
	v28 =	vmul.f32 v9, v18;
	v5 =	vadd.f32 v5, v37  }
0xaf: {  	v36 =	vmul.f32 v19, v10;
	v30 =	vadd.f32 v13, v62;
	v13 =	vadd.f32 v31, v32  }
0xb0: {  	[tilespmem:v2+s10+$0x0 ss:$0x1] =	vst.idx.msk $0xffff, v14;
	v14 =	vadd.f32 v56, v57;
	v38 =	vmul.f32 v4, v18  }
0xb1: {  	v39 =	vmul.f32 v12, v16;
	v5 =	vadd.f32 v5, v40;
	v13 =	vadd.f32 v13, v36  }
0xb2: {  	v35 =	vadd.f32 v14, v28;
	v42 =	vmul.f32 v3, v18;
	v7 =	vadd.f32 v30, v33  }
0xb3: {  	v3 =	vmul.f32 v3, v22;
	v5 =	vadd.f32 v5, v43;
	v41 =	vadd.f32 v13, v39  }
0xb4: {  	v9 =	vmul.f32 v9, v22;
	v8 =	vadd.f32 v35, v11;
	v7 =	vadd.f32 v7, v38  }
0xb5: {  	v4 =	vmul.f32 v4, v22;
	v3 =	vadd.f32 v5, v3;
	v10 =	vadd.f32 v41, v42  }
0xb6: {  	[tilespmem:v2+s0+$0x0 ss:$0x1] =	vst.idx.msk $0xffff, v8;
	v7 =	vadd.f32 v7, v9  }
0xb7: {  	[tilespmem:v2+s30+$0x0 ss:$0x1] =	vst.idx.msk $0xffff, v3;
	v4 =	vadd.f32 v10, v4  }
0xb8: {  	[tilespmem:v2+s4+$0x0 ss:$0x1] =	vst.idx.msk $0xffff, v7  }
0xb9: {  	s8 =	sor.u32 $0x20, s29;
	[tilespmem:v2+s31+$0x0 ss:$0x1] =	vst.idx.msk $0xffff, v4  }
0xba: {  	s7 =	sor.u32 $0x60, s29;
	v5 =	vld.idx.msk [tilespmem:v0+s8+$0x0 ss:$0x1], $0xffff  }
0xbb: {  	s10 =	sor.u32 $0x420, s29;
	v6 =	vld.idx.msk [tilespmem:v0+s7+$0x0 ss:$0x1], $0xffff  }
0xbc: {  	v7 =	vld.idx.msk [tilespmem:v0+s10+$0x0 ss:$0x1], $0xffff  }
0xbd: {  	s30 =	sor.u32 $0xC60, s29;
	v3 =	vld.idx.msk [tilespmem:v1+s8+$0x0 ss:$0x1], $0xffff  }
0xbe: {  	s5 =	sor.u32 $0x460, s29;
	v4 =	vld.idx.msk [tilespmem:v1+s30+$0x0 ss:$0x1], $0xffff  }
0xbf: {  	s31 =	sor.u32 $0xC20, s29;
	v8 =	vld.idx.msk [tilespmem:v0+s5+$0x0 ss:$0x1], $0xffff  }
0xc0: {  	s0 =	sor.u32 $0x820, s29;
	v9 =	vld.idx.msk [tilespmem:v1+s31+$0x0 ss:$0x1], $0xffff  }
0xc1: {  	s4 =	sor.u32 $0x860, s29;
	v10 =	vld.idx.msk [tilespmem:v0+s0+$0x0 ss:$0x1], $0xffff  }
0xc2: {  	v11 =	vld.idx.msk [tilespmem:v1+s4+$0x0 ss:$0x1], $0xffff  }
0xc3: {  	v12 =	vld.idx.msk [tilespmem:v1+s7+$0x0 ss:$0x1], $0xffff  }
0xc4: {  	v15 =	vld.idx.msk [tilespmem:v1+s0+$0x0 ss:$0x1], $0xffff  }
0xc5: {  	v16 =	vld.idx.msk [tilespmem:v0+s4+$0x0 ss:$0x1], $0xffff  }
0xc6: {  	v17 =	vld.idx.msk [tilespmem:v1+s5+$0x0 ss:$0x1], $0xffff  }
0xc7: {  	v18 =	vld.idx.msk [tilespmem:v0+s31+$0x0 ss:$0x1], $0xffff  }
0xc8: {  	v19 =	vld.idx.msk [tilespmem:v1+s10+$0x0 ss:$0x1], $0xffff;
	v44 =	vmul.f32 v3, v5  }
0xc9: {  	v45 =	vmul.f32 v4, v6;
	v46 =	vmul.f32 v9, v7  }
0xca: {  	v22 =	vld.idx.msk [tilespmem:v0+s30+$0x0 ss:$0x1], $0xffff;
	v47 =	vmul.f32 v11, v8;
	v48 =	vmul.f32 v12, v5  }
0xcb: {  	v49 =	vmul.f32 v3, v6;
	v50 =	vmul.f32 v15, v10  }
0xcc: {  	v51 =	vmul.f32 v4, v7;
	v52 =	vmul.f32 v17, v16  }
0xcd: {  	v53 =	vmul.f32 v9, v8;
	v54 =	vmul.f32 v19, v18  }
0xce: {  	v55 =	vmul.f32 v11, v10;
	v56 =	vmul.f32 v19, v5  }
0xcf: {  	v57 =	vmul.f32 v12, v6;
	v58 =	vmul.f32 v12, v22  }
0xd0: {  	v59 =	vmul.f32 v15, v16;
	v60 =	vmul.f32 v17, v18  }
0xd1: {  	v61 =	vmul.f32 v3, v7;
	v62 =	vmul.f32 v17, v5  }
0xd2: {  	v63 =	vmul.f32 v19, v6;
	v28 =	vmul.f32 v4, v8  }
0xd3: {  	v29 =	vmul.f32 v12, v7;
	v30 =	vmul.f32 v19, v22  }
0xd4: {  	v31 =	vmul.f32 v9, v10;
	v33 =	vmul.f32 v3, v8  }
0xd5: {  	v34 =	vmul.f32 v11, v16;
	v35 =	vmul.f32 v15, v18;
	v13 =	vadd.f32 v45, v44  }
0xd6: {  	v36 =	vmul.f32 v4, v10;
	v37 =	vmul.f32 v15, v5  }
0xd7: {  	v38 =	vmul.f32 v17, v6;
	v39 =	vmul.f32 v9, v16;
	v13 =	vadd.f32 v13, v46  }
0xd8: {  	v41 =	vmul.f32 v19, v7;
	v42 =	vmul.f32 v17, v22  }
0xd9: {  	v43 =	vmul.f32 v11, v18;
	v23 =	vmul.f32 v15, v8;
	v13 =	vadd.f32 v13, v47  }
0xda: {  	v26 =	vmul.f32 v19, v10;
	v20 =	vadd.f32 v48, v49;
	v14 =	vadd.f32 v56, v57  }
0xdb: {  	v27 =	vmul.f32 v17, v10;
	v21 =	vadd.f32 v62, v63;
	v13 =	vadd.f32 v13, v50  }
0xdc: {  	v40 =	vadd.f32 v37, v38;
	v44 =	vmul.f32 v15, v22;
	v45 =	vmul.f32 v12, v8  }
0xdd: {  	v48 =	vmul.f32 v3, v10;
	v20 =	vadd.f32 v51, v20;
	v13 =	vadd.f32 v13, v52  }
0xde: {  	v49 =	vmul.f32 v17, v7;
	v56 =	vmul.f32 v12, v10;
	v14 =	vadd.f32 v14, v61  }
0xdf: {  	v57 =	vmul.f32 v15, v7;
	v20 =	vadd.f32 v20, v53;
	v13 =	vadd.f32 v13, v54  }
0xe0: {  	v62 =	vmul.f32 v17, v8;
	v32 =	vadd.f32 v21, v29;
	v21 =	vadd.f32 v40, v41  }
0xe1: {  	v63 =	vmul.f32 v3, v16;
	v20 =	vadd.f32 v20, v55;
	v13 =	vadd.f32 v13, v58  }
0xe2: {  	v46 =	vmul.f32 v11, v5;
	v14 =	vadd.f32 v28, v14;
	v47 =	vmul.f32 v15, v6  }
0xe3: {  	v20 =	vadd.f32 v20, v59;
	[tilespmem:v2+s8+$0x0 ss:$0x1] =	vst.idx.msk $0xffff, v13;
	v13 =	vadd.f32 v32, v33  }
0xe4: {  	v21 =	vadd.f32 v21, v45;
	v14 =	vadd.f32 v14, v31;
	v55 =	vmul.f32 v11, v6  }
0xe5: {  	v6 =	vmul.f32 v9, v6;
	v20 =	vadd.f32 v20, v60;
	v13 =	vadd.f32 v36, v13  }
0xe6: {  	v50 =	vadd.f32 v21, v48;
	v54 =	vmul.f32 v9, v5;
	v5 =	vmul.f32 v4, v5  }
0xe7: {  	v51 =	vmul.f32 v4, v16;
	v20 =	vadd.f32 v20, v30;
	v13 =	vadd.f32 v13, v39  }
0xe8: {  	v14 =	vadd.f32 v14, v34;
	v59 =	vmul.f32 v11, v7;
	v5 =	vadd.f32 v5, v6  }
0xe9: {  	[tilespmem:v2+s7+$0x0 ss:$0x1] =	vst.idx.msk $0xffff, v20;
	v20 =	vadd.f32 v46, v47;
	v13 =	vadd.f32 v13, v43  }
0xea: {  	v29 =	vmul.f32 v12, v16;
	v21 =	vadd.f32 v54, v55;
	v5 =	vadd.f32 v5, v59  }
0xeb: {  	v53 =	vmul.f32 v19, v8;
	v52 =	vadd.f32 v20, v49;
	v13 =	vadd.f32 v13, v44  }
0xec: {  	v28 =	vmul.f32 v4, v18;
	v14 =	vadd.f32 v14, v35;
	v5 =	vadd.f32 v5, v23  }
0xed: {  	v61 =	vadd.f32 v21, v57;
	[tilespmem:v2+s5+$0x0 ss:$0x1] =	vst.idx.msk $0xffff, v13;
	v13 =	vadd.f32 v52, v53  }
0xee: {  	v11 =	vmul.f32 v11, v22;
	v14 =	vadd.f32 v14, v42;
	v5 =	vadd.f32 v5, v27  }
0xef: {  	v30 =	vmul.f32 v19, v16;
	v60 =	vadd.f32 v13, v56;
	v13 =	vadd.f32 v61, v62  }
0xf0: {  	v58 =	vmul.f32 v9, v18;
	[tilespmem:v2+s10+$0x0 ss:$0x1] =	vst.idx.msk $0xffff, v14;
	v14 =	vadd.f32 v50, v51  }
0xf1: {  	v33 =	vmul.f32 v12, v18;
	v5 =	vadd.f32 v5, v30;
	v13 =	vadd.f32 v13, v26  }
0xf2: {  	v32 =	vmul.f32 v3, v18;
	v25 =	vadd.f32 v14, v58;
	v7 =	vadd.f32 v60, v63  }
0xf3: {  	v3 =	vmul.f32 v3, v22;
	v5 =	vadd.f32 v5, v33;
	v31 =	vadd.f32 v13, v29  }
0xf4: {  	v9 =	vmul.f32 v9, v22;
	v8 =	vadd.f32 v25, v11;
	v7 =	vadd.f32 v7, v28  }
0xf5: {  	v4 =	vmul.f32 v4, v22;
	v3 =	vadd.f32 v5, v3;
	v10 =	vadd.f32 v31, v32  }
0xf6: {  	[tilespmem:v2+s0+$0x0 ss:$0x1] =	vst.idx.msk $0xffff, v8;
	v7 =	vadd.f32 v7, v9  }
0xf7: {  	[tilespmem:v2+s30+$0x0 ss:$0x1] =	vst.idx.msk $0xffff, v3;
	v4 =	vadd.f32 v10, v4  }
0xf8: {  	[tilespmem:v2+s4+$0x0 ss:$0x1] =	vst.idx.msk $0xffff, v7  }
0xf9: {  	s7 =	sor.u32 $0x30, s29;
	[tilespmem:v2+s31+$0x0 ss:$0x1] =	vst.idx.msk $0xffff, v4  }
0xfa: {  	s5 =	sor.u32 $0x70, s29;
	v5 =	vld.idx.msk [tilespmem:v0+s7+$0x0 ss:$0x1], $0xffff  }
0xfb: {  	s10 =	sor.u32 $0x430, s29;
	v6 =	vld.idx.msk [tilespmem:v0+s5+$0x0 ss:$0x1], $0xffff  }
0xfc: {  	v7 =	vld.idx.msk [tilespmem:v0+s10+$0x0 ss:$0x1], $0xffff  }
0xfd: {  	s30 =	sor.u32 $0xC70, s29;
	v3 =	vld.idx.msk [tilespmem:v1+s7+$0x0 ss:$0x1], $0xffff  }
0xfe: {  	s0 =	sor.u32 $0x470, s29;
	v4 =	vld.idx.msk [tilespmem:v1+s30+$0x0 ss:$0x1], $0xffff  }
0xff: {  	s31 =	sor.u32 $0xC30, s29;
	v8 =	vld.idx.msk [tilespmem:v0+s0+$0x0 ss:$0x1], $0xffff  }
0x100: {  	s4 =	sor.u32 $0x830, s29;
	v9 =	vld.idx.msk [tilespmem:v1+s31+$0x0 ss:$0x1], $0xffff  }
0x101: {  	s29 =	sor.u32 $0x870, s29;
	v10 =	vld.idx.msk [tilespmem:v0+s4+$0x0 ss:$0x1], $0xffff  }
0x102: {  	v11 =	vld.idx.msk [tilespmem:v1+s29+$0x0 ss:$0x1], $0xffff  }
0x103: {  	v12 =	vld.idx.msk [tilespmem:v1+s5+$0x0 ss:$0x1], $0xffff  }
0x104: {  	v15 =	vld.idx.msk [tilespmem:v1+s4+$0x0 ss:$0x1], $0xffff  }
0x105: {  	v16 =	vld.idx.msk [tilespmem:v0+s29+$0x0 ss:$0x1], $0xffff  }
0x106: {  	v17 =	vld.idx.msk [tilespmem:v1+s0+$0x0 ss:$0x1], $0xffff  }
0x107: {  	v18 =	vld.idx.msk [tilespmem:v0+s31+$0x0 ss:$0x1], $0xffff  }
0x108: {  	v19 =	vld.idx.msk [tilespmem:v1+s10+$0x0 ss:$0x1], $0xffff;
	v34 =	vmul.f32 v3, v5;
	v35 =	vmul.f32 v4, v6  }
0x109: {  	v36 =	vmul.f32 v9, v7;
	v37 =	vmul.f32 v11, v8  }
0x10a: {  	v38 =	vmul.f32 v12, v5;
	v39 =	vmul.f32 v3, v6  }
0x10b: {  	v40 =	vmul.f32 v15, v10;
	v41 =	vmul.f32 v4, v7  }
0x10c: {  	v22 =	vld.idx.msk [tilespmem:v0+s30+$0x0 ss:$0x1], $0xffff;
	v42 =	vmul.f32 v17, v16;
	v43 =	vmul.f32 v9, v8  }
0x10d: {  	v44 =	vmul.f32 v19, v18;
	v45 =	vmul.f32 v11, v10  }
0x10e: {  	v46 =	vmul.f32 v19, v5;
	v47 =	vmul.f32 v12, v6  }
0x10f: {  	v48 =	vmul.f32 v17, v5;
	v49 =	vmul.f32 v19, v6  }
0x110: {  	v50 =	vmul.f32 v15, v16;
	v51 =	vmul.f32 v3, v7  }
0x111: {  	v52 =	vmul.f32 v12, v22;
	v53 =	vmul.f32 v12, v7  }
0x112: {  	v54 =	vmul.f32 v4, v8;
	v55 =	vmul.f32 v17, v18  }
0x113: {  	v56 =	vmul.f32 v3, v8;
	v57 =	vmul.f32 v9, v10  }
0x114: {  	v58 =	vmul.f32 v4, v10;
	v59 =	vmul.f32 v19, v22  }
0x115: {  	v60 =	vmul.f32 v11, v16;
	v62 =	vmul.f32 v9, v16  }
0x116: {  	v63 =	vmul.f32 v15, v18;
	v28 =	vmul.f32 v17, v22  }
0x117: {  	v29 =	vmul.f32 v11, v18;
	v30 =	vmul.f32 v15, v5  }
0x118: {  	v31 =	vmul.f32 v17, v6;
	v13 =	vadd.f32 v35, v34;
	v20 =	vadd.f32 v38, v39  }
0x119: {  	v32 =	vmul.f32 v15, v22;
	v14 =	vadd.f32 v46, v47;
	v21 =	vadd.f32 v48, v49  }
0x11a: {  	v33 =	vadd.f32 v30, v31;
	v34 =	vmul.f32 v19, v7;
	v35 =	vmul.f32 v11, v5  }
0x11b: {  	v38 =	vmul.f32 v12, v8;
	v46 =	vmul.f32 v11, v6;
	v13 =	vadd.f32 v13, v36  }
0x11c: {  	v48 =	vmul.f32 v15, v7;
	v49 =	vmul.f32 v11, v7;
	v20 =	vadd.f32 v41, v20  }
0x11d: {  	v11 =	vmul.f32 v11, v22;
	v14 =	vadd.f32 v14, v51;
	v13 =	vadd.f32 v13, v37  }
0x11e: {  	v21 =	vadd.f32 v21, v53;
	v36 =	vmul.f32 v15, v6;
	v41 =	vmul.f32 v3, v10  }
0x11f: {  	v6 =	vmul.f32 v9, v6;
	v20 =	vadd.f32 v20, v43;
	v13 =	vadd.f32 v13, v40  }
0x120: {  	v51 =	vmul.f32 v17, v8;
	v14 =	vadd.f32 v54, v14;
	v21 =	vadd.f32 v21, v56  }
0x121: {  	v53 =	vmul.f32 v3, v16;
	v37 =	vadd.f32 v33, v34;
	v13 =	vadd.f32 v13, v42  }
0x122: {  	v39 =	vadd.f32 v35, v36;
	v43 =	vmul.f32 v19, v8;
	v20 =	vadd.f32 v20, v45  }
0x123: {  	v56 =	vmul.f32 v17, v10;
	v14 =	vadd.f32 v14, v57;
	v13 =	vadd.f32 v13, v44  }
0x124: {  	v61 =	vadd.f32 v58, v21;
	v40 =	vmul.f32 v17, v7;
	v45 =	vmul.f32 v9, v5  }
0x125: {  	v5 =	vmul.f32 v4, v5;
	v20 =	vadd.f32 v20, v50;
	v13 =	vadd.f32 v13, v52  }
0x126: {  	v57 =	vmul.f32 v4, v18;
	v14 =	vadd.f32 v14, v60;
	v47 =	vadd.f32 v45, v46  }
0x127: {  	v20 =	vadd.f32 v20, v55;
	[tilespmem:v2+s7+$0x0 ss:$0x1] =	vst.idx.msk $0xffff, v13;
	v13 =	vadd.f32 v61, v62  }
0x128: {  	v42 =	vmul.f32 v4, v16;
	v5 =	vadd.f32 v5, v6;
	v14 =	vadd.f32 v14, v63  }
0x129: {  	v50 =	vmul.f32 v9, v18;
	v20 =	vadd.f32 v20, v59;
	v13 =	vadd.f32 v13, v29  }
0x12a: {  	v60 =	vmul.f32 v19, v16;
	v5 =	vadd.f32 v5, v49;
	v14 =	vadd.f32 v14, v28  }
0x12b: {  	v52 =	vmul.f32 v15, v8;
	[tilespmem:v2+s5+$0x0 ss:$0x1] =	vst.idx.msk $0xffff, v20;
	v13 =	vadd.f32 v13, v32  }
0x12c: {  	[tilespmem:v2+s10+$0x0 ss:$0x1] =	vst.idx.msk $0xffff, v14;
	v14 =	vadd.f32 v37, v38;
	v20 =	vadd.f32 v47, v48  }
0x12d: {  	v5 =	vadd.f32 v5, v52;
	[tilespmem:v2+s0+$0x0 ss:$0x1] =	vst.idx.msk $0xffff, v13;
	v13 =	vadd.f32 v39, v40  }
0x12e: {  	v55 =	vmul.f32 v19, v10;
	v14 =	vadd.f32 v14, v41;
	v54 =	vadd.f32 v20, v51  }
0x12f: {  	v44 =	vmul.f32 v12, v10;
	v5 =	vadd.f32 v5, v56;
	v13 =	vadd.f32 v13, v43  }
0x130: {  	v59 =	vmul.f32 v12, v16;
	v14 =	vadd.f32 v14, v42;
	v58 =	vadd.f32 v54, v55  }
0x131: {  	v63 =	vmul.f32 v12, v18;
	v5 =	vadd.f32 v5, v60;
	v13 =	vadd.f32 v13, v44  }
0x132: {  	v62 =	vmul.f32 v3, v18;
	v7 =	vadd.f32 v14, v50;
	v61 =	vadd.f32 v58, v59  }
0x133: {  	v3 =	vmul.f32 v3, v22;
	v5 =	vadd.f32 v5, v63;
	v8 =	vadd.f32 v13, v53  }
0x134: {  	p2 =	sne.s32 s28, $0x1E00;
	v4 =	vmul.f32 v4, v22;
	v7 =	vadd.f32 v7, v11;
	v10 =	vadd.f32 v61, v62  }
.Ltmp2:
0x135: {  	v9 =	vmul.f32 v9, v22;
	v3 =	vadd.f32 v5, v3;
	v8 =	vadd.f32 v8, v57;
	(pc) =	sbr.rel @p2 .LBB2_3-.Ltmp2, $4  }
0x136: {  	[tilespmem:v2+s4+$0x0 ss:$0x1] =	vst.idx.msk $0xffff, v7;
	v4 =	vadd.f32 v10, v4  }
0x137: {  	[tilespmem:v2+s30+$0x0 ss:$0x1] =	vst.idx.msk $0xffff, v3;
	v8 =	vadd.f32 v8, v9  }
0x138: {  	[tilespmem:v2+s31+$0x0 ss:$0x1] =	vst.idx.msk $0xffff, v4  }
0x139: {  	s26 =	sadd.s32 $0x80, s26;
	s28 =	sadd.s32 $0x200, s28;
	[tilespmem:v2+s29+$0x0 ss:$0x1] =	vst.idx.msk $0xffff, v8  }
0x13a: {  	p2 =	seq.s32 s21, s20;
	p1 =	por !p1, !p1  }
0x13b: {  	p1 =	por !p1, !p2  }
0x13c: {  	p1 =	por !p1, !p1  }
0x13d: {  	p0 =	por p1, p0  }
.Ltmp3:
0x13e: {  	_ =	strace $0x9000004D;
	s0 =	sshll.u32 @!p1 s23, $0xA;
	(pc) =	sbr.rel @!p0 .LBB2_6-.Ltmp3, $4  }
0x13f: {  	_ =	strace @!p1 $0x8000004E;
	s0 =	sand.u32 @!p1 $0x1FFFFC00, s0  }
0x140: {  	s4 =	sadd.s32 @!p1 $0x5, s24;
	s5 =	simm.s32 @!p1 $0x0;
	s0 =	sadd.s32 @!p1 s3, s0  }
0x141: {  	[hbm4b:s0+s5] =	stream.linear.scatter @!p1 [tilespmem:s25], [sflag:s4], $0x2000, $0x200038;
	[tilespmem:$0xC000] =	vst v63  }
0x142: {  	_ =	strace @!p1 $0x9000004E  }
.Ltmp4:
0x143: {  	s0 =	sadd.s32 @!p1 $0x1, s19;
	(pc) =	sbr.rel .LBB2_2-.Ltmp4, $4  }
0x144: {  	s4 =	simm.s32 @!p1 $0x1;
	s16 =	sadd.s32 s16, s22;
	s14 =	sadd.s32 s18, s14  }
0x145: {  	s18 =	simm.s32 $0x1;
	p0 =	por $0x0, $0x0;
	s21 =	smov.u32 s20  }
0x146: {  	s4 =	simm.s32 @p1 $0x0;
	s0 =	smov.u32 @p1 s19;
	p1 =	por $0x1, $0x1  }
0x147: {  	s17 =	sadd.s32 s4, s17;
	s15 =	sadd.s32 s4, s15;
	s19 =	smov.u32 s0  }
.LBB2_7:
0x148: {  	_ =	sfence.sel $0x180000  }
0x149: {  	[bflag:$0x0] =	sbarrier.arrive $0xFFFF  }
0x14a: {  	_ =	strace $0x90000047  }
0x14b: {  	s0 =	stileid.u32;
	[bflag:$0x2] =	sbarrier.arrive $0xFFFF  }
0x14c: {  	p0 =	sne.s32 s0, $0x0;
	s0 =	rddreg [dreg:$0x3]  }
0x14d: {  	s0 =	sadd.s32 @!p0 $0x100000, s0  }
0x14e: {  	[sflag:s0] =	ssyncadd.tile.s32 @!p0 $0x1;
	_ =	shalt  }
.Lfunc_end2:
_tile_overlayer_lowered:
.L_overlay_start_2:
0x14f: {  	(tag) =	ssettag $0x2  }
0x150: {  	s0 =	rddreg [dreg:$0x0];
	s2 =	stileid.u32  }
0x151: {  	s1 =	rddreg [dreg:$0x1];
	p0 =	sne.s32 s2, $0x0  }
0x152: {  	s3 =	rddreg [dreg:$0x2];
	[bflag:$0x3] =	sbarrier.arrive $0xFFFF;
	s2 =	simm.s32 @!p0 $0x1C01  }
0x153: {  	[timem:s3], [sflag:s2] =	dma.local @!p0 [hbm:s0], s1  }
0x154: {  	s0 =	simm.s32 @!p0 $0x1  }
0x155: {  	_ =	swait.ge @!p0 [sflag:s0], s1  }
0x156: {  	s1 =	ssub.s32 @!p0 $0x0, s1;
	[sflag:s0] =	ssyncset.done @!p0 $0x0  }
0x157: {  	[sflag:s0] =	ssyncadd.s32 @!p0 s1  }
0x158: {  	[bflag:$0x3] =	sbarrier.arrive $0xFFFF  }
0x159: {  	_ =	shalt  }

</sc_bundles>
